<compile_context>
chip_gen: v7x
topology: tpu7x:2x2x1
jax: 0.10.2.dev20260603
libtpu: 0.0.44.dev20260713+nightly
codegen_flags: <defaults>
</compile_context>

<pallas_src>
import functools

import jax
import jax.numpy as jnp
from jax import lax
from jax.experimental import pallas as pl
from jax.experimental.pallas import tpu as pltpu
from jax.experimental.pallas import tpu_sc as plsc

NC = 2
NS = 16
NW = NC * NS
LANES = 16
CHUNK = 128


def _mesh():
    return plsc.VectorSubcoreMesh(
        core_axis_name="c", subcore_axis_name="s", num_cores=NC, num_subcores=NS
    )


def _sc_prep(x_r, batch_r, dst_r, table, *, n_pad, pb, d, ech, nch):
    deg_seg = n_pad // NS

    def body(x_ref, b_ref, dst_ref, tab_ref,
             h0_ref, degp_ref, cntp_ref,
             xv, bv, dstv, rows, deg_l, cnt_l, red, accv, deg_stage, sem):
        cid = lax.axis_index("c")
        sid = lax.axis_index("s")
        wid = sid * NC + cid
        pltpu.sync_copy(x_ref.at[wid], xv)
        pltpu.sync_copy(b_ref.at[wid], bv)
        pltpu.sync_copy(dst_ref.at[wid], dstv)
        o16 = jnp.ones((LANES,), jnp.float32)
        z16 = jnp.zeros((LANES,), jnp.float32)

        def zloop(i, carry):
            deg_l[pl.ds(i * LANES, LANES)] = z16
            return carry

        lax.fori_loop(0, n_pad // LANES, zloop, 0)
        for i in range(pb // LANES):
            cnt_l[pl.ds(i * LANES, LANES)] = z16

        def deg_step(j, carry):
            for k in range(CHUNK // LANES):
                plsc.addupdate_scatter(deg_l, [dstv[j, pl.ds(k * LANES, LANES)]], o16)
            return carry

        lax.fori_loop(0, ech, deg_step, 0)
        for i in range(nch):
            for k in range(CHUNK // LANES):
                plsc.addupdate_scatter(cnt_l, [bv[i, pl.ds(k * LANES, LANES)]], o16)
        for i in range(nch):
            pltpu.async_copy(tab_ref.at[xv.at[i]], rows, sem).wait()
            pltpu.sync_copy(rows, h0_ref.at[pl.ds(wid * nch * CHUNK + i * CHUNK, CHUNK)])
        pltpu.sync_copy(deg_l, deg_stage.at[sid])
        plsc.subcore_barrier()
        pltpu.sync_copy(deg_stage.at[:, pl.ds(sid * deg_seg, deg_seg)], red)

        def radd(i, carry):
            a = red[0, pl.ds(i * LANES, LANES)]
            for s in range(1, NS):
                a = a + red[s, pl.ds(i * LANES, LANES)]
            accv[pl.ds(i * LANES, LANES)] = a
            return carry

        lax.fori_loop(0, deg_seg // LANES, radd, 0)
        pltpu.sync_copy(accv, degp_ref.at[cid, pl.ds(sid * deg_seg, deg_seg)])
        pltpu.sync_copy(cnt_l, cntp_ref.at[wid])

    f = pl.kernel(
        body,
        out_type=(
            jax.ShapeDtypeStruct((n_pad, d), jnp.float32),
            jax.ShapeDtypeStruct((NC, n_pad), jnp.float32),
            jax.ShapeDtypeStruct((NW, pb), jnp.float32),
        ),
        mesh=_mesh(),
        compiler_params=pltpu.CompilerParams(needs_layout_passes=False),
        scratch_types=(
            pltpu.VMEM((nch, CHUNK), jnp.int32),
            pltpu.VMEM((nch, CHUNK), jnp.int32),
            pltpu.VMEM((ech, CHUNK), jnp.int32),
            pltpu.VMEM((CHUNK, d), jnp.float32),
            pltpu.VMEM((n_pad,), jnp.float32),
            pltpu.VMEM((pb,), jnp.float32),
            pltpu.VMEM((NS, n_pad // NS), jnp.float32),
            pltpu.VMEM((n_pad // NS,), jnp.float32),
            pltpu.MemorySpace.VMEM_SHARED((NS, n_pad), jnp.float32),
            pltpu.SemaphoreType.DMA,
        ),
    )
    return f(x_r, batch_r, dst_r, table)


def _sc_propagate(hs, src_r, dst_r, zeros2d, *, agg_r, d, ech):
    rpt = agg_r // NS

    def body(hs_ref, src_ref, dst_ref, z_ref, p_ref,
             srcv, dstv, rows, agg_s, sem):
        cid = lax.axis_index("c")
        sid = lax.axis_index("s")
        wid = sid * NC + cid
        pltpu.sync_copy(src_ref.at[wid], srcv)
        pltpu.sync_copy(dst_ref.at[wid], dstv)
        pltpu.sync_copy(z_ref, agg_s.at[pl.ds(sid * rpt, rpt)])
        plsc.subcore_barrier()

        def step(j, carry):
            pltpu.async_copy(hs_ref.at[srcv.at[j]], rows, sem).wait()
            pltpu.sync_copy(rows, agg_s.at[dstv.at[j]], add=True)
            return carry

        lax.fori_loop(0, ech, step, 0)
        plsc.subcore_barrier()
        pltpu.sync_copy(agg_s.at[pl.ds(sid * rpt, rpt)],
                        p_ref.at[cid, pl.ds(sid * rpt, rpt)])

    f = pl.kernel(
        body,
        out_type=jax.ShapeDtypeStruct((NC, agg_r, d), jnp.float32),
        mesh=_mesh(),
        scratch_types=(
            pltpu.VMEM((ech, CHUNK), jnp.int32),
            pltpu.VMEM((ech, CHUNK), jnp.int32),
            pltpu.VMEM((CHUNK, d), jnp.float32),
            pltpu.MemorySpace.VMEM_SHARED((agg_r, d), jnp.float32),
            pltpu.SemaphoreType.DMA,
        ),
    )
    return f(hs, src_r, dst_r, zeros2d)


def _sc_pool(h2, batch_r, zeros2d, *, pb, d, nch):
    ppt = pb // NS

    def body(h_ref, b_ref, z_ref, pp_ref, bv, rows, pool_s):
        cid = lax.axis_index("c")
        sid = lax.axis_index("s")
        wid = sid * NC + cid
        pltpu.sync_copy(b_ref.at[wid], bv)
        pltpu.sync_copy(z_ref.at[pl.ds(0, ppt)], pool_s.at[pl.ds(sid * ppt, ppt)])
        plsc.subcore_barrier()
        for i in range(nch):
            pltpu.sync_copy(h_ref.at[pl.ds(wid * nch * CHUNK + i * CHUNK, CHUNK)], rows)
            pltpu.sync_copy(rows, pool_s.at[bv.at[i]], add=True)
        plsc.subcore_barrier()
        pltpu.sync_copy(pool_s.at[pl.ds(sid * ppt, ppt)],
                        pp_ref.at[cid, pl.ds(sid * ppt, ppt)])

    f = pl.kernel(
        body,
        out_type=jax.ShapeDtypeStruct((NC, pb, d), jnp.float32),
        mesh=_mesh(),
        scratch_types=(
            pltpu.VMEM((nch, CHUNK), jnp.int32),
            pltpu.VMEM((CHUNK, d), jnp.float32),
            pltpu.MemorySpace.VMEM_SHARED((pb, d), jnp.float32),
        ),
    )
    return f(h2, batch_r, zeros2d)


def _tc_prep(degp_c, h0, *, n, n_pad, d):
    def body(degp_ref, h0_ref, dis_ref, hs0_ref):
        deg = degp_ref[0] + degp_ref[1]
        rid = lax.broadcasted_iota(jnp.int32, (n_pad, 1), 0)
        dis = jnp.where(rid < n, lax.rsqrt(jnp.maximum(deg, 1.0)), 0.0)
        dis_ref[...] = dis
        hs0_ref[...] = h0_ref[...] * dis

    return pl.pallas_call(
        body,
        out_shape=(
            jax.ShapeDtypeStruct((n_pad, 1), jnp.float32),
            jax.ShapeDtypeStruct((n_pad, d), jnp.float32),
        ),
        compiler_params=pltpu.CompilerParams(vmem_limit_bytes=128 * 1024 * 1024),
    )(degp_c, h0)


def _tc_layer(p, dis, W, b, *, n, n_pad, agg_r, d, want_hs):
    def body(p_ref, dis_ref, W_ref, b_ref, *out_refs):
        dis_a = dis_ref[...]
        agg = (p_ref[0] + p_ref[1]) * dis_a[:agg_r]
        z = jnp.dot(agg, W_ref[...], preferred_element_type=jnp.float32,
                    precision=lax.Precision.HIGHEST) + b_ref[...]
        rid = lax.broadcasted_iota(jnp.int32, (agg_r, 1), 0)
        h = jnp.where(rid < n, jnp.maximum(z, 0.0), 0.0)
        tail = jnp.zeros((n_pad - agg_r, d), jnp.float32)
        out_refs[0][:agg_r] = h
        out_refs[0][agg_r:] = tail
        if want_hs:
            out_refs[1][:agg_r] = h * dis_a[:agg_r]
            out_refs[1][agg_r:] = tail

    shapes = [jax.ShapeDtypeStruct((n_pad, d), jnp.float32)]
    if want_hs:
        shapes.append(jax.ShapeDtypeStruct((n_pad, d), jnp.float32))
    return pl.pallas_call(
        body,
        out_shape=tuple(shapes),
        compiler_params=pltpu.CompilerParams(vmem_limit_bytes=128 * 1024 * 1024),
    )(p, dis, W, b)


def _tc_head(pp, cntp_c, global_f, Wl, bl, *, b_graphs, pb, d, g, l):
    def body(pp_ref, cnt_ref, gf_ref, Wl_ref, bl_ref, out_ref):
        pooled_sum = pp_ref[0, :b_graphs] + pp_ref[1, :b_graphs]
        cnt = jnp.sum(cnt_ref[...], axis=0)[:b_graphs]
        pooled = pooled_sum / jnp.maximum(cnt, 1.0)
        Wl_a = Wl_ref[...]
        out = (jnp.dot(pooled, Wl_a[:d], preferred_element_type=jnp.float32,
                       precision=lax.Precision.HIGHEST)
               + jnp.dot(gf_ref[...], Wl_a[d:], preferred_element_type=jnp.float32,
                         precision=lax.Precision.HIGHEST)
               + bl_ref[...])
        out_ref[...] = out

    return pl.pallas_call(
        body,
        out_shape=jax.ShapeDtypeStruct((b_graphs, l), jnp.float32),
        compiler_params=pltpu.CompilerParams(vmem_limit_bytes=128 * 1024 * 1024),
    )(pp, cntp_c, global_f, Wl, bl)


def kernel(x, batch, global_f, edge_index, molecule_embedding, W1, b1, W2, b2, Wl, bl):
    n = x.shape[0]
    e = edge_index.shape[1]
    d = molecule_embedding.shape[1]
    b_graphs = global_f.shape[0]
    g = global_f.shape[1]
    l = Wl.shape[1]

    nch = -(-n // (NW * CHUNK))
    n_pad = NW * nch * CHUNK
    ept = -(-e // NW)
    ech = -(-ept // CHUNK)
    e_t = ech * CHUNK
    agg_r = -(-(n + 1) // (8 * NS)) * 8 * NS
    pb = (-(-(b_graphs + 1) // (8 * NS))) * 8 * NS
    rpt = agg_r // NS

    x32 = x.astype(jnp.int32)
    batch32 = batch.astype(jnp.int32)
    src = edge_index[0].astype(jnp.int32)
    dst = edge_index[1].astype(jnp.int32)

    x_r = jnp.pad(x32, (0, n_pad - n)).reshape(NW, nch, CHUNK)
    batch_r = jnp.pad(batch32, (0, n_pad - n), constant_values=b_graphs
                      ).reshape(NW, nch, CHUNK)
    src_r = jnp.pad(src.reshape(NW, ept), ((0, 0), (0, e_t - ept))
                    ).reshape(NW, ech, CHUNK)
    pad_dst = jnp.broadcast_to((n + jnp.arange(NW, dtype=jnp.int32) // NC)[:, None],
                               (NW, e_t - ept))
    dst_r = jnp.concatenate([dst.reshape(NW, ept), pad_dst], axis=1
                            ).reshape(NW, ech, CHUNK)
    zeros2d = jnp.zeros((rpt, d), jnp.float32)

    h0, degp, cntp = _sc_prep(x_r, batch_r, dst_r, molecule_embedding,
                              n_pad=n_pad, pb=pb, d=d, ech=ech, nch=nch)
    dis, hs0 = _tc_prep(degp.reshape(NC, n_pad, 1), h0, n=n, n_pad=n_pad, d=d)
    p1 = _sc_propagate(hs0, src_r, dst_r, zeros2d, agg_r=agg_r, d=d, ech=ech)
    h1, hs1 = _tc_layer(p1, dis, W1, b1, n=n, n_pad=n_pad, agg_r=agg_r, d=d,
                        want_hs=True)
    p2 = _sc_propagate(hs1, src_r, dst_r, zeros2d, agg_r=agg_r, d=d, ech=ech)
    (h2,) = _tc_layer(p2, dis, W2, b2, n=n, n_pad=n_pad, agg_r=agg_r, d=d,
                      want_hs=False)
    pp = _sc_pool(h2, batch_r, zeros2d, pb=pb, d=d, nch=nch)
    out = _tc_head(pp, cntp.reshape(NW, pb, 1), global_f, Wl, bl,
                   b_graphs=b_graphs, pb=pb, d=d, g=g, l=l)
    return out

# --- scband reference (transcript-rebuilt; emitter-appended) ---
"""Pipeline reference for scband-path-way-mlp-net-26061861552592 (READ-ONLY COPY).

The authoritative reference and input builder live on the scoring server;
editing this copy changes nothing except your own understanding.
"""

import jax, jax.numpy as jnp
import numpy as np

N = 10000   # nodes
E = 320000  # edges
D = 128     # node_dim (= hidden = output_dim per architecture[8])
B = 256     # graphs in batch
G = 200     # global_feature_dim
L = 2       # label_num
V = 10000   # embedding_dict_dim


def _glorot(key, shape):
    fan_in, fan_out = shape[0], shape[1]
    limit = jnp.sqrt(6.0 / (fan_in + fan_out))
    return jax.random.uniform(key, shape, dtype=jnp.float32, minval=-limit, maxval=limit)


def setup_inputs(seed: int = 0) -> dict:
    key = jax.random.key(seed)
    ks = jax.random.split(key, 12)
    x = jax.random.randint(ks[0], (N,), 0, V, dtype=jnp.int64 if jax.config.jax_enable_x64 else jnp.int32)
    batch = jnp.sort(jax.random.randint(ks[1], (N,), 0, B))
    global_f = jax.random.normal(ks[2], (B, G), dtype=jnp.float32)
    edge_index = jax.random.randint(ks[3], (2, E), 0, N)
    molecule_embedding = _glorot(ks[4], (V, D))
    W1 = _glorot(ks[5], (D, D))
    b1 = jnp.zeros((D,), dtype=jnp.float32)
    W2 = _glorot(ks[6], (D, D))
    b2 = jnp.zeros((D,), dtype=jnp.float32)
    Wl = _glorot(ks[7], (D + G, L))
    bl = jnp.zeros((L,), dtype=jnp.float32)
    return {"x": x, "batch": batch, "global_f": global_f, "edge_index": edge_index,
            "molecule_embedding": molecule_embedding, "W1": W1, "b1": b1,
            "W2": W2, "b2": b2, "Wl": Wl, "bl": bl}


def reference(x, batch, global_f, edge_index, molecule_embedding, W1, b1, W2, b2, Wl, bl):
    # x_feature = molecule_embedding[x]  (embedding gather)
    h = molecule_embedding[x]
    src = edge_index[0]
    dst = edge_index[1]
    # GCN symmetric normalization by in/out degree
    deg = jax.ops.segment_sum(jnp.ones((E,), dtype=jnp.float32), dst, num_segments=N)
    dis = jax.lax.rsqrt(jnp.maximum(deg, 1.0))

    def gcn_layer(h, W, b):
        m = h[src] * dis[src][:, None]
        agg = jax.ops.segment_sum(m, dst, num_segments=N) * dis[:, None]
        return agg @ W + b

    h = jax.nn.relu(gcn_layer(h, W1, b1))
    h = jax.nn.relu(gcn_layer(h, W2, b2))
    # global mean pooling over graphs in the batch
    cnt = jax.ops.segment_sum(jnp.ones((N,), dtype=jnp.float32), batch, num_segments=B)
    pooled = jax.ops.segment_sum(h, batch, num_segments=B) / jnp.maximum(cnt, 1.0)[:, None]
    combination_embedding = jnp.concatenate([pooled, global_f], axis=-1)
    output = combination_embedding @ Wl + bl
    return output

if __name__ == "__main__":
    import jax
    _d = setup_inputs()
    print(jax.jit(kernel)(*tuple(_d.values())))

</pallas_src>

<mosaic_0001>
#map = affine_map<(d0, d1) -> (0, 0, 0)>
#map1 = affine_map<(d0, d1) -> (0, 0)>
module attributes {stable_mosaic.version = 14 : i64} {
  func.func @body(%arg0: i32, %arg1: i32, %arg2: memref<32x3x128xi32, #tpu.memory_space<hbm>>, %arg3: memref<32x3x128xi32, #tpu.memory_space<hbm>>, %arg4: memref<32x79x128xi32, #tpu.memory_space<hbm>>, %arg5: memref<10000x128xf32, #tpu.memory_space<hbm>>, %arg6: memref<12288x128xf32, #tpu.memory_space<hbm>>, %arg7: memref<2x12288xf32, #tpu.memory_space<hbm>>, %arg8: memref<32x384xf32, #tpu.memory_space<hbm>>, %arg9: memref<3x128xi32, #tpu.memory_space<vmem>>, %arg10: memref<3x128xi32, #tpu.memory_space<vmem>>, %arg11: memref<79x128xi32, #tpu.memory_space<vmem>>, %arg12: memref<128x128xf32, #tpu.memory_space<vmem>>, %arg13: memref<12288xf32, #tpu.memory_space<vmem>>, %arg14: memref<384xf32, #tpu.memory_space<vmem>>, %arg15: memref<16x768xf32, #tpu.memory_space<vmem>>, %arg16: memref<768xf32, #tpu.memory_space<vmem>>, %arg17: memref<16x12288xf32, #tpu.memory_space<vmem_shared>>, %arg18: memref<!tpu.dma_semaphore, #tpu.memory_space<semaphore_mem>>) attributes {dimension_semantics = [#tpu.dimension_semantics<core_parallel>, #tpu.dimension_semantics<subcore_parallel>], iteration_bounds = array<i64: 2, 16>, scalar_prefetch = 0 : i64, scratch_operands = 10 : i64, tpu.core_type = #tpu.core_type<sc_vector_subcore>, window_params = [{transform_indices = #map}, {transform_indices = #map}, {transform_indices = #map}, {transform_indices = #map1}, {transform_indices = #map1}, {transform_indices = #map1}, {transform_indices = #map1}]} {
    %mul3A = arith.constant 2 : i32
    %mul3A_0 = arith.muli %arg1, %mul3A : i32
    %add3A = arith.addi %mul3A_0, %arg0 : i32
    "tpu.region"() ({
      %run_scoped3A = tpu.sem_alloc : memref<!tpu.dma_semaphore, #tpu.memory_space<semaphore_mem>>
      %dma_start3A_225 = arith.constant 0 : i32
      %dma_start3A_226 = arith.constant 0 : i32
      %dma_start3A_227 = tpu.memref_slice %arg2[%add3A, %dma_start3A_225, %dma_start3A_226] : memref<32x3x128xi32, #tpu.memory_space<hbm>> -> memref<1x3x128xi32, #tpu.memory_space<hbm>>
      %dma_start3A_228 = tpu.memref_squeeze %dma_start3A_227 : memref<1x3x128xi32, #tpu.memory_space<hbm>> -> memref<3x128xi32, #tpu.memory_space<hbm>>
      %dma_start3A_229 = arith.constant 0 : i32
      %dma_start3A_230 = arith.constant 0 : i32
      %dma_start3A_231 = tpu.memref_slice %arg2[%add3A, %dma_start3A_229, %dma_start3A_230] : memref<32x3x128xi32, #tpu.memory_space<hbm>> -> memref<1x3x128xi32, #tpu.memory_space<hbm>>
      %dma_start3A_232 = tpu.memref_squeeze %dma_start3A_231 : memref<1x3x128xi32, #tpu.memory_space<hbm>> -> memref<3x128xi32, #tpu.memory_space<hbm>>
      tpu.enqueue_dma source(%dma_start3A_232 : memref<3x128xi32, #tpu.memory_space<hbm>>) target(%arg9 : memref<3x128xi32, #tpu.memory_space<vmem>>) target_semaphore(%run_scoped3A : memref<!tpu.dma_semaphore, #tpu.memory_space<semaphore_mem>>)
      %dma_wait3A_233 = arith.constant 0 : i32
      %dma_wait3A_234 = arith.constant 0 : i32
      %dma_wait3A_235 = tpu.memref_slice %arg2[%add3A, %dma_wait3A_233, %dma_wait3A_234] : memref<32x3x128xi32, #tpu.memory_space<hbm>> -> memref<1x3x128xi32, #tpu.memory_space<hbm>>
      %dma_wait3A_236 = tpu.memref_squeeze %dma_wait3A_235 : memref<1x3x128xi32, #tpu.memory_space<hbm>> -> memref<3x128xi32, #tpu.memory_space<hbm>>
      %dma_wait3A_237 = arith.constant 0 : i32
      %dma_wait3A_238 = arith.constant 0 : i32
      %dma_wait3A_239 = tpu.memref_slice %arg2[%add3A, %dma_wait3A_237, %dma_wait3A_238] : memref<32x3x128xi32, #tpu.memory_space<hbm>> -> memref<1x3x128xi32, #tpu.memory_space<hbm>>
      %dma_wait3A_240 = tpu.memref_squeeze %dma_wait3A_239 : memref<1x3x128xi32, #tpu.memory_space<hbm>> -> memref<3x128xi32, #tpu.memory_space<hbm>>
      tpu.wait_dma2 semaphore(%run_scoped3A : memref<!tpu.dma_semaphore, #tpu.memory_space<semaphore_mem>>) src(%dma_wait3A_240 : memref<3x128xi32, #tpu.memory_space<hbm>>) dst(%arg9 : memref<3x128xi32, #tpu.memory_space<vmem>>)
      tpu.yield
    }) : () -> ()
    "tpu.region"() ({
      %run_scoped3A = tpu.sem_alloc : memref<!tpu.dma_semaphore, #tpu.memory_space<semaphore_mem>>
      %dma_start3A_225 = arith.constant 0 : i32
      %dma_start3A_226 = arith.constant 0 : i32
      %dma_start3A_227 = tpu.memref_slice %arg3[%add3A, %dma_start3A_225, %dma_start3A_226] : memref<32x3x128xi32, #tpu.memory_space<hbm>> -> memref<1x3x128xi32, #tpu.memory_space<hbm>>
      %dma_start3A_228 = tpu.memref_squeeze %dma_start3A_227 : memref<1x3x128xi32, #tpu.memory_space<hbm>> -> memref<3x128xi32, #tpu.memory_space<hbm>>
      %dma_start3A_229 = arith.constant 0 : i32
      %dma_start3A_230 = arith.constant 0 : i32
      %dma_start3A_231 = tpu.memref_slice %arg3[%add3A, %dma_start3A_229, %dma_start3A_230] : memref<32x3x128xi32, #tpu.memory_space<hbm>> -> memref<1x3x128xi32, #tpu.memory_space<hbm>>
      %dma_start3A_232 = tpu.memref_squeeze %dma_start3A_231 : memref<1x3x128xi32, #tpu.memory_space<hbm>> -> memref<3x128xi32, #tpu.memory_space<hbm>>
      tpu.enqueue_dma source(%dma_start3A_232 : memref<3x128xi32, #tpu.memory_space<hbm>>) target(%arg10 : memref<3x128xi32, #tpu.memory_space<vmem>>) target_semaphore(%run_scoped3A : memref<!tpu.dma_semaphore, #tpu.memory_space<semaphore_mem>>)
      %dma_wait3A_233 = arith.constant 0 : i32
      %dma_wait3A_234 = arith.constant 0 : i32
      %dma_wait3A_235 = tpu.memref_slice %arg3[%add3A, %dma_wait3A_233, %dma_wait3A_234] : memref<32x3x128xi32, #tpu.memory_space<hbm>> -> memref<1x3x128xi32, #tpu.memory_space<hbm>>
      %dma_wait3A_236 = tpu.memref_squeeze %dma_wait3A_235 : memref<1x3x128xi32, #tpu.memory_space<hbm>> -> memref<3x128xi32, #tpu.memory_space<hbm>>
      %dma_wait3A_237 = arith.constant 0 : i32
      %dma_wait3A_238 = arith.constant 0 : i32
      %dma_wait3A_239 = tpu.memref_slice %arg3[%add3A, %dma_wait3A_237, %dma_wait3A_238] : memref<32x3x128xi32, #tpu.memory_space<hbm>> -> memref<1x3x128xi32, #tpu.memory_space<hbm>>
      %dma_wait3A_240 = tpu.memref_squeeze %dma_wait3A_239 : memref<1x3x128xi32, #tpu.memory_space<hbm>> -> memref<3x128xi32, #tpu.memory_space<hbm>>
      tpu.wait_dma2 semaphore(%run_scoped3A : memref<!tpu.dma_semaphore, #tpu.memory_space<semaphore_mem>>) src(%dma_wait3A_240 : memref<3x128xi32, #tpu.memory_space<hbm>>) dst(%arg10 : memref<3x128xi32, #tpu.memory_space<vmem>>)
      tpu.yield
    }) : () -> ()
    "tpu.region"() ({
      %run_scoped3A = tpu.sem_alloc : memref<!tpu.dma_semaphore, #tpu.memory_space<semaphore_mem>>
      %dma_start3A_225 = arith.constant 0 : i32
      %dma_start3A_226 = arith.constant 0 : i32
      %dma_start3A_227 = tpu.memref_slice %arg4[%add3A, %dma_start3A_225, %dma_start3A_226] : memref<32x79x128xi32, #tpu.memory_space<hbm>> -> memref<1x79x128xi32, #tpu.memory_space<hbm>>
      %dma_start3A_228 = tpu.memref_squeeze %dma_start3A_227 : memref<1x79x128xi32, #tpu.memory_space<hbm>> -> memref<79x128xi32, #tpu.memory_space<hbm>>
      %dma_start3A_229 = arith.constant 0 : i32
      %dma_start3A_230 = arith.constant 0 : i32
      %dma_start3A_231 = tpu.memref_slice %arg4[%add3A, %dma_start3A_229, %dma_start3A_230] : memref<32x79x128xi32, #tpu.memory_space<hbm>> -> memref<1x79x128xi32, #tpu.memory_space<hbm>>
      %dma_start3A_232 = tpu.memref_squeeze %dma_start3A_231 : memref<1x79x128xi32, #tpu.memory_space<hbm>> -> memref<79x128xi32, #tpu.memory_space<hbm>>
      tpu.enqueue_dma source(%dma_start3A_232 : memref<79x128xi32, #tpu.memory_space<hbm>>) target(%arg11 : memref<79x128xi32, #tpu.memory_space<vmem>>) target_semaphore(%run_scoped3A : memref<!tpu.dma_semaphore, #tpu.memory_space<semaphore_mem>>)
      %dma_wait3A_233 = arith.constant 0 : i32
      %dma_wait3A_234 = arith.constant 0 : i32
      %dma_wait3A_235 = tpu.memref_slice %arg4[%add3A, %dma_wait3A_233, %dma_wait3A_234] : memref<32x79x128xi32, #tpu.memory_space<hbm>> -> memref<1x79x128xi32, #tpu.memory_space<hbm>>
      %dma_wait3A_236 = tpu.memref_squeeze %dma_wait3A_235 : memref<1x79x128xi32, #tpu.memory_space<hbm>> -> memref<79x128xi32, #tpu.memory_space<hbm>>
      %dma_wait3A_237 = arith.constant 0 : i32
      %dma_wait3A_238 = arith.constant 0 : i32
      %dma_wait3A_239 = tpu.memref_slice %arg4[%add3A, %dma_wait3A_237, %dma_wait3A_238] : memref<32x79x128xi32, #tpu.memory_space<hbm>> -> memref<1x79x128xi32, #tpu.memory_space<hbm>>
      %dma_wait3A_240 = tpu.memref_squeeze %dma_wait3A_239 : memref<1x79x128xi32, #tpu.memory_space<hbm>> -> memref<79x128xi32, #tpu.memory_space<hbm>>
      tpu.wait_dma2 semaphore(%run_scoped3A : memref<!tpu.dma_semaphore, #tpu.memory_space<semaphore_mem>>) src(%dma_wait3A_240 : memref<79x128xi32, #tpu.memory_space<hbm>>) dst(%arg11 : memref<79x128xi32, #tpu.memory_space<vmem>>)
      tpu.yield
    }) : () -> ()
    %broadcast_in_dim3A = arith.constant 1.000000e+00 : f32
    %broadcast_in_dim3A_1 = vector.broadcast %broadcast_in_dim3A : f32 to vector<16xf32>
    %broadcast_in_dim3A_2 = arith.constant 0.000000e+00 : f32
    %broadcast_in_dim3A_3 = vector.broadcast %broadcast_in_dim3A_2 : f32 to vector<16xf32>
    %scan3A = arith.constant 0 : i32
    %scan3A_4 = arith.constant 0 : i32
    %scan3A_5 = arith.constant 768 : i32
    %scan3A_6 = arith.addi %scan3A_4, %scan3A_5 : i32
    %scan3A_7 = arith.constant 1 : i32
    scf.for %scan3A_225 = %scan3A_4 to %scan3A_6 step %scan3A_7  : i32 {
      %mul3A_226 = arith.constant 16 : i32
      %mul3A_227 = arith.muli %scan3A_225, %mul3A_226 : i32
      %swap3A_228 = arith.index_cast %mul3A_227 : i32 to index
      %swap3A_229 = tpu.vector_load %arg13[%swap3A_228] {strides = array<i32>} : memref<12288xf32, #tpu.memory_space<vmem>>, vector<16xf32>,
      tpu.vector_store %arg13[%swap3A_228], %broadcast_in_dim3A_3 {strides = array<i32>} : memref<12288xf32, #tpu.memory_space<vmem>>, vector<16xf32>,
    }
    %scan3A_8 = arith.constant 768 : i32
    %swap3A = arith.constant 0 : index
    %swap3A_9 = tpu.vector_load %arg14[%swap3A] {strides = array<i32>} : memref<384xf32, #tpu.memory_space<vmem>>, vector<16xf32>,
    tpu.vector_store %arg14[%swap3A], %broadcast_in_dim3A_3 {strides = array<i32>} : memref<384xf32, #tpu.memory_space<vmem>>, vector<16xf32>,
    %swap3A_10 = arith.constant 16 : index
    %swap3A_11 = tpu.vector_load %arg14[%swap3A_10] {strides = array<i32>} : memref<384xf32, #tpu.memory_space<vmem>>, vector<16xf32>,
    tpu.vector_store %arg14[%swap3A_10], %broadcast_in_dim3A_3 {strides = array<i32>} : memref<384xf32, #tpu.memory_space<vmem>>, vector<16xf32>,
    %swap3A_12 = arith.constant 32 : index
    %swap3A_13 = tpu.vector_load %arg14[%swap3A_12] {strides = array<i32>} : memref<384xf32, #tpu.memory_space<vmem>>, vector<16xf32>,
    tpu.vector_store %arg14[%swap3A_12], %broadcast_in_dim3A_3 {strides = array<i32>} : memref<384xf32, #tpu.memory_space<vmem>>, vector<16xf32>,
    %swap3A_14 = arith.constant 48 : index
    %swap3A_15 = tpu.vector_load %arg14[%swap3A_14] {strides = array<i32>} : memref<384xf32, #tpu.memory_space<vmem>>, vector<16xf32>,
    tpu.vector_store %arg14[%swap3A_14], %broadcast_in_dim3A_3 {strides = array<i32>} : memref<384xf32, #tpu.memory_space<vmem>>, vector<16xf32>,
    %swap3A_16 = arith.constant 64 : index
    %swap3A_17 = tpu.vector_load %arg14[%swap3A_16] {strides = array<i32>} : memref<384xf32, #tpu.memory_space<vmem>>, vector<16xf32>,
    tpu.vector_store %arg14[%swap3A_16], %broadcast_in_dim3A_3 {strides = array<i32>} : memref<384xf32, #tpu.memory_space<vmem>>, vector<16xf32>,
    %swap3A_18 = arith.constant 80 : index
    %swap3A_19 = tpu.vector_load %arg14[%swap3A_18] {strides = array<i32>} : memref<384xf32, #tpu.memory_space<vmem>>, vector<16xf32>,
    tpu.vector_store %arg14[%swap3A_18], %broadcast_in_dim3A_3 {strides = array<i32>} : memref<384xf32, #tpu.memory_space<vmem>>, vector<16xf32>,
    %swap3A_20 = arith.constant 96 : index
    %swap3A_21 = tpu.vector_load %arg14[%swap3A_20] {strides = array<i32>} : memref<384xf32, #tpu.memory_space<vmem>>, vector<16xf32>,
    tpu.vector_store %arg14[%swap3A_20], %broadcast_in_dim3A_3 {strides = array<i32>} : memref<384xf32, #tpu.memory_space<vmem>>, vector<16xf32>,
    %swap3A_22 = arith.constant 112 : index
    %swap3A_23 = tpu.vector_load %arg14[%swap3A_22] {strides = array<i32>} : memref<384xf32, #tpu.memory_space<vmem>>, vector<16xf32>,
    tpu.vector_store %arg14[%swap3A_22], %broadcast_in_dim3A_3 {strides = array<i32>} : memref<384xf32, #tpu.memory_space<vmem>>, vector<16xf32>,
    %swap3A_24 = arith.constant 128 : index
    %swap3A_25 = tpu.vector_load %arg14[%swap3A_24] {strides = array<i32>} : memref<384xf32, #tpu.memory_space<vmem>>, vector<16xf32>,
    tpu.vector_store %arg14[%swap3A_24], %broadcast_in_dim3A_3 {strides = array<i32>} : memref<384xf32, #tpu.memory_space<vmem>>, vector<16xf32>,
    %swap3A_26 = arith.constant 144 : index
    %swap3A_27 = tpu.vector_load %arg14[%swap3A_26] {strides = array<i32>} : memref<384xf32, #tpu.memory_space<vmem>>, vector<16xf32>,
    tpu.vector_store %arg14[%swap3A_26], %broadcast_in_dim3A_3 {strides = array<i32>} : memref<384xf32, #tpu.memory_space<vmem>>, vector<16xf32>,
    %swap3A_28 = arith.constant 160 : index
    %swap3A_29 = tpu.vector_load %arg14[%swap3A_28] {strides = array<i32>} : memref<384xf32, #tpu.memory_space<vmem>>, vector<16xf32>,
    tpu.vector_store %arg14[%swap3A_28], %broadcast_in_dim3A_3 {strides = array<i32>} : memref<384xf32, #tpu.memory_space<vmem>>, vector<16xf32>,
    %swap3A_30 = arith.constant 176 : index
    %swap3A_31 = tpu.vector_load %arg14[%swap3A_30] {strides = array<i32>} : memref<384xf32, #tpu.memory_space<vmem>>, vector<16xf32>,
    tpu.vector_store %arg14[%swap3A_30], %broadcast_in_dim3A_3 {strides = array<i32>} : memref<384xf32, #tpu.memory_space<vmem>>, vector<16xf32>,
    %swap3A_32 = arith.constant 192 : index
    %swap3A_33 = tpu.vector_load %arg14[%swap3A_32] {strides = array<i32>} : memref<384xf32, #tpu.memory_space<vmem>>, vector<16xf32>,
    tpu.vector_store %arg14[%swap3A_32], %broadcast_in_dim3A_3 {strides = array<i32>} : memref<384xf32, #tpu.memory_space<vmem>>, vector<16xf32>,
    %swap3A_34 = arith.constant 208 : index
    %swap3A_35 = tpu.vector_load %arg14[%swap3A_34] {strides = array<i32>} : memref<384xf32, #tpu.memory_space<vmem>>, vector<16xf32>,
    tpu.vector_store %arg14[%swap3A_34], %broadcast_in_dim3A_3 {strides = array<i32>} : memref<384xf32, #tpu.memory_space<vmem>>, vector<16xf32>,
    %swap3A_36 = arith.constant 224 : index
    %swap3A_37 = tpu.vector_load %arg14[%swap3A_36] {strides = array<i32>} : memref<384xf32, #tpu.memory_space<vmem>>, vector<16xf32>,
    tpu.vector_store %arg14[%swap3A_36], %broadcast_in_dim3A_3 {strides = array<i32>} : memref<384xf32, #tpu.memory_space<vmem>>, vector<16xf32>,
    %swap3A_38 = arith.constant 240 : index
    %swap3A_39 = tpu.vector_load %arg14[%swap3A_38] {strides = array<i32>} : memref<384xf32, #tpu.memory_space<vmem>>, vector<16xf32>,
    tpu.vector_store %arg14[%swap3A_38], %broadcast_in_dim3A_3 {strides = array<i32>} : memref<384xf32, #tpu.memory_space<vmem>>, vector<16xf32>,
    %swap3A_40 = arith.constant 256 : index
    %swap3A_41 = tpu.vector_load %arg14[%swap3A_40] {strides = array<i32>} : memref<384xf32, #tpu.memory_space<vmem>>, vector<16xf32>,
    tpu.vector_store %arg14[%swap3A_40], %broadcast_in_dim3A_3 {strides = array<i32>} : memref<384xf32, #tpu.memory_space<vmem>>, vector<16xf32>,
    %swap3A_42 = arith.constant 272 : index
    %swap3A_43 = tpu.vector_load %arg14[%swap3A_42] {strides = array<i32>} : memref<384xf32, #tpu.memory_space<vmem>>, vector<16xf32>,
    tpu.vector_store %arg14[%swap3A_42], %broadcast_in_dim3A_3 {strides = array<i32>} : memref<384xf32, #tpu.memory_space<vmem>>, vector<16xf32>,
    %swap3A_44 = arith.constant 288 : index
    %swap3A_45 = tpu.vector_load %arg14[%swap3A_44] {strides = array<i32>} : memref<384xf32, #tpu.memory_space<vmem>>, vector<16xf32>,
    tpu.vector_store %arg14[%swap3A_44], %broadcast_in_dim3A_3 {strides = array<i32>} : memref<384xf32, #tpu.memory_space<vmem>>, vector<16xf32>,
    %swap3A_46 = arith.constant 304 : index
    %swap3A_47 = tpu.vector_load %arg14[%swap3A_46] {strides = array<i32>} : memref<384xf32, #tpu.memory_space<vmem>>, vector<16xf32>,
    tpu.vector_store %arg14[%swap3A_46], %broadcast_in_dim3A_3 {strides = array<i32>} : memref<384xf32, #tpu.memory_space<vmem>>, vector<16xf32>,
    %swap3A_48 = arith.constant 320 : index
    %swap3A_49 = tpu.vector_load %arg14[%swap3A_48] {strides = array<i32>} : memref<384xf32, #tpu.memory_space<vmem>>, vector<16xf32>,
    tpu.vector_store %arg14[%swap3A_48], %broadcast_in_dim3A_3 {strides = array<i32>} : memref<384xf32, #tpu.memory_space<vmem>>, vector<16xf32>,
    %swap3A_50 = arith.constant 336 : index
    %swap3A_51 = tpu.vector_load %arg14[%swap3A_50] {strides = array<i32>} : memref<384xf32, #tpu.memory_space<vmem>>, vector<16xf32>,
    tpu.vector_store %arg14[%swap3A_50], %broadcast_in_dim3A_3 {strides = array<i32>} : memref<384xf32, #tpu.memory_space<vmem>>, vector<16xf32>,
    %swap3A_52 = arith.constant 352 : index
    %swap3A_53 = tpu.vector_load %arg14[%swap3A_52] {strides = array<i32>} : memref<384xf32, #tpu.memory_space<vmem>>, vector<16xf32>,
    tpu.vector_store %arg14[%swap3A_52], %broadcast_in_dim3A_3 {strides = array<i32>} : memref<384xf32, #tpu.memory_space<vmem>>, vector<16xf32>,
    %swap3A_54 = arith.constant 368 : index
    %swap3A_55 = tpu.vector_load %arg14[%swap3A_54] {strides = array<i32>} : memref<384xf32, #tpu.memory_space<vmem>>, vector<16xf32>,
    tpu.vector_store %arg14[%swap3A_54], %broadcast_in_dim3A_3 {strides = array<i32>} : memref<384xf32, #tpu.memory_space<vmem>>, vector<16xf32>,
    %scan3A_56 = arith.constant 0 : i32
    %scan3A_57 = arith.constant 0 : i32
    %scan3A_58 = arith.constant 79 : i32
    %scan3A_59 = arith.addi %scan3A_57, %scan3A_58 : i32
    %scan3A_60 = arith.constant 1 : i32
    scf.for %scan3A_225 = %scan3A_57 to %scan3A_59 step %scan3A_60  : i32 {
      %get3A_226 = arith.index_cast %scan3A_225 : i32 to index
      %get3A_227 = arith.constant 0 : index
      %get3A_228 = tpu.vector_load %arg11[%get3A_226, %get3A_227] {strides = array<i32>} : memref<79x128xi32, #tpu.memory_space<vmem>>, vector<16xi32>,
      tpu.vector_store_idx %arg13[%get3A_228], %broadcast_in_dim3A_1 {add = true} : memref<12288xf32, #tpu.memory_space<vmem>>[vector<16xi32>], vector<16xf32>,
      %get3A_229 = arith.index_cast %scan3A_225 : i32 to index
      %get3A_230 = arith.constant 16 : index
      %get3A_231 = tpu.vector_load %arg11[%get3A_229, %get3A_230] {strides = array<i32>} : memref<79x128xi32, #tpu.memory_space<vmem>>, vector<16xi32>,
      tpu.vector_store_idx %arg13[%get3A_231], %broadcast_in_dim3A_1 {add = true} : memref<12288xf32, #tpu.memory_space<vmem>>[vector<16xi32>], vector<16xf32>,
      %get3A_232 = arith.index_cast %scan3A_225 : i32 to index
      %get3A_233 = arith.constant 32 : index
      %get3A_234 = tpu.vector_load %arg11[%get3A_232, %get3A_233] {strides = array<i32>} : memref<79x128xi32, #tpu.memory_space<vmem>>, vector<16xi32>,
      tpu.vector_store_idx %arg13[%get3A_234], %broadcast_in_dim3A_1 {add = true} : memref<12288xf32, #tpu.memory_space<vmem>>[vector<16xi32>], vector<16xf32>,
      %get3A_235 = arith.index_cast %scan3A_225 : i32 to index
      %get3A_236 = arith.constant 48 : index
      %get3A_237 = tpu.vector_load %arg11[%get3A_235, %get3A_236] {strides = array<i32>} : memref<79x128xi32, #tpu.memory_space<vmem>>, vector<16xi32>,
      tpu.vector_store_idx %arg13[%get3A_237], %broadcast_in_dim3A_1 {add = true} : memref<12288xf32, #tpu.memory_space<vmem>>[vector<16xi32>], vector<16xf32>,
      %get3A_238 = arith.index_cast %scan3A_225 : i32 to index
      %get3A_239 = arith.constant 64 : index
      %get3A_240 = tpu.vector_load %arg11[%get3A_238, %get3A_239] {strides = array<i32>} : memref<79x128xi32, #tpu.memory_space<vmem>>, vector<16xi32>,
      tpu.vector_store_idx %arg13[%get3A_240], %broadcast_in_dim3A_1 {add = true} : memref<12288xf32, #tpu.memory_space<vmem>>[vector<16xi32>], vector<16xf32>,
      %get3A_241 = arith.index_cast %scan3A_225 : i32 to index
      %get3A_242 = arith.constant 80 : index
      %get3A_243 = tpu.vector_load %arg11[%get3A_241, %get3A_242] {strides = array<i32>} : memref<79x128xi32, #tpu.memory_space<vmem>>, vector<16xi32>,
      tpu.vector_store_idx %arg13[%get3A_243], %broadcast_in_dim3A_1 {add = true} : memref<12288xf32, #tpu.memory_space<vmem>>[vector<16xi32>], vector<16xf32>,
      %get3A_244 = arith.index_cast %scan3A_225 : i32 to index
      %get3A_245 = arith.constant 96 : index
      %get3A_246 = tpu.vector_load %arg11[%get3A_244, %get3A_245] {strides = array<i32>} : memref<79x128xi32, #tpu.memory_space<vmem>>, vector<16xi32>,
      tpu.vector_store_idx %arg13[%get3A_246], %broadcast_in_dim3A_1 {add = true} : memref<12288xf32, #tpu.memory_space<vmem>>[vector<16xi32>], vector<16xf32>,
      %get3A_247 = arith.index_cast %scan3A_225 : i32 to index
      %get3A_248 = arith.constant 112 : index
      %get3A_249 = tpu.vector_load %arg11[%get3A_247, %get3A_248] {strides = array<i32>} : memref<79x128xi32, #tpu.memory_space<vmem>>, vector<16xi32>,
      tpu.vector_store_idx %arg13[%get3A_249], %broadcast_in_dim3A_1 {add = true} : memref<12288xf32, #tpu.memory_space<vmem>>[vector<16xi32>], vector<16xf32>,
    }
    %scan3A_61 = arith.constant 79 : i32
    %get3A = arith.constant 0 : i32
    %get3A_62 = arith.index_cast %get3A : i32 to index
    %get3A_63 = arith.constant 0 : index
    %get3A_64 = tpu.vector_load %arg10[%get3A_62, %get3A_63] {strides = array<i32>} : memref<3x128xi32, #tpu.memory_space<vmem>>, vector<16xi32>,
    tpu.vector_store_idx %arg14[%get3A_64], %broadcast_in_dim3A_1 {add = true} : memref<384xf32, #tpu.memory_space<vmem>>[vector<16xi32>], vector<16xf32>,
    %get3A_65 = arith.constant 0 : i32
    %get3A_66 = arith.index_cast %get3A_65 : i32 to index
    %get3A_67 = arith.constant 16 : index
    %get3A_68 = tpu.vector_load %arg10[%get3A_66, %get3A_67] {strides = array<i32>} : memref<3x128xi32, #tpu.memory_space<vmem>>, vector<16xi32>,
    tpu.vector_store_idx %arg14[%get3A_68], %broadcast_in_dim3A_1 {add = true} : memref<384xf32, #tpu.memory_space<vmem>>[vector<16xi32>], vector<16xf32>,
    %get3A_69 = arith.constant 0 : i32
    %get3A_70 = arith.index_cast %get3A_69 : i32 to index
    %get3A_71 = arith.constant 32 : index
    %get3A_72 = tpu.vector_load %arg10[%get3A_70, %get3A_71] {strides = array<i32>} : memref<3x128xi32, #tpu.memory_space<vmem>>, vector<16xi32>,
    tpu.vector_store_idx %arg14[%get3A_72], %broadcast_in_dim3A_1 {add = true} : memref<384xf32, #tpu.memory_space<vmem>>[vector<16xi32>], vector<16xf32>,
    %get3A_73 = arith.constant 0 : i32
    %get3A_74 = arith.index_cast %get3A_73 : i32 to index
    %get3A_75 = arith.constant 48 : index
    %get3A_76 = tpu.vector_load %arg10[%get3A_74, %get3A_75] {strides = array<i32>} : memref<3x128xi32, #tpu.memory_space<vmem>>, vector<16xi32>,
    tpu.vector_store_idx %arg14[%get3A_76], %broadcast_in_dim3A_1 {add = true} : memref<384xf32, #tpu.memory_space<vmem>>[vector<16xi32>], vector<16xf32>,
    %get3A_77 = arith.constant 0 : i32
    %get3A_78 = arith.index_cast %get3A_77 : i32 to index
    %get3A_79 = arith.constant 64 : index
    %get3A_80 = tpu.vector_load %arg10[%get3A_78, %get3A_79] {strides = array<i32>} : memref<3x128xi32, #tpu.memory_space<vmem>>, vector<16xi32>,
    tpu.vector_store_idx %arg14[%get3A_80], %broadcast_in_dim3A_1 {add = true} : memref<384xf32, #tpu.memory_space<vmem>>[vector<16xi32>], vector<16xf32>,
    %get3A_81 = arith.constant 0 : i32
    %get3A_82 = arith.index_cast %get3A_81 : i32 to index
    %get3A_83 = arith.constant 80 : index
    %get3A_84 = tpu.vector_load %arg10[%get3A_82, %get3A_83] {strides = array<i32>} : memref<3x128xi32, #tpu.memory_space<vmem>>, vector<16xi32>,
    tpu.vector_store_idx %arg14[%get3A_84], %broadcast_in_dim3A_1 {add = true} : memref<384xf32, #tpu.memory_space<vmem>>[vector<16xi32>], vector<16xf32>,
    %get3A_85 = arith.constant 0 : i32
    %get3A_86 = arith.index_cast %get3A_85 : i32 to index
    %get3A_87 = arith.constant 96 : index
    %get3A_88 = tpu.vector_load %arg10[%get3A_86, %get3A_87] {strides = array<i32>} : memref<3x128xi32, #tpu.memory_space<vmem>>, vector<16xi32>,
    tpu.vector_store_idx %arg14[%get3A_88], %broadcast_in_dim3A_1 {add = true} : memref<384xf32, #tpu.memory_space<vmem>>[vector<16xi32>], vector<16xf32>,
    %get3A_89 = arith.constant 0 : i32
    %get3A_90 = arith.index_cast %get3A_89 : i32 to index
    %get3A_91 = arith.constant 112 : index
    %get3A_92 = tpu.vector_load %arg10[%get3A_90, %get3A_91] {strides = array<i32>} : memref<3x128xi32, #tpu.memory_space<vmem>>, vector<16xi32>,
    tpu.vector_store_idx %arg14[%get3A_92], %broadcast_in_dim3A_1 {add = true} : memref<384xf32, #tpu.memory_space<vmem>>[vector<16xi32>], vector<16xf32>,
    %get3A_93 = arith.constant 1 : i32
    %get3A_94 = arith.index_cast %get3A_93 : i32 to index
    %get3A_95 = arith.constant 0 : index
    %get3A_96 = tpu.vector_load %arg10[%get3A_94, %get3A_95] {strides = array<i32>} : memref<3x128xi32, #tpu.memory_space<vmem>>, vector<16xi32>,
    tpu.vector_store_idx %arg14[%get3A_96], %broadcast_in_dim3A_1 {add = true} : memref<384xf32, #tpu.memory_space<vmem>>[vector<16xi32>], vector<16xf32>,
    %get3A_97 = arith.constant 1 : i32
    %get3A_98 = arith.index_cast %get3A_97 : i32 to index
    %get3A_99 = arith.constant 16 : index
    %get3A_100 = tpu.vector_load %arg10[%get3A_98, %get3A_99] {strides = array<i32>} : memref<3x128xi32, #tpu.memory_space<vmem>>, vector<16xi32>,
    tpu.vector_store_idx %arg14[%get3A_100], %broadcast_in_dim3A_1 {add = true} : memref<384xf32, #tpu.memory_space<vmem>>[vector<16xi32>], vector<16xf32>,
    %get3A_101 = arith.constant 1 : i32
    %get3A_102 = arith.index_cast %get3A_101 : i32 to index
    %get3A_103 = arith.constant 32 : index
    %get3A_104 = tpu.vector_load %arg10[%get3A_102, %get3A_103] {strides = array<i32>} : memref<3x128xi32, #tpu.memory_space<vmem>>, vector<16xi32>,
    tpu.vector_store_idx %arg14[%get3A_104], %broadcast_in_dim3A_1 {add = true} : memref<384xf32, #tpu.memory_space<vmem>>[vector<16xi32>], vector<16xf32>,
    %get3A_105 = arith.constant 1 : i32
    %get3A_106 = arith.index_cast %get3A_105 : i32 to index
    %get3A_107 = arith.constant 48 : index
    %get3A_108 = tpu.vector_load %arg10[%get3A_106, %get3A_107] {strides = array<i32>} : memref<3x128xi32, #tpu.memory_space<vmem>>, vector<16xi32>,
    tpu.vector_store_idx %arg14[%get3A_108], %broadcast_in_dim3A_1 {add = true} : memref<384xf32, #tpu.memory_space<vmem>>[vector<16xi32>], vector<16xf32>,
    %get3A_109 = arith.constant 1 : i32
    %get3A_110 = arith.index_cast %get3A_109 : i32 to index
    %get3A_111 = arith.constant 64 : index
    %get3A_112 = tpu.vector_load %arg10[%get3A_110, %get3A_111] {strides = array<i32>} : memref<3x128xi32, #tpu.memory_space<vmem>>, vector<16xi32>,
    tpu.vector_store_idx %arg14[%get3A_112], %broadcast_in_dim3A_1 {add = true} : memref<384xf32, #tpu.memory_space<vmem>>[vector<16xi32>], vector<16xf32>,
    %get3A_113 = arith.constant 1 : i32
    %get3A_114 = arith.index_cast %get3A_113 : i32 to index
    %get3A_115 = arith.constant 80 : index
    %get3A_116 = tpu.vector_load %arg10[%get3A_114, %get3A_115] {strides = array<i32>} : memref<3x128xi32, #tpu.memory_space<vmem>>, vector<16xi32>,
    tpu.vector_store_idx %arg14[%get3A_116], %broadcast_in_dim3A_1 {add = true} : memref<384xf32, #tpu.memory_space<vmem>>[vector<16xi32>], vector<16xf32>,
    %get3A_117 = arith.constant 1 : i32
    %get3A_118 = arith.index_cast %get3A_117 : i32 to index
    %get3A_119 = arith.constant 96 : index
    %get3A_120 = tpu.vector_load %arg10[%get3A_118, %get3A_119] {strides = array<i32>} : memref<3x128xi32, #tpu.memory_space<vmem>>, vector<16xi32>,
    tpu.vector_store_idx %arg14[%get3A_120], %broadcast_in_dim3A_1 {add = true} : memref<384xf32, #tpu.memory_space<vmem>>[vector<16xi32>], vector<16xf32>,
    %get3A_121 = arith.constant 1 : i32
    %get3A_122 = arith.index_cast %get3A_121 : i32 to index
    %get3A_123 = arith.constant 112 : index
    %get3A_124 = tpu.vector_load %arg10[%get3A_122, %get3A_123] {strides = array<i32>} : memref<3x128xi32, #tpu.memory_space<vmem>>, vector<16xi32>,
    tpu.vector_store_idx %arg14[%get3A_124], %broadcast_in_dim3A_1 {add = true} : memref<384xf32, #tpu.memory_space<vmem>>[vector<16xi32>], vector<16xf32>,
    %get3A_125 = arith.constant 2 : i32
    %get3A_126 = arith.index_cast %get3A_125 : i32 to index
    %get3A_127 = arith.constant 0 : index
    %get3A_128 = tpu.vector_load %arg10[%get3A_126, %get3A_127] {strides = array<i32>} : memref<3x128xi32, #tpu.memory_space<vmem>>, vector<16xi32>,
    tpu.vector_store_idx %arg14[%get3A_128], %broadcast_in_dim3A_1 {add = true} : memref<384xf32, #tpu.memory_space<vmem>>[vector<16xi32>], vector<16xf32>,
    %get3A_129 = arith.constant 2 : i32
    %get3A_130 = arith.index_cast %get3A_129 : i32 to index
    %get3A_131 = arith.constant 16 : index
    %get3A_132 = tpu.vector_load %arg10[%get3A_130, %get3A_131] {strides = array<i32>} : memref<3x128xi32, #tpu.memory_space<vmem>>, vector<16xi32>,
    tpu.vector_store_idx %arg14[%get3A_132], %broadcast_in_dim3A_1 {add = true} : memref<384xf32, #tpu.memory_space<vmem>>[vector<16xi32>], vector<16xf32>,
    %get3A_133 = arith.constant 2 : i32
    %get3A_134 = arith.index_cast %get3A_133 : i32 to index
    %get3A_135 = arith.constant 32 : index
    %get3A_136 = tpu.vector_load %arg10[%get3A_134, %get3A_135] {strides = array<i32>} : memref<3x128xi32, #tpu.memory_space<vmem>>, vector<16xi32>,
    tpu.vector_store_idx %arg14[%get3A_136], %broadcast_in_dim3A_1 {add = true} : memref<384xf32, #tpu.memory_space<vmem>>[vector<16xi32>], vector<16xf32>,
    %get3A_137 = arith.constant 2 : i32
    %get3A_138 = arith.index_cast %get3A_137 : i32 to index
    %get3A_139 = arith.constant 48 : index
    %get3A_140 = tpu.vector_load %arg10[%get3A_138, %get3A_139] {strides = array<i32>} : memref<3x128xi32, #tpu.memory_space<vmem>>, vector<16xi32>,
    tpu.vector_store_idx %arg14[%get3A_140], %broadcast_in_dim3A_1 {add = true} : memref<384xf32, #tpu.memory_space<vmem>>[vector<16xi32>], vector<16xf32>,
    %get3A_141 = arith.constant 2 : i32
    %get3A_142 = arith.index_cast %get3A_141 : i32 to index
    %get3A_143 = arith.constant 64 : index
    %get3A_144 = tpu.vector_load %arg10[%get3A_142, %get3A_143] {strides = array<i32>} : memref<3x128xi32, #tpu.memory_space<vmem>>, vector<16xi32>,
    tpu.vector_store_idx %arg14[%get3A_144], %broadcast_in_dim3A_1 {add = true} : memref<384xf32, #tpu.memory_space<vmem>>[vector<16xi32>], vector<16xf32>,
    %get3A_145 = arith.constant 2 : i32
    %get3A_146 = arith.index_cast %get3A_145 : i32 to index
    %get3A_147 = arith.constant 80 : index
    %get3A_148 = tpu.vector_load %arg10[%get3A_146, %get3A_147] {strides = array<i32>} : memref<3x128xi32, #tpu.memory_space<vmem>>, vector<16xi32>,
    tpu.vector_store_idx %arg14[%get3A_148], %broadcast_in_dim3A_1 {add = true} : memref<384xf32, #tpu.memory_space<vmem>>[vector<16xi32>], vector<16xf32>,
    %get3A_149 = arith.constant 2 : i32
    %get3A_150 = arith.index_cast %get3A_149 : i32 to index
    %get3A_151 = arith.constant 96 : index
    %get3A_152 = tpu.vector_load %arg10[%get3A_150, %get3A_151] {strides = array<i32>} : memref<3x128xi32, #tpu.memory_space<vmem>>, vector<16xi32>,
    tpu.vector_store_idx %arg14[%get3A_152], %broadcast_in_dim3A_1 {add = true} : memref<384xf32, #tpu.memory_space<vmem>>[vector<16xi32>], vector<16xf32>,
    %get3A_153 = arith.constant 2 : i32
    %get3A_154 = arith.index_cast %get3A_153 : i32 to index
    %get3A_155 = arith.constant 112 : index
    %get3A_156 = tpu.vector_load %arg10[%get3A_154, %get3A_155] {strides = array<i32>} : memref<3x128xi32, #tpu.memory_space<vmem>>, vector<16xi32>,
    tpu.vector_store_idx %arg14[%get3A_156], %broadcast_in_dim3A_1 {add = true} : memref<384xf32, #tpu.memory_space<vmem>>[vector<16xi32>], vector<16xf32>,
    %dma_start3A = arith.constant 0 : i32
    %dma_start3A_157 = arith.constant 0 : i32
    %dma_start3A_158 = tpu.memref_slice %arg9[%dma_start3A, %dma_start3A_157] : memref<3x128xi32, #tpu.memory_space<vmem>> -> memref<1x128xi32, #tpu.memory_space<vmem>>
    %dma_start3A_159 = tpu.memref_squeeze %dma_start3A_158 : memref<1x128xi32, #tpu.memory_space<vmem>> -> memref<128xi32, #tpu.memory_space<vmem>>
    %dma_start3A_160 = arith.constant 0 : i32
    %dma_start3A_161 = arith.constant 0 : i32
    %dma_start3A_162 = tpu.memref_slice %arg5[%dma_start3A_160, %dma_start3A_161] : memref<10000x128xf32, #tpu.memory_space<hbm>> -> memref<10000x128xf32, #tpu.memory_space<hbm>>
    tpu.enqueue_indirect_dma source(%dma_start3A_162 : memref<10000x128xf32, #tpu.memory_space<hbm>>) target(%arg12 : memref<128x128xf32, #tpu.memory_space<vmem>>) offsets(%dma_start3A_159 : memref<128xi32, #tpu.memory_space<vmem>>) semaphore(%arg18 : memref<!tpu.dma_semaphore, #tpu.memory_space<semaphore_mem>>)
    %dma_wait3A = arith.constant 0 : i32
    %dma_wait3A_163 = arith.constant 0 : i32
    %dma_wait3A_164 = tpu.memref_slice %arg9[%dma_wait3A, %dma_wait3A_163] : memref<3x128xi32, #tpu.memory_space<vmem>> -> memref<1x128xi32, #tpu.memory_space<vmem>>
    %dma_wait3A_165 = tpu.memref_squeeze %dma_wait3A_164 : memref<1x128xi32, #tpu.memory_space<vmem>> -> memref<128xi32, #tpu.memory_space<vmem>>
    %dma_wait3A_166 = arith.constant 0 : i32
    %dma_wait3A_167 = arith.constant 0 : i32
    %dma_wait3A_168 = tpu.memref_slice %arg5[%dma_wait3A_166, %dma_wait3A_167] : memref<10000x128xf32, #tpu.memory_space<hbm>> -> memref<10000x128xf32, #tpu.memory_space<hbm>>
    tpu.wait_indirect_dma semaphore(%arg18 : memref<!tpu.dma_semaphore, #tpu.memory_space<semaphore_mem>>) src(%dma_wait3A_168 : memref<10000x128xf32, #tpu.memory_space<hbm>>) dst(%arg12 : memref<128x128xf32, #tpu.memory_space<vmem>>)
    %mul3A_169 = arith.constant 3 : i32
    %mul3A_170 = arith.muli %add3A, %mul3A_169 : i32
    %mul3A_171 = arith.constant 128 : i32
    %mul3A_172 = arith.muli %mul3A_170, %mul3A_171 : i32
    %add3A_173 = arith.constant 0 : i32
    %add3A_174 = arith.addi %mul3A_172, %add3A_173 : i32
    "tpu.region"() ({
      %run_scoped3A = tpu.sem_alloc : memref<!tpu.dma_semaphore, #tpu.memory_space<semaphore_mem>>
      %dma_start3A_225 = arith.constant 0 : i32
      %dma_start3A_226 = tpu.memref_slice %arg6[%add3A_174, %dma_start3A_225] : memref<12288x128xf32, #tpu.memory_space<hbm>> -> memref<128x128xf32, #tpu.memory_space<hbm>>
      %dma_start3A_227 = arith.constant 0 : i32
      %dma_start3A_228 = tpu.memref_slice %arg6[%add3A_174, %dma_start3A_227] : memref<12288x128xf32, #tpu.memory_space<hbm>> -> memref<128x128xf32, #tpu.memory_space<hbm>>
      tpu.enqueue_dma source(%arg12 : memref<128x128xf32, #tpu.memory_space<vmem>>) target(%dma_start3A_228 : memref<128x128xf32, #tpu.memory_space<hbm>>) target_semaphore(%run_scoped3A : memref<!tpu.dma_semaphore, #tpu.memory_space<semaphore_mem>>)
      %dma_wait3A_229 = arith.constant 0 : i32
      %dma_wait3A_230 = tpu.memref_slice %arg6[%add3A_174, %dma_wait3A_229] : memref<12288x128xf32, #tpu.memory_space<hbm>> -> memref<128x128xf32, #tpu.memory_space<hbm>>
      %dma_wait3A_231 = arith.constant 0 : i32
      %dma_wait3A_232 = tpu.memref_slice %arg6[%add3A_174, %dma_wait3A_231] : memref<12288x128xf32, #tpu.memory_space<hbm>> -> memref<128x128xf32, #tpu.memory_space<hbm>>
      tpu.wait_dma2 semaphore(%run_scoped3A : memref<!tpu.dma_semaphore, #tpu.memory_space<semaphore_mem>>) src(%arg12 : memref<128x128xf32, #tpu.memory_space<vmem>>) dst(%dma_wait3A_232 : memref<128x128xf32, #tpu.memory_space<hbm>>)
      tpu.yield
    }) : () -> ()
    %dma_start3A_175 = arith.constant 1 : i32
    %dma_start3A_176 = arith.constant 0 : i32
    %dma_start3A_177 = tpu.memref_slice %arg9[%dma_start3A_175, %dma_start3A_176] : memref<3x128xi32, #tpu.memory_space<vmem>> -> memref<1x128xi32, #tpu.memory_space<vmem>>
    %dma_start3A_178 = tpu.memref_squeeze %dma_start3A_177 : memref<1x128xi32, #tpu.memory_space<vmem>> -> memref<128xi32, #tpu.memory_space<vmem>>
    %dma_start3A_179 = arith.constant 0 : i32
    %dma_start3A_180 = arith.constant 0 : i32
    %dma_start3A_181 = tpu.memref_slice %arg5[%dma_start3A_179, %dma_start3A_180] : memref<10000x128xf32, #tpu.memory_space<hbm>> -> memref<10000x128xf32, #tpu.memory_space<hbm>>
    tpu.enqueue_indirect_dma source(%dma_start3A_181 : memref<10000x128xf32, #tpu.memory_space<hbm>>) target(%arg12 : memref<128x128xf32, #tpu.memory_space<vmem>>) offsets(%dma_start3A_178 : memref<128xi32, #tpu.memory_space<vmem>>) semaphore(%arg18 : memref<!tpu.dma_semaphore, #tpu.memory_space<semaphore_mem>>)
    %dma_wait3A_182 = arith.constant 1 : i32
    %dma_wait3A_183 = arith.constant 0 : i32
    %dma_wait3A_184 = tpu.memref_slice %arg9[%dma_wait3A_182, %dma_wait3A_183] : memref<3x128xi32, #tpu.memory_space<vmem>> -> memref<1x128xi32, #tpu.memory_space<vmem>>
    %dma_wait3A_185 = tpu.memref_squeeze %dma_wait3A_184 : memref<1x128xi32, #tpu.memory_space<vmem>> -> memref<128xi32, #tpu.memory_space<vmem>>
    %dma_wait3A_186 = arith.constant 0 : i32
    %dma_wait3A_187 = arith.constant 0 : i32
    %dma_wait3A_188 = tpu.memref_slice %arg5[%dma_wait3A_186, %dma_wait3A_187] : memref<10000x128xf32, #tpu.memory_space<hbm>> -> memref<10000x128xf32, #tpu.memory_space<hbm>>
    tpu.wait_indirect_dma semaphore(%arg18 : memref<!tpu.dma_semaphore, #tpu.memory_space<semaphore_mem>>) src(%dma_wait3A_188 : memref<10000x128xf32, #tpu.memory_space<hbm>>) dst(%arg12 : memref<128x128xf32, #tpu.memory_space<vmem>>)
    %mul3A_189 = arith.constant 3 : i32
    %mul3A_190 = arith.muli %add3A, %mul3A_189 : i32
    %mul3A_191 = arith.constant 128 : i32
    %mul3A_192 = arith.muli %mul3A_190, %mul3A_191 : i32
    %add3A_193 = arith.constant 128 : i32
    %add3A_194 = arith.addi %mul3A_192, %add3A_193 : i32
    "tpu.region"() ({
      %run_scoped3A = tpu.sem_alloc : memref<!tpu.dma_semaphore, #tpu.memory_space<semaphore_mem>>
      %dma_start3A_225 = arith.constant 0 : i32
      %dma_start3A_226 = tpu.memref_slice %arg6[%add3A_194, %dma_start3A_225] : memref<12288x128xf32, #tpu.memory_space<hbm>> -> memref<128x128xf32, #tpu.memory_space<hbm>>
      %dma_start3A_227 = arith.constant 0 : i32
      %dma_start3A_228 = tpu.memref_slice %arg6[%add3A_194, %dma_start3A_227] : memref<12288x128xf32, #tpu.memory_space<hbm>> -> memref<128x128xf32, #tpu.memory_space<hbm>>
      tpu.enqueue_dma source(%arg12 : memref<128x128xf32, #tpu.memory_space<vmem>>) target(%dma_start3A_228 : memref<128x128xf32, #tpu.memory_space<hbm>>) target_semaphore(%run_scoped3A : memref<!tpu.dma_semaphore, #tpu.memory_space<semaphore_mem>>)
      %dma_wait3A_229 = arith.constant 0 : i32
      %dma_wait3A_230 = tpu.memref_slice %arg6[%add3A_194, %dma_wait3A_229] : memref<12288x128xf32, #tpu.memory_space<hbm>> -> memref<128x128xf32, #tpu.memory_space<hbm>>
      %dma_wait3A_231 = arith.constant 0 : i32
      %dma_wait3A_232 = tpu.memref_slice %arg6[%add3A_194, %dma_wait3A_231] : memref<12288x128xf32, #tpu.memory_space<hbm>> -> memref<128x128xf32, #tpu.memory_space<hbm>>
      tpu.wait_dma2 semaphore(%run_scoped3A : memref<!tpu.dma_semaphore, #tpu.memory_space<semaphore_mem>>) src(%arg12 : memref<128x128xf32, #tpu.memory_space<vmem>>) dst(%dma_wait3A_232 : memref<128x128xf32, #tpu.memory_space<hbm>>)
      tpu.yield
    }) : () -> ()
    %dma_start3A_195 = arith.constant 2 : i32
    %dma_start3A_196 = arith.constant 0 : i32
    %dma_start3A_197 = tpu.memref_slice %arg9[%dma_start3A_195, %dma_start3A_196] : memref<3x128xi32, #tpu.memory_space<vmem>> -> memref<1x128xi32, #tpu.memory_space<vmem>>
    %dma_start3A_198 = tpu.memref_squeeze %dma_start3A_197 : memref<1x128xi32, #tpu.memory_space<vmem>> -> memref<128xi32, #tpu.memory_space<vmem>>
    %dma_start3A_199 = arith.constant 0 : i32
    %dma_start3A_200 = arith.constant 0 : i32
    %dma_start3A_201 = tpu.memref_slice %arg5[%dma_start3A_199, %dma_start3A_200] : memref<10000x128xf32, #tpu.memory_space<hbm>> -> memref<10000x128xf32, #tpu.memory_space<hbm>>
    tpu.enqueue_indirect_dma source(%dma_start3A_201 : memref<10000x128xf32, #tpu.memory_space<hbm>>) target(%arg12 : memref<128x128xf32, #tpu.memory_space<vmem>>) offsets(%dma_start3A_198 : memref<128xi32, #tpu.memory_space<vmem>>) semaphore(%arg18 : memref<!tpu.dma_semaphore, #tpu.memory_space<semaphore_mem>>)
    %dma_wait3A_202 = arith.constant 2 : i32
    %dma_wait3A_203 = arith.constant 0 : i32
    %dma_wait3A_204 = tpu.memref_slice %arg9[%dma_wait3A_202, %dma_wait3A_203] : memref<3x128xi32, #tpu.memory_space<vmem>> -> memref<1x128xi32, #tpu.memory_space<vmem>>
    %dma_wait3A_205 = tpu.memref_squeeze %dma_wait3A_204 : memref<1x128xi32, #tpu.memory_space<vmem>> -> memref<128xi32, #tpu.memory_space<vmem>>
    %dma_wait3A_206 = arith.constant 0 : i32
    %dma_wait3A_207 = arith.constant 0 : i32
    %dma_wait3A_208 = tpu.memref_slice %arg5[%dma_wait3A_206, %dma_wait3A_207] : memref<10000x128xf32, #tpu.memory_space<hbm>> -> memref<10000x128xf32, #tpu.memory_space<hbm>>
    tpu.wait_indirect_dma semaphore(%arg18 : memref<!tpu.dma_semaphore, #tpu.memory_space<semaphore_mem>>) src(%dma_wait3A_208 : memref<10000x128xf32, #tpu.memory_space<hbm>>) dst(%arg12 : memref<128x128xf32, #tpu.memory_space<vmem>>)
    %mul3A_209 = arith.constant 3 : i32
    %mul3A_210 = arith.muli %add3A, %mul3A_209 : i32
    %mul3A_211 = arith.constant 128 : i32
    %mul3A_212 = arith.muli %mul3A_210, %mul3A_211 : i32
    %add3A_213 = arith.constant 256 : i32
    %add3A_214 = arith.addi %mul3A_212, %add3A_213 : i32
    "tpu.region"() ({
      %run_scoped3A = tpu.sem_alloc : memref<!tpu.dma_semaphore, #tpu.memory_space<semaphore_mem>>
      %dma_start3A_225 = arith.constant 0 : i32
      %dma_start3A_226 = tpu.memref_slice %arg6[%add3A_214, %dma_start3A_225] : memref<12288x128xf32, #tpu.memory_space<hbm>> -> memref<128x128xf32, #tpu.memory_space<hbm>>
      %dma_start3A_227 = arith.constant 0 : i32
      %dma_start3A_228 = tpu.memref_slice %arg6[%add3A_214, %dma_start3A_227] : memref<12288x128xf32, #tpu.memory_space<hbm>> -> memref<128x128xf32, #tpu.memory_space<hbm>>
      tpu.enqueue_dma source(%arg12 : memref<128x128xf32, #tpu.memory_space<vmem>>) target(%dma_start3A_228 : memref<128x128xf32, #tpu.memory_space<hbm>>) target_semaphore(%run_scoped3A : memref<!tpu.dma_semaphore, #tpu.memory_space<semaphore_mem>>)
      %dma_wait3A_229 = arith.constant 0 : i32
      %dma_wait3A_230 = tpu.memref_slice %arg6[%add3A_214, %dma_wait3A_229] : memref<12288x128xf32, #tpu.memory_space<hbm>> -> memref<128x128xf32, #tpu.memory_space<hbm>>
      %dma_wait3A_231 = arith.constant 0 : i32
      %dma_wait3A_232 = tpu.memref_slice %arg6[%add3A_214, %dma_wait3A_231] : memref<12288x128xf32, #tpu.memory_space<hbm>> -> memref<128x128xf32, #tpu.memory_space<hbm>>
      tpu.wait_dma2 semaphore(%run_scoped3A : memref<!tpu.dma_semaphore, #tpu.memory_space<semaphore_mem>>) src(%arg12 : memref<128x128xf32, #tpu.memory_space<vmem>>) dst(%dma_wait3A_232 : memref<128x128xf32, #tpu.memory_space<hbm>>)
      tpu.yield
    }) : () -> ()
    "tpu.region"() ({
      %run_scoped3A = tpu.sem_alloc : memref<!tpu.dma_semaphore, #tpu.memory_space<semaphore_mem>>
      %dma_start3A_225 = arith.constant 0 : i32
      %dma_start3A_226 = tpu.memref_slice %arg17[%arg1, %dma_start3A_225] : memref<16x12288xf32, #tpu.memory_space<vmem_shared>> -> memref<1x12288xf32, #tpu.memory_space<vmem_shared>>
      %dma_start3A_227 = tpu.memref_squeeze %dma_start3A_226 : memref<1x12288xf32, #tpu.memory_space<vmem_shared>> -> memref<12288xf32, #tpu.memory_space<vmem_shared>>
      %dma_start3A_228 = arith.constant 0 : i32
      %dma_start3A_229 = tpu.memref_slice %arg17[%arg1, %dma_start3A_228] : memref<16x12288xf32, #tpu.memory_space<vmem_shared>> -> memref<1x12288xf32, #tpu.memory_space<vmem_shared>>
      %dma_start3A_230 = tpu.memref_squeeze %dma_start3A_229 : memref<1x12288xf32, #tpu.memory_space<vmem_shared>> -> memref<12288xf32, #tpu.memory_space<vmem_shared>>
      tpu.enqueue_dma source(%arg13 : memref<12288xf32, #tpu.memory_space<vmem>>) target(%dma_start3A_230 : memref<12288xf32, #tpu.memory_space<vmem_shared>>) target_semaphore(%run_scoped3A : memref<!tpu.dma_semaphore, #tpu.memory_space<semaphore_mem>>)
      %dma_wait3A_231 = arith.constant 0 : i32
      %dma_wait3A_232 = tpu.memref_slice %arg17[%arg1, %dma_wait3A_231] : memref<16x12288xf32, #tpu.memory_space<vmem_shared>> -> memref<1x12288xf32, #tpu.memory_space<vmem_shared>>
      %dma_wait3A_233 = tpu.memref_squeeze %dma_wait3A_232 : memref<1x12288xf32, #tpu.memory_space<vmem_shared>> -> memref<12288xf32, #tpu.memory_space<vmem_shared>>
      %dma_wait3A_234 = arith.constant 0 : i32
      %dma_wait3A_235 = tpu.memref_slice %arg17[%arg1, %dma_wait3A_234] : memref<16x12288xf32, #tpu.memory_space<vmem_shared>> -> memref<1x12288xf32, #tpu.memory_space<vmem_shared>>
      %dma_wait3A_236 = tpu.memref_squeeze %dma_wait3A_235 : memref<1x12288xf32, #tpu.memory_space<vmem_shared>> -> memref<12288xf32, #tpu.memory_space<vmem_shared>>
      tpu.wait_dma2 semaphore(%run_scoped3A : memref<!tpu.dma_semaphore, #tpu.memory_space<semaphore_mem>>) src(%arg13 : memref<12288xf32, #tpu.memory_space<vmem>>) dst(%dma_wait3A_236 : memref<12288xf32, #tpu.memory_space<vmem_shared>>)
      tpu.yield
    }) : () -> ()
    %barrier3A = arith.constant 0 : index
    tpu.barrier barrier_id(%barrier3A)
    %mul3A_215 = arith.constant 768 : i32
    %mul3A_216 = arith.muli %arg1, %mul3A_215 : i32
    "tpu.region"() ({
      %run_scoped3A = tpu.sem_alloc : memref<!tpu.dma_semaphore, #tpu.memory_space<semaphore_mem>>
      %dma_start3A_225 = arith.constant 0 : i32
      %dma_start3A_226 = tpu.memref_slice %arg17[%dma_start3A_225, %mul3A_216] : memref<16x12288xf32, #tpu.memory_space<vmem_shared>> -> memref<16x768xf32, #tpu.memory_space<vmem_shared>>
      %dma_start3A_227 = arith.constant 0 : i32
      %dma_start3A_228 = tpu.memref_slice %arg17[%dma_start3A_227, %mul3A_216] : memref<16x12288xf32, #tpu.memory_space<vmem_shared>> -> memref<16x768xf32, #tpu.memory_space<vmem_shared>>
      tpu.enqueue_dma source(%dma_start3A_228 : memref<16x768xf32, #tpu.memory_space<vmem_shared>>) target(%arg15 : memref<16x768xf32, #tpu.memory_space<vmem>>) target_semaphore(%run_scoped3A : memref<!tpu.dma_semaphore, #tpu.memory_space<semaphore_mem>>)
      %dma_wait3A_229 = arith.constant 0 : i32
      %dma_wait3A_230 = tpu.memref_slice %arg17[%dma_wait3A_229, %mul3A_216] : memref<16x12288xf32, #tpu.memory_space<vmem_shared>> -> memref<16x768xf32, #tpu.memory_space<vmem_shared>>
      %dma_wait3A_231 = arith.constant 0 : i32
      %dma_wait3A_232 = tpu.memref_slice %arg17[%dma_wait3A_231, %mul3A_216] : memref<16x12288xf32, #tpu.memory_space<vmem_shared>> -> memref<16x768xf32, #tpu.memory_space<vmem_shared>>
      tpu.wait_dma2 semaphore(%run_scoped3A : memref<!tpu.dma_semaphore, #tpu.memory_space<semaphore_mem>>) src(%dma_wait3A_232 : memref<16x768xf32, #tpu.memory_space<vmem_shared>>) dst(%arg15 : memref<16x768xf32, #tpu.memory_space<vmem>>)
      tpu.yield
    }) : () -> ()
    %scan3A_217 = arith.constant 0 : i32
    %scan3A_218 = arith.constant 0 : i32
    %scan3A_219 = arith.constant 48 : i32
    %scan3A_220 = arith.addi %scan3A_218, %scan3A_219 : i32
    %scan3A_221 = arith.constant 1 : i32
    scf.for %scan3A_225 = %scan3A_218 to %scan3A_220 step %scan3A_221  : i32 {
      %mul3A_226 = arith.constant 16 : i32
      %mul3A_227 = arith.muli %scan3A_225, %mul3A_226 : i32
      %get3A_228 = arith.constant 0 : i32
      %get3A_229 = arith.index_cast %get3A_228 : i32 to index
      %get3A_230 = arith.index_cast %mul3A_227 : i32 to index
      %get3A_231 = tpu.vector_load %arg15[%get3A_229, %get3A_230] {strides = array<i32>} : memref<16x768xf32, #tpu.memory_space<vmem>>, vector<16xf32>,
      %mul3A_232 = arith.constant 16 : i32
      %mul3A_233 = arith.muli %scan3A_225, %mul3A_232 : i32
      %get3A_234 = arith.constant 1 : i32
      %get3A_235 = arith.index_cast %get3A_234 : i32 to index
      %get3A_236 = arith.index_cast %mul3A_233 : i32 to index
      %get3A_237 = tpu.vector_load %arg15[%get3A_235, %get3A_236] {strides = array<i32>} : memref<16x768xf32, #tpu.memory_space<vmem>>, vector<16xf32>,
      %add3A_238 = arith.addf %get3A_231, %get3A_237 : vector<16xf32>
      %mul3A_239 = arith.constant 16 : i32
      %mul3A_240 = arith.muli %scan3A_225, %mul3A_239 : i32
      %get3A_241 = arith.constant 2 : i32
      %get3A_242 = arith.index_cast %get3A_241 : i32 to index
      %get3A_243 = arith.index_cast %mul3A_240 : i32 to index
      %get3A_244 = tpu.vector_load %arg15[%get3A_242, %get3A_243] {strides = array<i32>} : memref<16x768xf32, #tpu.memory_space<vmem>>, vector<16xf32>,
      %add3A_245 = arith.addf %add3A_238, %get3A_244 : vector<16xf32>
      %mul3A_246 = arith.constant 16 : i32
      %mul3A_247 = arith.muli %scan3A_225, %mul3A_246 : i32
      %get3A_248 = arith.constant 3 : i32
      %get3A_249 = arith.index_cast %get3A_248 : i32 to index
      %get3A_250 = arith.index_cast %mul3A_247 : i32 to index
      %get3A_251 = tpu.vector_load %arg15[%get3A_249, %get3A_250] {strides = array<i32>} : memref<16x768xf32, #tpu.memory_space<vmem>>, vector<16xf32>,
      %add3A_252 = arith.addf %add3A_245, %get3A_251 : vector<16xf32>
      %mul3A_253 = arith.constant 16 : i32
      %mul3A_254 = arith.muli %scan3A_225, %mul3A_253 : i32
      %get3A_255 = arith.constant 4 : i32
      %get3A_256 = arith.index_cast %get3A_255 : i32 to index
      %get3A_257 = arith.index_cast %mul3A_254 : i32 to index
      %get3A_258 = tpu.vector_load %arg15[%get3A_256, %get3A_257] {strides = array<i32>} : memref<16x768xf32, #tpu.memory_space<vmem>>, vector<16xf32>,
      %add3A_259 = arith.addf %add3A_252, %get3A_258 : vector<16xf32>
      %mul3A_260 = arith.constant 16 : i32
      %mul3A_261 = arith.muli %scan3A_225, %mul3A_260 : i32
      %get3A_262 = arith.constant 5 : i32
      %get3A_263 = arith.index_cast %get3A_262 : i32 to index
      %get3A_264 = arith.index_cast %mul3A_261 : i32 to index
      %get3A_265 = tpu.vector_load %arg15[%get3A_263, %get3A_264] {strides = array<i32>} : memref<16x768xf32, #tpu.memory_space<vmem>>, vector<16xf32>,
      %add3A_266 = arith.addf %add3A_259, %get3A_265 : vector<16xf32>
      %mul3A_267 = arith.constant 16 : i32
      %mul3A_268 = arith.muli %scan3A_225, %mul3A_267 : i32
      %get3A_269 = arith.constant 6 : i32
      %get3A_270 = arith.index_cast %get3A_269 : i32 to index
      %get3A_271 = arith.index_cast %mul3A_268 : i32 to index
      %get3A_272 = tpu.vector_load %arg15[%get3A_270, %get3A_271] {strides = array<i32>} : memref<16x768xf32, #tpu.memory_space<vmem>>, vector<16xf32>,
      %add3A_273 = arith.addf %add3A_266, %get3A_272 : vector<16xf32>
      %mul3A_274 = arith.constant 16 : i32
      %mul3A_275 = arith.muli %scan3A_225, %mul3A_274 : i32
      %get3A_276 = arith.constant 7 : i32
      %get3A_277 = arith.index_cast %get3A_276 : i32 to index
      %get3A_278 = arith.index_cast %mul3A_275 : i32 to index
      %get3A_279 = tpu.vector_load %arg15[%get3A_277, %get3A_278] {strides = array<i32>} : memref<16x768xf32, #tpu.memory_space<vmem>>, vector<16xf32>,
      %add3A_280 = arith.addf %add3A_273, %get3A_279 : vector<16xf32>
      %mul3A_281 = arith.constant 16 : i32
      %mul3A_282 = arith.muli %scan3A_225, %mul3A_281 : i32
      %get3A_283 = arith.constant 8 : i32
      %get3A_284 = arith.index_cast %get3A_283 : i32 to index
      %get3A_285 = arith.index_cast %mul3A_282 : i32 to index
      %get3A_286 = tpu.vector_load %arg15[%get3A_284, %get3A_285] {strides = array<i32>} : memref<16x768xf32, #tpu.memory_space<vmem>>, vector<16xf32>,
      %add3A_287 = arith.addf %add3A_280, %get3A_286 : vector<16xf32>
      %mul3A_288 = arith.constant 16 : i32
      %mul3A_289 = arith.muli %scan3A_225, %mul3A_288 : i32
      %get3A_290 = arith.constant 9 : i32
      %get3A_291 = arith.index_cast %get3A_290 : i32 to index
      %get3A_292 = arith.index_cast %mul3A_289 : i32 to index
      %get3A_293 = tpu.vector_load %arg15[%get3A_291, %get3A_292] {strides = array<i32>} : memref<16x768xf32, #tpu.memory_space<vmem>>, vector<16xf32>,
      %add3A_294 = arith.addf %add3A_287, %get3A_293 : vector<16xf32>
      %mul3A_295 = arith.constant 16 : i32
      %mul3A_296 = arith.muli %scan3A_225, %mul3A_295 : i32
      %get3A_297 = arith.constant 10 : i32
      %get3A_298 = arith.index_cast %get3A_297 : i32 to index
      %get3A_299 = arith.index_cast %mul3A_296 : i32 to index
      %get3A_300 = tpu.vector_load %arg15[%get3A_298, %get3A_299] {strides = array<i32>} : memref<16x768xf32, #tpu.memory_space<vmem>>, vector<16xf32>,
      %add3A_301 = arith.addf %add3A_294, %get3A_300 : vector<16xf32>
      %mul3A_302 = arith.constant 16 : i32
      %mul3A_303 = arith.muli %scan3A_225, %mul3A_302 : i32
      %get3A_304 = arith.constant 11 : i32
      %get3A_305 = arith.index_cast %get3A_304 : i32 to index
      %get3A_306 = arith.index_cast %mul3A_303 : i32 to index
      %get3A_307 = tpu.vector_load %arg15[%get3A_305, %get3A_306] {strides = array<i32>} : memref<16x768xf32, #tpu.memory_space<vmem>>, vector<16xf32>,
      %add3A_308 = arith.addf %add3A_301, %get3A_307 : vector<16xf32>
      %mul3A_309 = arith.constant 16 : i32
      %mul3A_310 = arith.muli %scan3A_225, %mul3A_309 : i32
      %get3A_311 = arith.constant 12 : i32
      %get3A_312 = arith.index_cast %get3A_311 : i32 to index
      %get3A_313 = arith.index_cast %mul3A_310 : i32 to index
      %get3A_314 = tpu.vector_load %arg15[%get3A_312, %get3A_313] {strides = array<i32>} : memref<16x768xf32, #tpu.memory_space<vmem>>, vector<16xf32>,
      %add3A_315 = arith.addf %add3A_308, %get3A_314 : vector<16xf32>
      %mul3A_316 = arith.constant 16 : i32
      %mul3A_317 = arith.muli %scan3A_225, %mul3A_316 : i32
      %get3A_318 = arith.constant 13 : i32
      %get3A_319 = arith.index_cast %get3A_318 : i32 to index
      %get3A_320 = arith.index_cast %mul3A_317 : i32 to index
      %get3A_321 = tpu.vector_load %arg15[%get3A_319, %get3A_320] {strides = array<i32>} : memref<16x768xf32, #tpu.memory_space<vmem>>, vector<16xf32>,
      %add3A_322 = arith.addf %add3A_315, %get3A_321 : vector<16xf32>
      %mul3A_323 = arith.constant 16 : i32
      %mul3A_324 = arith.muli %scan3A_225, %mul3A_323 : i32
      %get3A_325 = arith.constant 14 : i32
      %get3A_326 = arith.index_cast %get3A_325 : i32 to index
      %get3A_327 = arith.index_cast %mul3A_324 : i32 to index
      %get3A_328 = tpu.vector_load %arg15[%get3A_326, %get3A_327] {strides = array<i32>} : memref<16x768xf32, #tpu.memory_space<vmem>>, vector<16xf32>,
      %add3A_329 = arith.addf %add3A_322, %get3A_328 : vector<16xf32>
      %mul3A_330 = arith.constant 16 : i32
      %mul3A_331 = arith.muli %scan3A_225, %mul3A_330 : i32
      %get3A_332 = arith.constant 15 : i32
      %get3A_333 = arith.index_cast %get3A_332 : i32 to index
      %get3A_334 = arith.index_cast %mul3A_331 : i32 to index
      %get3A_335 = tpu.vector_load %arg15[%get3A_333, %get3A_334] {strides = array<i32>} : memref<16x768xf32, #tpu.memory_space<vmem>>, vector<16xf32>,
      %add3A_336 = arith.addf %add3A_329, %get3A_335 : vector<16xf32>
      %mul3A_337 = arith.constant 16 : i32
      %mul3A_338 = arith.muli %scan3A_225, %mul3A_337 : i32
      %swap3A_339 = arith.index_cast %mul3A_338 : i32 to index
      %swap3A_340 = tpu.vector_load %arg16[%swap3A_339] {strides = array<i32>} : memref<768xf32, #tpu.memory_space<vmem>>, vector<16xf32>,
      tpu.vector_store %arg16[%swap3A_339], %add3A_336 {strides = array<i32>} : memref<768xf32, #tpu.memory_space<vmem>>, vector<16xf32>,
    }
    %scan3A_222 = arith.constant 48 : i32
    %mul3A_223 = arith.constant 768 : i32
    %mul3A_224 = arith.muli %arg1, %mul3A_223 : i32
    "tpu.region"() ({
      %run_scoped3A = tpu.sem_alloc : memref<!tpu.dma_semaphore, #tpu.memory_space<semaphore_mem>>
      %dma_start3A_225 = tpu.memref_slice %arg7[%arg0, %mul3A_224] : memref<2x12288xf32, #tpu.memory_space<hbm>> -> memref<1x768xf32, #tpu.memory_space<hbm>>
      %dma_start3A_226 = tpu.memref_squeeze %dma_start3A_225 : memref<1x768xf32, #tpu.memory_space<hbm>> -> memref<768xf32, #tpu.memory_space<hbm>>
      %dma_start3A_227 = tpu.memref_slice %arg7[%arg0, %mul3A_224] : memref<2x12288xf32, #tpu.memory_space<hbm>> -> memref<1x768xf32, #tpu.memory_space<hbm>>
      %dma_start3A_228 = tpu.memref_squeeze %dma_start3A_227 : memref<1x768xf32, #tpu.memory_space<hbm>> -> memref<768xf32, #tpu.memory_space<hbm>>
      tpu.enqueue_dma source(%arg16 : memref<768xf32, #tpu.memory_space<vmem>>) target(%dma_start3A_228 : memref<768xf32, #tpu.memory_space<hbm>>) target_semaphore(%run_scoped3A : memref<!tpu.dma_semaphore, #tpu.memory_space<semaphore_mem>>)
      %dma_wait3A_229 = tpu.memref_slice %arg7[%arg0, %mul3A_224] : memref<2x12288xf32, #tpu.memory_space<hbm>> -> memref<1x768xf32, #tpu.memory_space<hbm>>
      %dma_wait3A_230 = tpu.memref_squeeze %dma_wait3A_229 : memref<1x768xf32, #tpu.memory_space<hbm>> -> memref<768xf32, #tpu.memory_space<hbm>>
      %dma_wait3A_231 = tpu.memref_slice %arg7[%arg0, %mul3A_224] : memref<2x12288xf32, #tpu.memory_space<hbm>> -> memref<1x768xf32, #tpu.memory_space<hbm>>
      %dma_wait3A_232 = tpu.memref_squeeze %dma_wait3A_231 : memref<1x768xf32, #tpu.memory_space<hbm>> -> memref<768xf32, #tpu.memory_space<hbm>>
      tpu.wait_dma2 semaphore(%run_scoped3A : memref<!tpu.dma_semaphore, #tpu.memory_space<semaphore_mem>>) src(%arg16 : memref<768xf32, #tpu.memory_space<vmem>>) dst(%dma_wait3A_232 : memref<768xf32, #tpu.memory_space<hbm>>)
      tpu.yield
    }) : () -> ()
    "tpu.region"() ({
      %run_scoped3A = tpu.sem_alloc : memref<!tpu.dma_semaphore, #tpu.memory_space<semaphore_mem>>
      %dma_start3A_225 = arith.constant 0 : i32
      %dma_start3A_226 = tpu.memref_slice %arg8[%add3A, %dma_start3A_225] : memref<32x384xf32, #tpu.memory_space<hbm>> -> memref<1x384xf32, #tpu.memory_space<hbm>>
      %dma_start3A_227 = tpu.memref_squeeze %dma_start3A_226 : memref<1x384xf32, #tpu.memory_space<hbm>> -> memref<384xf32, #tpu.memory_space<hbm>>
      %dma_start3A_228 = arith.constant 0 : i32
      %dma_start3A_229 = tpu.memref_slice %arg8[%add3A, %dma_start3A_228] : memref<32x384xf32, #tpu.memory_space<hbm>> -> memref<1x384xf32, #tpu.memory_space<hbm>>
      %dma_start3A_230 = tpu.memref_squeeze %dma_start3A_229 : memref<1x384xf32, #tpu.memory_space<hbm>> -> memref<384xf32, #tpu.memory_space<hbm>>
      tpu.enqueue_dma source(%arg14 : memref<384xf32, #tpu.memory_space<vmem>>) target(%dma_start3A_230 : memref<384xf32, #tpu.memory_space<hbm>>) target_semaphore(%run_scoped3A : memref<!tpu.dma_semaphore, #tpu.memory_space<semaphore_mem>>)
      %dma_wait3A_231 = arith.constant 0 : i32
      %dma_wait3A_232 = tpu.memref_slice %arg8[%add3A, %dma_wait3A_231] : memref<32x384xf32, #tpu.memory_space<hbm>> -> memref<1x384xf32, #tpu.memory_space<hbm>>
      %dma_wait3A_233 = tpu.memref_squeeze %dma_wait3A_232 : memref<1x384xf32, #tpu.memory_space<hbm>> -> memref<384xf32, #tpu.memory_space<hbm>>
      %dma_wait3A_234 = arith.constant 0 : i32
      %dma_wait3A_235 = tpu.memref_slice %arg8[%add3A, %dma_wait3A_234] : memref<32x384xf32, #tpu.memory_space<hbm>> -> memref<1x384xf32, #tpu.memory_space<hbm>>
      %dma_wait3A_236 = tpu.memref_squeeze %dma_wait3A_235 : memref<1x384xf32, #tpu.memory_space<hbm>> -> memref<384xf32, #tpu.memory_space<hbm>>
      tpu.wait_dma2 semaphore(%run_scoped3A : memref<!tpu.dma_semaphore, #tpu.memory_space<semaphore_mem>>) src(%arg14 : memref<384xf32, #tpu.memory_space<vmem>>) dst(%dma_wait3A_236 : memref<384xf32, #tpu.memory_space<hbm>>)
      tpu.yield
    }) : () -> ()
    return
  }
}

#map = affine_map<(d0, d1) -> (0, 0)>
#map1 = affine_map<(d0, d1) -> (0, 0, 0)>
module attributes {stable_mosaic.version = 14 : i64} {
  func.func @body(%arg0: i32, %arg1: i32, %arg2: memref<12288x128xf32, #tpu.memory_space<hbm>>, %arg3: memref<32x79x128xi32, #tpu.memory_space<hbm>>, %arg4: memref<32x79x128xi32, #tpu.memory_space<hbm>>, %arg5: memref<632x128xf32, #tpu.memory_space<hbm>>, %arg6: memref<2x10112x128xf32, #tpu.memory_space<hbm>>, %arg7: memref<79x128xi32, #tpu.memory_space<vmem>>, %arg8: memref<79x128xi32, #tpu.memory_space<vmem>>, %arg9: memref<128x128xf32, #tpu.memory_space<vmem>>, %arg10: memref<10112x128xf32, #tpu.memory_space<vmem_shared>>, %arg11: memref<!tpu.dma_semaphore, #tpu.memory_space<semaphore_mem>>) attributes {dimension_semantics = [#tpu.dimension_semantics<core_parallel>, #tpu.dimension_semantics<subcore_parallel>], iteration_bounds = array<i64: 2, 16>, scalar_prefetch = 0 : i64, scratch_operands = 5 : i64, tpu.core_type = #tpu.core_type<sc_vector_subcore>, window_params = [{transform_indices = #map}, {transform_indices = #map1}, {transform_indices = #map1}, {transform_indices = #map}, {transform_indices = #map1}]} {
    %mul3A = arith.constant 2 : i32
    %mul3A_0 = arith.muli %arg1, %mul3A : i32
    %add3A = arith.addi %mul3A_0, %arg0 : i32
    "tpu.region"() ({
      %run_scoped3A = tpu.sem_alloc : memref<!tpu.dma_semaphore, #tpu.memory_space<semaphore_mem>>
      %dma_start3A = arith.constant 0 : i32
      %dma_start3A_13 = arith.constant 0 : i32
      %dma_start3A_14 = tpu.memref_slice %arg3[%add3A, %dma_start3A, %dma_start3A_13] : memref<32x79x128xi32, #tpu.memory_space<hbm>> -> memref<1x79x128xi32, #tpu.memory_space<hbm>>
      %dma_start3A_15 = tpu.memref_squeeze %dma_start3A_14 : memref<1x79x128xi32, #tpu.memory_space<hbm>> -> memref<79x128xi32, #tpu.memory_space<hbm>>
      %dma_start3A_16 = arith.constant 0 : i32
      %dma_start3A_17 = arith.constant 0 : i32
      %dma_start3A_18 = tpu.memref_slice %arg3[%add3A, %dma_start3A_16, %dma_start3A_17] : memref<32x79x128xi32, #tpu.memory_space<hbm>> -> memref<1x79x128xi32, #tpu.memory_space<hbm>>
      %dma_start3A_19 = tpu.memref_squeeze %dma_start3A_18 : memref<1x79x128xi32, #tpu.memory_space<hbm>> -> memref<79x128xi32, #tpu.memory_space<hbm>>
      tpu.enqueue_dma source(%dma_start3A_19 : memref<79x128xi32, #tpu.memory_space<hbm>>) target(%arg7 : memref<79x128xi32, #tpu.memory_space<vmem>>) target_semaphore(%run_scoped3A : memref<!tpu.dma_semaphore, #tpu.memory_space<semaphore_mem>>)
      %dma_wait3A = arith.constant 0 : i32
      %dma_wait3A_20 = arith.constant 0 : i32
      %dma_wait3A_21 = tpu.memref_slice %arg3[%add3A, %dma_wait3A, %dma_wait3A_20] : memref<32x79x128xi32, #tpu.memory_space<hbm>> -> memref<1x79x128xi32, #tpu.memory_space<hbm>>
      %dma_wait3A_22 = tpu.memref_squeeze %dma_wait3A_21 : memref<1x79x128xi32, #tpu.memory_space<hbm>> -> memref<79x128xi32, #tpu.memory_space<hbm>>
      %dma_wait3A_23 = arith.constant 0 : i32
      %dma_wait3A_24 = arith.constant 0 : i32
      %dma_wait3A_25 = tpu.memref_slice %arg3[%add3A, %dma_wait3A_23, %dma_wait3A_24] : memref<32x79x128xi32, #tpu.memory_space<hbm>> -> memref<1x79x128xi32, #tpu.memory_space<hbm>>
      %dma_wait3A_26 = tpu.memref_squeeze %dma_wait3A_25 : memref<1x79x128xi32, #tpu.memory_space<hbm>> -> memref<79x128xi32, #tpu.memory_space<hbm>>
      tpu.wait_dma2 semaphore(%run_scoped3A : memref<!tpu.dma_semaphore, #tpu.memory_space<semaphore_mem>>) src(%dma_wait3A_26 : memref<79x128xi32, #tpu.memory_space<hbm>>) dst(%arg7 : memref<79x128xi32, #tpu.memory_space<vmem>>)
      tpu.yield
    }) : () -> ()
    "tpu.region"() ({
      %run_scoped3A = tpu.sem_alloc : memref<!tpu.dma_semaphore, #tpu.memory_space<semaphore_mem>>
      %dma_start3A = arith.constant 0 : i32
      %dma_start3A_13 = arith.constant 0 : i32
      %dma_start3A_14 = tpu.memref_slice %arg4[%add3A, %dma_start3A, %dma_start3A_13] : memref<32x79x128xi32, #tpu.memory_space<hbm>> -> memref<1x79x128xi32, #tpu.memory_space<hbm>>
      %dma_start3A_15 = tpu.memref_squeeze %dma_start3A_14 : memref<1x79x128xi32, #tpu.memory_space<hbm>> -> memref<79x128xi32, #tpu.memory_space<hbm>>
      %dma_start3A_16 = arith.constant 0 : i32
      %dma_start3A_17 = arith.constant 0 : i32
      %dma_start3A_18 = tpu.memref_slice %arg4[%add3A, %dma_start3A_16, %dma_start3A_17] : memref<32x79x128xi32, #tpu.memory_space<hbm>> -> memref<1x79x128xi32, #tpu.memory_space<hbm>>
      %dma_start3A_19 = tpu.memref_squeeze %dma_start3A_18 : memref<1x79x128xi32, #tpu.memory_space<hbm>> -> memref<79x128xi32, #tpu.memory_space<hbm>>
      tpu.enqueue_dma source(%dma_start3A_19 : memref<79x128xi32, #tpu.memory_space<hbm>>) target(%arg8 : memref<79x128xi32, #tpu.memory_space<vmem>>) target_semaphore(%run_scoped3A : memref<!tpu.dma_semaphore, #tpu.memory_space<semaphore_mem>>)
      %dma_wait3A = arith.constant 0 : i32
      %dma_wait3A_20 = arith.constant 0 : i32
      %dma_wait3A_21 = tpu.memref_slice %arg4[%add3A, %dma_wait3A, %dma_wait3A_20] : memref<32x79x128xi32, #tpu.memory_space<hbm>> -> memref<1x79x128xi32, #tpu.memory_space<hbm>>
      %dma_wait3A_22 = tpu.memref_squeeze %dma_wait3A_21 : memref<1x79x128xi32, #tpu.memory_space<hbm>> -> memref<79x128xi32, #tpu.memory_space<hbm>>
      %dma_wait3A_23 = arith.constant 0 : i32
      %dma_wait3A_24 = arith.constant 0 : i32
      %dma_wait3A_25 = tpu.memref_slice %arg4[%add3A, %dma_wait3A_23, %dma_wait3A_24] : memref<32x79x128xi32, #tpu.memory_space<hbm>> -> memref<1x79x128xi32, #tpu.memory_space<hbm>>
      %dma_wait3A_26 = tpu.memref_squeeze %dma_wait3A_25 : memref<1x79x128xi32, #tpu.memory_space<hbm>> -> memref<79x128xi32, #tpu.memory_space<hbm>>
      tpu.wait_dma2 semaphore(%run_scoped3A : memref<!tpu.dma_semaphore, #tpu.memory_space<semaphore_mem>>) src(%dma_wait3A_26 : memref<79x128xi32, #tpu.memory_space<hbm>>) dst(%arg8 : memref<79x128xi32, #tpu.memory_space<vmem>>)
      tpu.yield
    }) : () -> ()
    %mul3A_1 = arith.constant 632 : i32
    %mul3A_2 = arith.muli %arg1, %mul3A_1 : i32
    "tpu.region"() ({
      %run_scoped3A = tpu.sem_alloc : memref<!tpu.dma_semaphore, #tpu.memory_space<semaphore_mem>>
      %dma_start3A = arith.constant 0 : i32
      %dma_start3A_13 = tpu.memref_slice %arg10[%mul3A_2, %dma_start3A] : memref<10112x128xf32, #tpu.memory_space<vmem_shared>> -> memref<632x128xf32, #tpu.memory_space<vmem_shared>>
      tpu.enqueue_dma source(%arg5 : memref<632x128xf32, #tpu.memory_space<hbm>>) target(%dma_start3A_13 : memref<632x128xf32, #tpu.memory_space<vmem_shared>>) target_semaphore(%run_scoped3A : memref<!tpu.dma_semaphore, #tpu.memory_space<semaphore_mem>>)
      %dma_wait3A = arith.constant 0 : i32
      %dma_wait3A_14 = tpu.memref_slice %arg10[%mul3A_2, %dma_wait3A] : memref<10112x128xf32, #tpu.memory_space<vmem_shared>> -> memref<632x128xf32, #tpu.memory_space<vmem_shared>>
      tpu.wait_dma2 semaphore(%run_scoped3A : memref<!tpu.dma_semaphore, #tpu.memory_space<semaphore_mem>>) src(%arg5 : memref<632x128xf32, #tpu.memory_space<hbm>>) dst(%dma_wait3A_14 : memref<632x128xf32, #tpu.memory_space<vmem_shared>>)
      tpu.yield
    }) : () -> ()
    %barrier3A = arith.constant 0 : index
    tpu.barrier barrier_id(%barrier3A)
    %scan3A = arith.constant 0 : i32
    %scan3A_3 = arith.constant 0 : i32
    %scan3A_4 = arith.constant 79 : i32
    %scan3A_5 = arith.addi %scan3A_3, %scan3A_4 : i32
    %scan3A_6 = arith.constant 1 : i32
    scf.for %scan3A_13 = %scan3A_3 to %scan3A_5 step %scan3A_6  : i32 {
      %dma_start3A = arith.constant 0 : i32
      %dma_start3A_14 = tpu.memref_slice %arg7[%scan3A_13, %dma_start3A] : memref<79x128xi32, #tpu.memory_space<vmem>> -> memref<1x128xi32, #tpu.memory_space<vmem>>
      %dma_start3A_15 = tpu.memref_squeeze %dma_start3A_14 : memref<1x128xi32, #tpu.memory_space<vmem>> -> memref<128xi32, #tpu.memory_space<vmem>>
      %dma_start3A_16 = arith.constant 0 : i32
      %dma_start3A_17 = arith.constant 0 : i32
      %dma_start3A_18 = tpu.memref_slice %arg2[%dma_start3A_16, %dma_start3A_17] : memref<12288x128xf32, #tpu.memory_space<hbm>> -> memref<12288x128xf32, #tpu.memory_space<hbm>>
      tpu.enqueue_indirect_dma source(%dma_start3A_18 : memref<12288x128xf32, #tpu.memory_space<hbm>>) target(%arg9 : memref<128x128xf32, #tpu.memory_space<vmem>>) offsets(%dma_start3A_15 : memref<128xi32, #tpu.memory_space<vmem>>) semaphore(%arg11 : memref<!tpu.dma_semaphore, #tpu.memory_space<semaphore_mem>>)
      %dma_wait3A = arith.constant 0 : i32
      %dma_wait3A_19 = tpu.memref_slice %arg7[%scan3A_13, %dma_wait3A] : memref<79x128xi32, #tpu.memory_space<vmem>> -> memref<1x128xi32, #tpu.memory_space<vmem>>
      %dma_wait3A_20 = tpu.memref_squeeze %dma_wait3A_19 : memref<1x128xi32, #tpu.memory_space<vmem>> -> memref<128xi32, #tpu.memory_space<vmem>>
      %dma_wait3A_21 = arith.constant 0 : i32
      %dma_wait3A_22 = arith.constant 0 : i32
      %dma_wait3A_23 = tpu.memref_slice %arg2[%dma_wait3A_21, %dma_wait3A_22] : memref<12288x128xf32, #tpu.memory_space<hbm>> -> memref<12288x128xf32, #tpu.memory_space<hbm>>
      tpu.wait_indirect_dma semaphore(%arg11 : memref<!tpu.dma_semaphore, #tpu.memory_space<semaphore_mem>>) src(%dma_wait3A_23 : memref<12288x128xf32, #tpu.memory_space<hbm>>) dst(%arg9 : memref<128x128xf32, #tpu.memory_space<vmem>>)
      "tpu.region"() ({
        %run_scoped3A = tpu.sem_alloc : memref<!tpu.dma_semaphore, #tpu.memory_space<semaphore_mem>>
        %dma_start3A_24 = arith.constant 0 : i32
        %dma_start3A_25 = tpu.memref_slice %arg8[%scan3A_13, %dma_start3A_24] : memref<79x128xi32, #tpu.memory_space<vmem>> -> memref<1x128xi32, #tpu.memory_space<vmem>>
        %dma_start3A_26 = tpu.memref_squeeze %dma_start3A_25 : memref<1x128xi32, #tpu.memory_space<vmem>> -> memref<128xi32, #tpu.memory_space<vmem>>
        %dma_start3A_27 = arith.constant 0 : i32
        %dma_start3A_28 = arith.constant 0 : i32
        %dma_start3A_29 = tpu.memref_slice %arg10[%dma_start3A_27, %dma_start3A_28] : memref<10112x128xf32, #tpu.memory_space<vmem_shared>> -> memref<10112x128xf32, #tpu.memory_space<vmem_shared>>
        tpu.enqueue_indirect_dma source(%arg9 : memref<128x128xf32, #tpu.memory_space<vmem>>) target(%dma_start3A_29 : memref<10112x128xf32, #tpu.memory_space<vmem_shared>>) offsets(%dma_start3A_26 : memref<128xi32, #tpu.memory_space<vmem>>) semaphore(%run_scoped3A : memref<!tpu.dma_semaphore, #tpu.memory_space<semaphore_mem>>) {add = true}
        %dma_wait3A_30 = arith.constant 0 : i32
        %dma_wait3A_31 = tpu.memref_slice %arg8[%scan3A_13, %dma_wait3A_30] : memref<79x128xi32, #tpu.memory_space<vmem>> -> memref<1x128xi32, #tpu.memory_space<vmem>>
        %dma_wait3A_32 = tpu.memref_squeeze %dma_wait3A_31 : memref<1x128xi32, #tpu.memory_space<vmem>> -> memref<128xi32, #tpu.memory_space<vmem>>
        %dma_wait3A_33 = arith.constant 0 : i32
        %dma_wait3A_34 = arith.constant 0 : i32
        %dma_wait3A_35 = tpu.memref_slice %arg10[%dma_wait3A_33, %dma_wait3A_34] : memref<10112x128xf32, #tpu.memory_space<vmem_shared>> -> memref<10112x128xf32, #tpu.memory_space<vmem_shared>>
        tpu.wait_indirect_dma semaphore(%run_scoped3A : memref<!tpu.dma_semaphore, #tpu.memory_space<semaphore_mem>>) src(%arg9 : memref<128x128xf32, #tpu.memory_space<vmem>>) dst(%dma_wait3A_35 : memref<10112x128xf32, #tpu.memory_space<vmem_shared>>)
        tpu.yield
      }) : () -> ()
    }
    %scan3A_7 = arith.constant 79 : i32
    %barrier3A_8 = arith.constant 0 : index
    tpu.barrier barrier_id(%barrier3A_8)
    %mul3A_9 = arith.constant 632 : i32
    %mul3A_10 = arith.muli %arg1, %mul3A_9 : i32
    %mul3A_11 = arith.constant 632 : i32
    %mul3A_12 = arith.muli %arg1, %mul3A_11 : i32
    "tpu.region"() ({
      %run_scoped3A = tpu.sem_alloc : memref<!tpu.dma_semaphore, #tpu.memory_space<semaphore_mem>>
      %dma_start3A = arith.constant 0 : i32
      %dma_start3A_13 = tpu.memref_slice %arg6[%arg0, %mul3A_12, %dma_start3A] : memref<2x10112x128xf32, #tpu.memory_space<hbm>> -> memref<1x632x128xf32, #tpu.memory_space<hbm>>
      %dma_start3A_14 = tpu.memref_squeeze %dma_start3A_13 : memref<1x632x128xf32, #tpu.memory_space<hbm>> -> memref<632x128xf32, #tpu.memory_space<hbm>>
      %dma_start3A_15 = arith.constant 0 : i32
      %dma_start3A_16 = tpu.memref_slice %arg10[%mul3A_10, %dma_start3A_15] : memref<10112x128xf32, #tpu.memory_space<vmem_shared>> -> memref<632x128xf32, #tpu.memory_space<vmem_shared>>
      tpu.enqueue_dma source(%dma_start3A_16 : memref<632x128xf32, #tpu.memory_space<vmem_shared>>) target(%dma_start3A_14 : memref<632x128xf32, #tpu.memory_space<hbm>>) target_semaphore(%run_scoped3A : memref<!tpu.dma_semaphore, #tpu.memory_space<semaphore_mem>>)
      %dma_wait3A = arith.constant 0 : i32
      %dma_wait3A_17 = tpu.memref_slice %arg6[%arg0, %mul3A_12, %dma_wait3A] : memref<2x10112x128xf32, #tpu.memory_space<hbm>> -> memref<1x632x128xf32, #tpu.memory_space<hbm>>
      %dma_wait3A_18 = tpu.memref_squeeze %dma_wait3A_17 : memref<1x632x128xf32, #tpu.memory_space<hbm>> -> memref<632x128xf32, #tpu.memory_space<hbm>>
      %dma_wait3A_19 = arith.constant 0 : i32
      %dma_wait3A_20 = tpu.memref_slice %arg10[%mul3A_10, %dma_wait3A_19] : memref<10112x128xf32, #tpu.memory_space<vmem_shared>> -> memref<632x128xf32, #tpu.memory_space<vmem_shared>>
      tpu.wait_dma2 semaphore(%run_scoped3A : memref<!tpu.dma_semaphore, #tpu.memory_space<semaphore_mem>>) src(%dma_wait3A_20 : memref<632x128xf32, #tpu.memory_space<vmem_shared>>) dst(%dma_wait3A_18 : memref<632x128xf32, #tpu.memory_space<hbm>>)
      tpu.yield
    }) : () -> ()
    return
  }
}

#map = affine_map<(d0, d1) -> (0, 0)>
#map1 = affine_map<(d0, d1) -> (0, 0, 0)>
module attributes {stable_mosaic.version = 14 : i64} {
  func.func @body(%arg0: i32, %arg1: i32, %arg2: memref<12288x128xf32, #tpu.memory_space<hbm>>, %arg3: memref<32x3x128xi32, #tpu.memory_space<hbm>>, %arg4: memref<632x128xf32, #tpu.memory_space<hbm>>, %arg5: memref<2x384x128xf32, #tpu.memory_space<hbm>>, %arg6: memref<3x128xi32, #tpu.memory_space<vmem>>, %arg7: memref<128x128xf32, #tpu.memory_space<vmem>>, %arg8: memref<384x128xf32, #tpu.memory_space<vmem_shared>>) attributes {dimension_semantics = [#tpu.dimension_semantics<core_parallel>, #tpu.dimension_semantics<subcore_parallel>], iteration_bounds = array<i64: 2, 16>, scalar_prefetch = 0 : i64, scratch_operands = 3 : i64, tpu.core_type = #tpu.core_type<sc_vector_subcore>, window_params = [{transform_indices = #map}, {transform_indices = #map1}, {transform_indices = #map}, {transform_indices = #map1}]} {
    %mul3A = arith.constant 2 : i32
    %mul3A_0 = arith.muli %arg1, %mul3A : i32
    %add3A = arith.addi %mul3A_0, %arg0 : i32
    "tpu.region"() ({
      %run_scoped3A_28 = tpu.sem_alloc : memref<!tpu.dma_semaphore, #tpu.memory_space<semaphore_mem>>
      %dma_start3A = arith.constant 0 : i32
      %dma_start3A_29 = arith.constant 0 : i32
      %dma_start3A_30 = tpu.memref_slice %arg3[%add3A, %dma_start3A, %dma_start3A_29] : memref<32x3x128xi32, #tpu.memory_space<hbm>> -> memref<1x3x128xi32, #tpu.memory_space<hbm>>
      %dma_start3A_31 = tpu.memref_squeeze %dma_start3A_30 : memref<1x3x128xi32, #tpu.memory_space<hbm>> -> memref<3x128xi32, #tpu.memory_space<hbm>>
      %dma_start3A_32 = arith.constant 0 : i32
      %dma_start3A_33 = arith.constant 0 : i32
      %dma_start3A_34 = tpu.memref_slice %arg3[%add3A, %dma_start3A_32, %dma_start3A_33] : memref<32x3x128xi32, #tpu.memory_space<hbm>> -> memref<1x3x128xi32, #tpu.memory_space<hbm>>
      %dma_start3A_35 = tpu.memref_squeeze %dma_start3A_34 : memref<1x3x128xi32, #tpu.memory_space<hbm>> -> memref<3x128xi32, #tpu.memory_space<hbm>>
      tpu.enqueue_dma source(%dma_start3A_35 : memref<3x128xi32, #tpu.memory_space<hbm>>) target(%arg6 : memref<3x128xi32, #tpu.memory_space<vmem>>) target_semaphore(%run_scoped3A_28 : memref<!tpu.dma_semaphore, #tpu.memory_space<semaphore_mem>>)
      %dma_wait3A = arith.constant 0 : i32
      %dma_wait3A_36 = arith.constant 0 : i32
      %dma_wait3A_37 = tpu.memref_slice %arg3[%add3A, %dma_wait3A, %dma_wait3A_36] : memref<32x3x128xi32, #tpu.memory_space<hbm>> -> memref<1x3x128xi32, #tpu.memory_space<hbm>>
      %dma_wait3A_38 = tpu.memref_squeeze %dma_wait3A_37 : memref<1x3x128xi32, #tpu.memory_space<hbm>> -> memref<3x128xi32, #tpu.memory_space<hbm>>
      %dma_wait3A_39 = arith.constant 0 : i32
      %dma_wait3A_40 = arith.constant 0 : i32
      %dma_wait3A_41 = tpu.memref_slice %arg3[%add3A, %dma_wait3A_39, %dma_wait3A_40] : memref<32x3x128xi32, #tpu.memory_space<hbm>> -> memref<1x3x128xi32, #tpu.memory_space<hbm>>
      %dma_wait3A_42 = tpu.memref_squeeze %dma_wait3A_41 : memref<1x3x128xi32, #tpu.memory_space<hbm>> -> memref<3x128xi32, #tpu.memory_space<hbm>>
      tpu.wait_dma2 semaphore(%run_scoped3A_28 : memref<!tpu.dma_semaphore, #tpu.memory_space<semaphore_mem>>) src(%dma_wait3A_42 : memref<3x128xi32, #tpu.memory_space<hbm>>) dst(%arg6 : memref<3x128xi32, #tpu.memory_space<vmem>>)
      tpu.yield
    }) : () -> ()
    %mul3A_1 = arith.constant 24 : i32
    %mul3A_2 = arith.muli %arg1, %mul3A_1 : i32
    "tpu.region"() ({
      %run_scoped3A_28 = tpu.sem_alloc : memref<!tpu.dma_semaphore, #tpu.memory_space<semaphore_mem>>
      %dma_start3A = arith.constant 0 : i32
      %dma_start3A_29 = tpu.memref_slice %arg8[%mul3A_2, %dma_start3A] : memref<384x128xf32, #tpu.memory_space<vmem_shared>> -> memref<24x128xf32, #tpu.memory_space<vmem_shared>>
      %dma_start3A_30 = arith.constant 0 : i32
      %dma_start3A_31 = arith.constant 0 : i32
      %dma_start3A_32 = tpu.memref_slice %arg4[%dma_start3A_30, %dma_start3A_31] : memref<632x128xf32, #tpu.memory_space<hbm>> -> memref<24x128xf32, #tpu.memory_space<hbm>>
      tpu.enqueue_dma source(%dma_start3A_32 : memref<24x128xf32, #tpu.memory_space<hbm>>) target(%dma_start3A_29 : memref<24x128xf32, #tpu.memory_space<vmem_shared>>) target_semaphore(%run_scoped3A_28 : memref<!tpu.dma_semaphore, #tpu.memory_space<semaphore_mem>>)
      %dma_wait3A = arith.constant 0 : i32
      %dma_wait3A_33 = tpu.memref_slice %arg8[%mul3A_2, %dma_wait3A] : memref<384x128xf32, #tpu.memory_space<vmem_shared>> -> memref<24x128xf32, #tpu.memory_space<vmem_shared>>
      %dma_wait3A_34 = arith.constant 0 : i32
      %dma_wait3A_35 = arith.constant 0 : i32
      %dma_wait3A_36 = tpu.memref_slice %arg4[%dma_wait3A_34, %dma_wait3A_35] : memref<632x128xf32, #tpu.memory_space<hbm>> -> memref<24x128xf32, #tpu.memory_space<hbm>>
      tpu.wait_dma2 semaphore(%run_scoped3A_28 : memref<!tpu.dma_semaphore, #tpu.memory_space<semaphore_mem>>) src(%dma_wait3A_36 : memref<24x128xf32, #tpu.memory_space<hbm>>) dst(%dma_wait3A_33 : memref<24x128xf32, #tpu.memory_space<vmem_shared>>)
      tpu.yield
    }) : () -> ()
    %barrier3A = arith.constant 0 : index
    tpu.barrier barrier_id(%barrier3A)
    %mul3A_3 = arith.constant 3 : i32
    %mul3A_4 = arith.muli %add3A, %mul3A_3 : i32
    %mul3A_5 = arith.constant 128 : i32
    %mul3A_6 = arith.muli %mul3A_4, %mul3A_5 : i32
    %add3A_7 = arith.constant 0 : i32
    %add3A_8 = arith.addi %mul3A_6, %add3A_7 : i32
    "tpu.region"() ({
      %run_scoped3A_28 = tpu.sem_alloc : memref<!tpu.dma_semaphore, #tpu.memory_space<semaphore_mem>>
      %dma_start3A = arith.constant 0 : i32
      %dma_start3A_29 = tpu.memref_slice %arg2[%add3A_8, %dma_start3A] : memref<12288x128xf32, #tpu.memory_space<hbm>> -> memref<128x128xf32, #tpu.memory_space<hbm>>
      %dma_start3A_30 = arith.constant 0 : i32
      %dma_start3A_31 = tpu.memref_slice %arg2[%add3A_8, %dma_start3A_30] : memref<12288x128xf32, #tpu.memory_space<hbm>> -> memref<128x128xf32, #tpu.memory_space<hbm>>
      tpu.enqueue_dma source(%dma_start3A_31 : memref<128x128xf32, #tpu.memory_space<hbm>>) target(%arg7 : memref<128x128xf32, #tpu.memory_space<vmem>>) target_semaphore(%run_scoped3A_28 : memref<!tpu.dma_semaphore, #tpu.memory_space<semaphore_mem>>)
      %dma_wait3A = arith.constant 0 : i32
      %dma_wait3A_32 = tpu.memref_slice %arg2[%add3A_8, %dma_wait3A] : memref<12288x128xf32, #tpu.memory_space<hbm>> -> memref<128x128xf32, #tpu.memory_space<hbm>>
      %dma_wait3A_33 = arith.constant 0 : i32
      %dma_wait3A_34 = tpu.memref_slice %arg2[%add3A_8, %dma_wait3A_33] : memref<12288x128xf32, #tpu.memory_space<hbm>> -> memref<128x128xf32, #tpu.memory_space<hbm>>
      tpu.wait_dma2 semaphore(%run_scoped3A_28 : memref<!tpu.dma_semaphore, #tpu.memory_space<semaphore_mem>>) src(%dma_wait3A_34 : memref<128x128xf32, #tpu.memory_space<hbm>>) dst(%arg7 : memref<128x128xf32, #tpu.memory_space<vmem>>)
      tpu.yield
    }) : () -> ()
    %run_scoped3A = arith.constant 0 : i32
    "tpu.region"() ({
      %run_scoped3A_28 = tpu.sem_alloc : memref<!tpu.dma_semaphore, #tpu.memory_space<semaphore_mem>>
      %dma_start3A = arith.constant 0 : i32
      %dma_start3A_29 = tpu.memref_slice %arg6[%run_scoped3A, %dma_start3A] : memref<3x128xi32, #tpu.memory_space<vmem>> -> memref<1x128xi32, #tpu.memory_space<vmem>>
      %dma_start3A_30 = tpu.memref_squeeze %dma_start3A_29 : memref<1x128xi32, #tpu.memory_space<vmem>> -> memref<128xi32, #tpu.memory_space<vmem>>
      %dma_start3A_31 = arith.constant 0 : i32
      %dma_start3A_32 = arith.constant 0 : i32
      %dma_start3A_33 = tpu.memref_slice %arg8[%dma_start3A_31, %dma_start3A_32] : memref<384x128xf32, #tpu.memory_space<vmem_shared>> -> memref<384x128xf32, #tpu.memory_space<vmem_shared>>
      tpu.enqueue_indirect_dma source(%arg7 : memref<128x128xf32, #tpu.memory_space<vmem>>) target(%dma_start3A_33 : memref<384x128xf32, #tpu.memory_space<vmem_shared>>) offsets(%dma_start3A_30 : memref<128xi32, #tpu.memory_space<vmem>>) semaphore(%run_scoped3A_28 : memref<!tpu.dma_semaphore, #tpu.memory_space<semaphore_mem>>) {add = true}
      %dma_wait3A = arith.constant 0 : i32
      %dma_wait3A_34 = tpu.memref_slice %arg6[%run_scoped3A, %dma_wait3A] : memref<3x128xi32, #tpu.memory_space<vmem>> -> memref<1x128xi32, #tpu.memory_space<vmem>>
      %dma_wait3A_35 = tpu.memref_squeeze %dma_wait3A_34 : memref<1x128xi32, #tpu.memory_space<vmem>> -> memref<128xi32, #tpu.memory_space<vmem>>
      %dma_wait3A_36 = arith.constant 0 : i32
      %dma_wait3A_37 = arith.constant 0 : i32
      %dma_wait3A_38 = tpu.memref_slice %arg8[%dma_wait3A_36, %dma_wait3A_37] : memref<384x128xf32, #tpu.memory_space<vmem_shared>> -> memref<384x128xf32, #tpu.memory_space<vmem_shared>>
      tpu.wait_indirect_dma semaphore(%run_scoped3A_28 : memref<!tpu.dma_semaphore, #tpu.memory_space<semaphore_mem>>) src(%arg7 : memref<128x128xf32, #tpu.memory_space<vmem>>) dst(%dma_wait3A_38 : memref<384x128xf32, #tpu.memory_space<vmem_shared>>)
      tpu.yield
    }) : () -> ()
    %mul3A_9 = arith.constant 3 : i32
    %mul3A_10 = arith.muli %add3A, %mul3A_9 : i32
    %mul3A_11 = arith.constant 128 : i32
    %mul3A_12 = arith.muli %mul3A_10, %mul3A_11 : i32
    %add3A_13 = arith.constant 128 : i32
    %add3A_14 = arith.addi %mul3A_12, %add3A_13 : i32
    "tpu.region"() ({
      %run_scoped3A_28 = tpu.sem_alloc : memref<!tpu.dma_semaphore, #tpu.memory_space<semaphore_mem>>
      %dma_start3A = arith.constant 0 : i32
      %dma_start3A_29 = tpu.memref_slice %arg2[%add3A_14, %dma_start3A] : memref<12288x128xf32, #tpu.memory_space<hbm>> -> memref<128x128xf32, #tpu.memory_space<hbm>>
      %dma_start3A_30 = arith.constant 0 : i32
      %dma_start3A_31 = tpu.memref_slice %arg2[%add3A_14, %dma_start3A_30] : memref<12288x128xf32, #tpu.memory_space<hbm>> -> memref<128x128xf32, #tpu.memory_space<hbm>>
      tpu.enqueue_dma source(%dma_start3A_31 : memref<128x128xf32, #tpu.memory_space<hbm>>) target(%arg7 : memref<128x128xf32, #tpu.memory_space<vmem>>) target_semaphore(%run_scoped3A_28 : memref<!tpu.dma_semaphore, #tpu.memory_space<semaphore_mem>>)
      %dma_wait3A = arith.constant 0 : i32
      %dma_wait3A_32 = tpu.memref_slice %arg2[%add3A_14, %dma_wait3A] : memref<12288x128xf32, #tpu.memory_space<hbm>> -> memref<128x128xf32, #tpu.memory_space<hbm>>
      %dma_wait3A_33 = arith.constant 0 : i32
      %dma_wait3A_34 = tpu.memref_slice %arg2[%add3A_14, %dma_wait3A_33] : memref<12288x128xf32, #tpu.memory_space<hbm>> -> memref<128x128xf32, #tpu.memory_space<hbm>>
      tpu.wait_dma2 semaphore(%run_scoped3A_28 : memref<!tpu.dma_semaphore, #tpu.memory_space<semaphore_mem>>) src(%dma_wait3A_34 : memref<128x128xf32, #tpu.memory_space<hbm>>) dst(%arg7 : memref<128x128xf32, #tpu.memory_space<vmem>>)
      tpu.yield
    }) : () -> ()
    %run_scoped3A_15 = arith.constant 1 : i32
    "tpu.region"() ({
      %run_scoped3A_28 = tpu.sem_alloc : memref<!tpu.dma_semaphore, #tpu.memory_space<semaphore_mem>>
      %dma_start3A = arith.constant 0 : i32
      %dma_start3A_29 = tpu.memref_slice %arg6[%run_scoped3A_15, %dma_start3A] : memref<3x128xi32, #tpu.memory_space<vmem>> -> memref<1x128xi32, #tpu.memory_space<vmem>>
      %dma_start3A_30 = tpu.memref_squeeze %dma_start3A_29 : memref<1x128xi32, #tpu.memory_space<vmem>> -> memref<128xi32, #tpu.memory_space<vmem>>
      %dma_start3A_31 = arith.constant 0 : i32
      %dma_start3A_32 = arith.constant 0 : i32
      %dma_start3A_33 = tpu.memref_slice %arg8[%dma_start3A_31, %dma_start3A_32] : memref<384x128xf32, #tpu.memory_space<vmem_shared>> -> memref<384x128xf32, #tpu.memory_space<vmem_shared>>
      tpu.enqueue_indirect_dma source(%arg7 : memref<128x128xf32, #tpu.memory_space<vmem>>) target(%dma_start3A_33 : memref<384x128xf32, #tpu.memory_space<vmem_shared>>) offsets(%dma_start3A_30 : memref<128xi32, #tpu.memory_space<vmem>>) semaphore(%run_scoped3A_28 : memref<!tpu.dma_semaphore, #tpu.memory_space<semaphore_mem>>) {add = true}
      %dma_wait3A = arith.constant 0 : i32
      %dma_wait3A_34 = tpu.memref_slice %arg6[%run_scoped3A_15, %dma_wait3A] : memref<3x128xi32, #tpu.memory_space<vmem>> -> memref<1x128xi32, #tpu.memory_space<vmem>>
      %dma_wait3A_35 = tpu.memref_squeeze %dma_wait3A_34 : memref<1x128xi32, #tpu.memory_space<vmem>> -> memref<128xi32, #tpu.memory_space<vmem>>
      %dma_wait3A_36 = arith.constant 0 : i32
      %dma_wait3A_37 = arith.constant 0 : i32
      %dma_wait3A_38 = tpu.memref_slice %arg8[%dma_wait3A_36, %dma_wait3A_37] : memref<384x128xf32, #tpu.memory_space<vmem_shared>> -> memref<384x128xf32, #tpu.memory_space<vmem_shared>>
      tpu.wait_indirect_dma semaphore(%run_scoped3A_28 : memref<!tpu.dma_semaphore, #tpu.memory_space<semaphore_mem>>) src(%arg7 : memref<128x128xf32, #tpu.memory_space<vmem>>) dst(%dma_wait3A_38 : memref<384x128xf32, #tpu.memory_space<vmem_shared>>)
      tpu.yield
    }) : () -> ()
    %mul3A_16 = arith.constant 3 : i32
    %mul3A_17 = arith.muli %add3A, %mul3A_16 : i32
    %mul3A_18 = arith.constant 128 : i32
    %mul3A_19 = arith.muli %mul3A_17, %mul3A_18 : i32
    %add3A_20 = arith.constant 256 : i32
    %add3A_21 = arith.addi %mul3A_19, %add3A_20 : i32
    "tpu.region"() ({
      %run_scoped3A_28 = tpu.sem_alloc : memref<!tpu.dma_semaphore, #tpu.memory_space<semaphore_mem>>
      %dma_start3A = arith.constant 0 : i32
      %dma_start3A_29 = tpu.memref_slice %arg2[%add3A_21, %dma_start3A] : memref<12288x128xf32, #tpu.memory_space<hbm>> -> memref<128x128xf32, #tpu.memory_space<hbm>>
      %dma_start3A_30 = arith.constant 0 : i32
      %dma_start3A_31 = tpu.memref_slice %arg2[%add3A_21, %dma_start3A_30] : memref<12288x128xf32, #tpu.memory_space<hbm>> -> memref<128x128xf32, #tpu.memory_space<hbm>>
      tpu.enqueue_dma source(%dma_start3A_31 : memref<128x128xf32, #tpu.memory_space<hbm>>) target(%arg7 : memref<128x128xf32, #tpu.memory_space<vmem>>) target_semaphore(%run_scoped3A_28 : memref<!tpu.dma_semaphore, #tpu.memory_space<semaphore_mem>>)
      %dma_wait3A = arith.constant 0 : i32
      %dma_wait3A_32 = tpu.memref_slice %arg2[%add3A_21, %dma_wait3A] : memref<12288x128xf32, #tpu.memory_space<hbm>> -> memref<128x128xf32, #tpu.memory_space<hbm>>
      %dma_wait3A_33 = arith.constant 0 : i32
      %dma_wait3A_34 = tpu.memref_slice %arg2[%add3A_21, %dma_wait3A_33] : memref<12288x128xf32, #tpu.memory_space<hbm>> -> memref<128x128xf32, #tpu.memory_space<hbm>>
      tpu.wait_dma2 semaphore(%run_scoped3A_28 : memref<!tpu.dma_semaphore, #tpu.memory_space<semaphore_mem>>) src(%dma_wait3A_34 : memref<128x128xf32, #tpu.memory_space<hbm>>) dst(%arg7 : memref<128x128xf32, #tpu.memory_space<vmem>>)
      tpu.yield
    }) : () -> ()
    %run_scoped3A_22 = arith.constant 2 : i32
    "tpu.region"() ({
      %run_scoped3A_28 = tpu.sem_alloc : memref<!tpu.dma_semaphore, #tpu.memory_space<semaphore_mem>>
      %dma_start3A = arith.constant 0 : i32
      %dma_start3A_29 = tpu.memref_slice %arg6[%run_scoped3A_22, %dma_start3A] : memref<3x128xi32, #tpu.memory_space<vmem>> -> memref<1x128xi32, #tpu.memory_space<vmem>>
      %dma_start3A_30 = tpu.memref_squeeze %dma_start3A_29 : memref<1x128xi32, #tpu.memory_space<vmem>> -> memref<128xi32, #tpu.memory_space<vmem>>
      %dma_start3A_31 = arith.constant 0 : i32
      %dma_start3A_32 = arith.constant 0 : i32
      %dma_start3A_33 = tpu.memref_slice %arg8[%dma_start3A_31, %dma_start3A_32] : memref<384x128xf32, #tpu.memory_space<vmem_shared>> -> memref<384x128xf32, #tpu.memory_space<vmem_shared>>
      tpu.enqueue_indirect_dma source(%arg7 : memref<128x128xf32, #tpu.memory_space<vmem>>) target(%dma_start3A_33 : memref<384x128xf32, #tpu.memory_space<vmem_shared>>) offsets(%dma_start3A_30 : memref<128xi32, #tpu.memory_space<vmem>>) semaphore(%run_scoped3A_28 : memref<!tpu.dma_semaphore, #tpu.memory_space<semaphore_mem>>) {add = true}
      %dma_wait3A = arith.constant 0 : i32
      %dma_wait3A_34 = tpu.memref_slice %arg6[%run_scoped3A_22, %dma_wait3A] : memref<3x128xi32, #tpu.memory_space<vmem>> -> memref<1x128xi32, #tpu.memory_space<vmem>>
      %dma_wait3A_35 = tpu.memref_squeeze %dma_wait3A_34 : memref<1x128xi32, #tpu.memory_space<vmem>> -> memref<128xi32, #tpu.memory_space<vmem>>
      %dma_wait3A_36 = arith.constant 0 : i32
      %dma_wait3A_37 = arith.constant 0 : i32
      %dma_wait3A_38 = tpu.memref_slice %arg8[%dma_wait3A_36, %dma_wait3A_37] : memref<384x128xf32, #tpu.memory_space<vmem_shared>> -> memref<384x128xf32, #tpu.memory_space<vmem_shared>>
      tpu.wait_indirect_dma semaphore(%run_scoped3A_28 : memref<!tpu.dma_semaphore, #tpu.memory_space<semaphore_mem>>) src(%arg7 : memref<128x128xf32, #tpu.memory_space<vmem>>) dst(%dma_wait3A_38 : memref<384x128xf32, #tpu.memory_space<vmem_shared>>)
      tpu.yield
    }) : () -> ()
    %barrier3A_23 = arith.constant 0 : index
    tpu.barrier barrier_id(%barrier3A_23)
    %mul3A_24 = arith.constant 24 : i32
    %mul3A_25 = arith.muli %arg1, %mul3A_24 : i32
    %mul3A_26 = arith.constant 24 : i32
    %mul3A_27 = arith.muli %arg1, %mul3A_26 : i32
    "tpu.region"() ({
      %run_scoped3A_28 = tpu.sem_alloc : memref<!tpu.dma_semaphore, #tpu.memory_space<semaphore_mem>>
      %dma_start3A = arith.constant 0 : i32
      %dma_start3A_29 = tpu.memref_slice %arg5[%arg0, %mul3A_27, %dma_start3A] : memref<2x384x128xf32, #tpu.memory_space<hbm>> -> memref<1x24x128xf32, #tpu.memory_space<hbm>>
      %dma_start3A_30 = tpu.memref_squeeze %dma_start3A_29 : memref<1x24x128xf32, #tpu.memory_space<hbm>> -> memref<24x128xf32, #tpu.memory_space<hbm>>
      %dma_start3A_31 = arith.constant 0 : i32
      %dma_start3A_32 = tpu.memref_slice %arg8[%mul3A_25, %dma_start3A_31] : memref<384x128xf32, #tpu.memory_space<vmem_shared>> -> memref<24x128xf32, #tpu.memory_space<vmem_shared>>
      tpu.enqueue_dma source(%dma_start3A_32 : memref<24x128xf32, #tpu.memory_space<vmem_shared>>) target(%dma_start3A_30 : memref<24x128xf32, #tpu.memory_space<hbm>>) target_semaphore(%run_scoped3A_28 : memref<!tpu.dma_semaphore, #tpu.memory_space<semaphore_mem>>)
      %dma_wait3A = arith.constant 0 : i32
      %dma_wait3A_33 = tpu.memref_slice %arg5[%arg0, %mul3A_27, %dma_wait3A] : memref<2x384x128xf32, #tpu.memory_space<hbm>> -> memref<1x24x128xf32, #tpu.memory_space<hbm>>
      %dma_wait3A_34 = tpu.memref_squeeze %dma_wait3A_33 : memref<1x24x128xf32, #tpu.memory_space<hbm>> -> memref<24x128xf32, #tpu.memory_space<hbm>>
      %dma_wait3A_35 = arith.constant 0 : i32
      %dma_wait3A_36 = tpu.memref_slice %arg8[%mul3A_25, %dma_wait3A_35] : memref<384x128xf32, #tpu.memory_space<vmem_shared>> -> memref<24x128xf32, #tpu.memory_space<vmem_shared>>
      tpu.wait_dma2 semaphore(%run_scoped3A_28 : memref<!tpu.dma_semaphore, #tpu.memory_space<semaphore_mem>>) src(%dma_wait3A_36 : memref<24x128xf32, #tpu.memory_space<vmem_shared>>) dst(%dma_wait3A_34 : memref<24x128xf32, #tpu.memory_space<hbm>>)
      tpu.yield
    }) : () -> ()
    return
  }
}

#map = affine_map<(d0, d1) -> (0, 0)>
#map1 = affine_map<(d0, d1) -> (0, 0, 0)>
module attributes {stable_mosaic.version = 14 : i64} {
  func.func @body(%arg0: i32, %arg1: i32, %arg2: memref<12288x128xf32, #tpu.memory_space<hbm>>, %arg3: memref<32x79x128xi32, #tpu.memory_space<hbm>>, %arg4: memref<32x79x128xi32, #tpu.memory_space<hbm>>, %arg5: memref<632x128xf32, #tpu.memory_space<hbm>>, %arg6: memref<2x10112x128xf32, #tpu.memory_space<hbm>>, %arg7: memref<79x128xi32, #tpu.memory_space<vmem>>, %arg8: memref<79x128xi32, #tpu.memory_space<vmem>>, %arg9: memref<128x128xf32, #tpu.memory_space<vmem>>, %arg10: memref<10112x128xf32, #tpu.memory_space<vmem_shared>>, %arg11: memref<!tpu.dma_semaphore, #tpu.memory_space<semaphore_mem>>) attributes {dimension_semantics = [#tpu.dimension_semantics<core_parallel>, #tpu.dimension_semantics<subcore_parallel>], iteration_bounds = array<i64: 2, 16>, scalar_prefetch = 0 : i64, scratch_operands = 5 : i64, tpu.core_type = #tpu.core_type<sc_vector_subcore>, window_params = [{transform_indices = #map}, {transform_indices = #map1}, {transform_indices = #map1}, {transform_indices = #map}, {transform_indices = #map1}]} {
    %mul3A = arith.constant 2 : i32
    %mul3A_0 = arith.muli %arg1, %mul3A : i32
    %add3A = arith.addi %mul3A_0, %arg0 : i32
    "tpu.region"() ({
      %run_scoped3A = tpu.sem_alloc : memref<!tpu.dma_semaphore, #tpu.memory_space<semaphore_mem>>
      %dma_start3A = arith.constant 0 : i32
      %dma_start3A_13 = arith.constant 0 : i32
      %dma_start3A_14 = tpu.memref_slice %arg3[%add3A, %dma_start3A, %dma_start3A_13] : memref<32x79x128xi32, #tpu.memory_space<hbm>> -> memref<1x79x128xi32, #tpu.memory_space<hbm>>
      %dma_start3A_15 = tpu.memref_squeeze %dma_start3A_14 : memref<1x79x128xi32, #tpu.memory_space<hbm>> -> memref<79x128xi32, #tpu.memory_space<hbm>>
      %dma_start3A_16 = arith.constant 0 : i32
      %dma_start3A_17 = arith.constant 0 : i32
      %dma_start3A_18 = tpu.memref_slice %arg3[%add3A, %dma_start3A_16, %dma_start3A_17] : memref<32x79x128xi32, #tpu.memory_space<hbm>> -> memref<1x79x128xi32, #tpu.memory_space<hbm>>
      %dma_start3A_19 = tpu.memref_squeeze %dma_start3A_18 : memref<1x79x128xi32, #tpu.memory_space<hbm>> -> memref<79x128xi32, #tpu.memory_space<hbm>>
      tpu.enqueue_dma source(%dma_start3A_19 : memref<79x128xi32, #tpu.memory_space<hbm>>) target(%arg7 : memref<79x128xi32, #tpu.memory_space<vmem>>) target_semaphore(%run_scoped3A : memref<!tpu.dma_semaphore, #tpu.memory_space<semaphore_mem>>)
      %dma_wait3A = arith.constant 0 : i32
      %dma_wait3A_20 = arith.constant 0 : i32
      %dma_wait3A_21 = tpu.memref_slice %arg3[%add3A, %dma_wait3A, %dma_wait3A_20] : memref<32x79x128xi32, #tpu.memory_space<hbm>> -> memref<1x79x128xi32, #tpu.memory_space<hbm>>
      %dma_wait3A_22 = tpu.memref_squeeze %dma_wait3A_21 : memref<1x79x128xi32, #tpu.memory_space<hbm>> -> memref<79x128xi32, #tpu.memory_space<hbm>>
      %dma_wait3A_23 = arith.constant 0 : i32
      %dma_wait3A_24 = arith.constant 0 : i32
      %dma_wait3A_25 = tpu.memref_slice %arg3[%add3A, %dma_wait3A_23, %dma_wait3A_24] : memref<32x79x128xi32, #tpu.memory_space<hbm>> -> memref<1x79x128xi32, #tpu.memory_space<hbm>>
      %dma_wait3A_26 = tpu.memref_squeeze %dma_wait3A_25 : memref<1x79x128xi32, #tpu.memory_space<hbm>> -> memref<79x128xi32, #tpu.memory_space<hbm>>
      tpu.wait_dma2 semaphore(%run_scoped3A : memref<!tpu.dma_semaphore, #tpu.memory_space<semaphore_mem>>) src(%dma_wait3A_26 : memref<79x128xi32, #tpu.memory_space<hbm>>) dst(%arg7 : memref<79x128xi32, #tpu.memory_space<vmem>>)
      tpu.yield
    }) : () -> ()
    "tpu.region"() ({
      %run_scoped3A = tpu.sem_alloc : memref<!tpu.dma_semaphore, #tpu.memory_space<semaphore_mem>>
      %dma_start3A = arith.constant 0 : i32
      %dma_start3A_13 = arith.constant 0 : i32
      %dma_start3A_14 = tpu.memref_slice %arg4[%add3A, %dma_start3A, %dma_start3A_13] : memref<32x79x128xi32, #tpu.memory_space<hbm>> -> memref<1x79x128xi32, #tpu.memory_space<hbm>>
      %dma_start3A_15 = tpu.memref_squeeze %dma_start3A_14 : memref<1x79x128xi32, #tpu.memory_space<hbm>> -> memref<79x128xi32, #tpu.memory_space<hbm>>
      %dma_start3A_16 = arith.constant 0 : i32
      %dma_start3A_17 = arith.constant 0 : i32
      %dma_start3A_18 = tpu.memref_slice %arg4[%add3A, %dma_start3A_16, %dma_start3A_17] : memref<32x79x128xi32, #tpu.memory_space<hbm>> -> memref<1x79x128xi32, #tpu.memory_space<hbm>>
      %dma_start3A_19 = tpu.memref_squeeze %dma_start3A_18 : memref<1x79x128xi32, #tpu.memory_space<hbm>> -> memref<79x128xi32, #tpu.memory_space<hbm>>
      tpu.enqueue_dma source(%dma_start3A_19 : memref<79x128xi32, #tpu.memory_space<hbm>>) target(%arg8 : memref<79x128xi32, #tpu.memory_space<vmem>>) target_semaphore(%run_scoped3A : memref<!tpu.dma_semaphore, #tpu.memory_space<semaphore_mem>>)
      %dma_wait3A = arith.constant 0 : i32
      %dma_wait3A_20 = arith.constant 0 : i32
      %dma_wait3A_21 = tpu.memref_slice %arg4[%add3A, %dma_wait3A, %dma_wait3A_20] : memref<32x79x128xi32, #tpu.memory_space<hbm>> -> memref<1x79x128xi32, #tpu.memory_space<hbm>>
      %dma_wait3A_22 = tpu.memref_squeeze %dma_wait3A_21 : memref<1x79x128xi32, #tpu.memory_space<hbm>> -> memref<79x128xi32, #tpu.memory_space<hbm>>
      %dma_wait3A_23 = arith.constant 0 : i32
      %dma_wait3A_24 = arith.constant 0 : i32
      %dma_wait3A_25 = tpu.memref_slice %arg4[%add3A, %dma_wait3A_23, %dma_wait3A_24] : memref<32x79x128xi32, #tpu.memory_space<hbm>> -> memref<1x79x128xi32, #tpu.memory_space<hbm>>
      %dma_wait3A_26 = tpu.memref_squeeze %dma_wait3A_25 : memref<1x79x128xi32, #tpu.memory_space<hbm>> -> memref<79x128xi32, #tpu.memory_space<hbm>>
      tpu.wait_dma2 semaphore(%run_scoped3A : memref<!tpu.dma_semaphore, #tpu.memory_space<semaphore_mem>>) src(%dma_wait3A_26 : memref<79x128xi32, #tpu.memory_space<hbm>>) dst(%arg8 : memref<79x128xi32, #tpu.memory_space<vmem>>)
      tpu.yield
    }) : () -> ()
    %mul3A_1 = arith.constant 632 : i32
    %mul3A_2 = arith.muli %arg1, %mul3A_1 : i32
    "tpu.region"() ({
      %run_scoped3A = tpu.sem_alloc : memref<!tpu.dma_semaphore, #tpu.memory_space<semaphore_mem>>
      %dma_start3A = arith.constant 0 : i32
      %dma_start3A_13 = tpu.memref_slice %arg10[%mul3A_2, %dma_start3A] : memref<10112x128xf32, #tpu.memory_space<vmem_shared>> -> memref<632x128xf32, #tpu.memory_space<vmem_shared>>
      tpu.enqueue_dma source(%arg5 : memref<632x128xf32, #tpu.memory_space<hbm>>) target(%dma_start3A_13 : memref<632x128xf32, #tpu.memory_space<vmem_shared>>) target_semaphore(%run_scoped3A : memref<!tpu.dma_semaphore, #tpu.memory_space<semaphore_mem>>)
      %dma_wait3A = arith.constant 0 : i32
      %dma_wait3A_14 = tpu.memref_slice %arg10[%mul3A_2, %dma_wait3A] : memref<10112x128xf32, #tpu.memory_space<vmem_shared>> -> memref<632x128xf32, #tpu.memory_space<vmem_shared>>
      tpu.wait_dma2 semaphore(%run_scoped3A : memref<!tpu.dma_semaphore, #tpu.memory_space<semaphore_mem>>) src(%arg5 : memref<632x128xf32, #tpu.memory_space<hbm>>) dst(%dma_wait3A_14 : memref<632x128xf32, #tpu.memory_space<vmem_shared>>)
      tpu.yield
    }) : () -> ()
    %barrier3A = arith.constant 0 : index
    tpu.barrier barrier_id(%barrier3A)
    %scan3A = arith.constant 0 : i32
    %scan3A_3 = arith.constant 0 : i32
    %scan3A_4 = arith.constant 79 : i32
    %scan3A_5 = arith.addi %scan3A_3, %scan3A_4 : i32
    %scan3A_6 = arith.constant 1 : i32
    scf.for %scan3A_13 = %scan3A_3 to %scan3A_5 step %scan3A_6  : i32 {
      %dma_start3A = arith.constant 0 : i32
      %dma_start3A_14 = tpu.memref_slice %arg7[%scan3A_13, %dma_start3A] : memref<79x128xi32, #tpu.memory_space<vmem>> -> memref<1x128xi32, #tpu.memory_space<vmem>>
      %dma_start3A_15 = tpu.memref_squeeze %dma_start3A_14 : memref<1x128xi32, #tpu.memory_space<vmem>> -> memref<128xi32, #tpu.memory_space<vmem>>
      %dma_start3A_16 = arith.constant 0 : i32
      %dma_start3A_17 = arith.constant 0 : i32
      %dma_start3A_18 = tpu.memref_slice %arg2[%dma_start3A_16, %dma_start3A_17] : memref<12288x128xf32, #tpu.memory_space<hbm>> -> memref<12288x128xf32, #tpu.memory_space<hbm>>
      tpu.enqueue_indirect_dma source(%dma_start3A_18 : memref<12288x128xf32, #tpu.memory_space<hbm>>) target(%arg9 : memref<128x128xf32, #tpu.memory_space<vmem>>) offsets(%dma_start3A_15 : memref<128xi32, #tpu.memory_space<vmem>>) semaphore(%arg11 : memref<!tpu.dma_semaphore, #tpu.memory_space<semaphore_mem>>)
      %dma_wait3A = arith.constant 0 : i32
      %dma_wait3A_19 = tpu.memref_slice %arg7[%scan3A_13, %dma_wait3A] : memref<79x128xi32, #tpu.memory_space<vmem>> -> memref<1x128xi32, #tpu.memory_space<vmem>>
      %dma_wait3A_20 = tpu.memref_squeeze %dma_wait3A_19 : memref<1x128xi32, #tpu.memory_space<vmem>> -> memref<128xi32, #tpu.memory_space<vmem>>
      %dma_wait3A_21 = arith.constant 0 : i32
      %dma_wait3A_22 = arith.constant 0 : i32
      %dma_wait3A_23 = tpu.memref_slice %arg2[%dma_wait3A_21, %dma_wait3A_22] : memref<12288x128xf32, #tpu.memory_space<hbm>> -> memref<12288x128xf32, #tpu.memory_space<hbm>>
      tpu.wait_indirect_dma semaphore(%arg11 : memref<!tpu.dma_semaphore, #tpu.memory_space<semaphore_mem>>) src(%dma_wait3A_23 : memref<12288x128xf32, #tpu.memory_space<hbm>>) dst(%arg9 : memref<128x128xf32, #tpu.memory_space<vmem>>)
      "tpu.region"() ({
        %run_scoped3A = tpu.sem_alloc : memref<!tpu.dma_semaphore, #tpu.memory_space<semaphore_mem>>
        %dma_start3A_24 = arith.constant 0 : i32
        %dma_start3A_25 = tpu.memref_slice %arg8[%scan3A_13, %dma_start3A_24] : memref<79x128xi32, #tpu.memory_space<vmem>> -> memref<1x128xi32, #tpu.memory_space<vmem>>
        %dma_start3A_26 = tpu.memref_squeeze %dma_start3A_25 : memref<1x128xi32, #tpu.memory_space<vmem>> -> memref<128xi32, #tpu.memory_space<vmem>>
        %dma_start3A_27 = arith.constant 0 : i32
        %dma_start3A_28 = arith.constant 0 : i32
        %dma_start3A_29 = tpu.memref_slice %arg10[%dma_start3A_27, %dma_start3A_28] : memref<10112x128xf32, #tpu.memory_space<vmem_shared>> -> memref<10112x128xf32, #tpu.memory_space<vmem_shared>>
        tpu.enqueue_indirect_dma source(%arg9 : memref<128x128xf32, #tpu.memory_space<vmem>>) target(%dma_start3A_29 : memref<10112x128xf32, #tpu.memory_space<vmem_shared>>) offsets(%dma_start3A_26 : memref<128xi32, #tpu.memory_space<vmem>>) semaphore(%run_scoped3A : memref<!tpu.dma_semaphore, #tpu.memory_space<semaphore_mem>>) {add = true}
        %dma_wait3A_30 = arith.constant 0 : i32
        %dma_wait3A_31 = tpu.memref_slice %arg8[%scan3A_13, %dma_wait3A_30] : memref<79x128xi32, #tpu.memory_space<vmem>> -> memref<1x128xi32, #tpu.memory_space<vmem>>
        %dma_wait3A_32 = tpu.memref_squeeze %dma_wait3A_31 : memref<1x128xi32, #tpu.memory_space<vmem>> -> memref<128xi32, #tpu.memory_space<vmem>>
        %dma_wait3A_33 = arith.constant 0 : i32
        %dma_wait3A_34 = arith.constant 0 : i32
        %dma_wait3A_35 = tpu.memref_slice %arg10[%dma_wait3A_33, %dma_wait3A_34] : memref<10112x128xf32, #tpu.memory_space<vmem_shared>> -> memref<10112x128xf32, #tpu.memory_space<vmem_shared>>
        tpu.wait_indirect_dma semaphore(%run_scoped3A : memref<!tpu.dma_semaphore, #tpu.memory_space<semaphore_mem>>) src(%arg9 : memref<128x128xf32, #tpu.memory_space<vmem>>) dst(%dma_wait3A_35 : memref<10112x128xf32, #tpu.memory_space<vmem_shared>>)
        tpu.yield
      }) : () -> ()
    }
    %scan3A_7 = arith.constant 79 : i32
    %barrier3A_8 = arith.constant 0 : index
    tpu.barrier barrier_id(%barrier3A_8)
    %mul3A_9 = arith.constant 632 : i32
    %mul3A_10 = arith.muli %arg1, %mul3A_9 : i32
    %mul3A_11 = arith.constant 632 : i32
    %mul3A_12 = arith.muli %arg1, %mul3A_11 : i32
    "tpu.region"() ({
      %run_scoped3A = tpu.sem_alloc : memref<!tpu.dma_semaphore, #tpu.memory_space<semaphore_mem>>
      %dma_start3A = arith.constant 0 : i32
      %dma_start3A_13 = tpu.memref_slice %arg6[%arg0, %mul3A_12, %dma_start3A] : memref<2x10112x128xf32, #tpu.memory_space<hbm>> -> memref<1x632x128xf32, #tpu.memory_space<hbm>>
      %dma_start3A_14 = tpu.memref_squeeze %dma_start3A_13 : memref<1x632x128xf32, #tpu.memory_space<hbm>> -> memref<632x128xf32, #tpu.memory_space<hbm>>
      %dma_start3A_15 = arith.constant 0 : i32
      %dma_start3A_16 = tpu.memref_slice %arg10[%mul3A_10, %dma_start3A_15] : memref<10112x128xf32, #tpu.memory_space<vmem_shared>> -> memref<632x128xf32, #tpu.memory_space<vmem_shared>>
      tpu.enqueue_dma source(%dma_start3A_16 : memref<632x128xf32, #tpu.memory_space<vmem_shared>>) target(%dma_start3A_14 : memref<632x128xf32, #tpu.memory_space<hbm>>) target_semaphore(%run_scoped3A : memref<!tpu.dma_semaphore, #tpu.memory_space<semaphore_mem>>)
      %dma_wait3A = arith.constant 0 : i32
      %dma_wait3A_17 = tpu.memref_slice %arg6[%arg0, %mul3A_12, %dma_wait3A] : memref<2x10112x128xf32, #tpu.memory_space<hbm>> -> memref<1x632x128xf32, #tpu.memory_space<hbm>>
      %dma_wait3A_18 = tpu.memref_squeeze %dma_wait3A_17 : memref<1x632x128xf32, #tpu.memory_space<hbm>> -> memref<632x128xf32, #tpu.memory_space<hbm>>
      %dma_wait3A_19 = arith.constant 0 : i32
      %dma_wait3A_20 = tpu.memref_slice %arg10[%mul3A_10, %dma_wait3A_19] : memref<10112x128xf32, #tpu.memory_space<vmem_shared>> -> memref<632x128xf32, #tpu.memory_space<vmem_shared>>
      tpu.wait_dma2 semaphore(%run_scoped3A : memref<!tpu.dma_semaphore, #tpu.memory_space<semaphore_mem>>) src(%dma_wait3A_20 : memref<632x128xf32, #tpu.memory_space<vmem_shared>>) dst(%dma_wait3A_18 : memref<632x128xf32, #tpu.memory_space<hbm>>)
      tpu.yield
    }) : () -> ()
    return
  }
}

module attributes {stable_mosaic.version = 14 : i64} {
  func.func @body(%arg0: memref<2x12288x1xf32, #tpu.memory_space<vmem>>, %arg1: memref<12288x128xf32, #tpu.memory_space<vmem>>, %arg2: memref<12288x1xf32, #tpu.memory_space<vmem>>, %arg3: memref<12288x128xf32, #tpu.memory_space<vmem>>) attributes {dimension_semantics = [], scalar_prefetch = 0 : i64, scratch_operands = 0 : i64, tpu.core_type = #tpu.core_type<tc>} {
    %get3A = arith.constant 0 : index
    %get3A_0 = arith.constant 0 : index
    %get3A_1 = arith.constant 0 : index
    %get3A_2 = vector.load %arg0[%get3A, %get3A_0, %get3A_1] : memref<2x12288x1xf32, #tpu.memory_space<vmem>>, vector<1x12288x1xf32>
    %get3A_3 = vector.shape_cast %get3A_2 : vector<1x12288x1xf32> to vector<12288x1xf32>
    %get3A_4 = arith.constant 1 : index
    %get3A_5 = arith.constant 0 : index
    %get3A_6 = arith.constant 0 : index
    %get3A_7 = vector.load %arg0[%get3A_4, %get3A_5, %get3A_6] : memref<2x12288x1xf32, #tpu.memory_space<vmem>>, vector<1x12288x1xf32>
    %get3A_8 = vector.shape_cast %get3A_7 : vector<1x12288x1xf32> to vector<12288x1xf32>
    %add3A = arith.addf %get3A_3, %get3A_8 : vector<12288x1xf32>
    %iota3A = tpu.iota {dimensions = array<i32: 0>} : vector<12288x1xi32>
    %lt3A = arith.constant 10000 : i32
    %lt3A_9 = vector.broadcast %lt3A : i32 to vector<12288x1xi32>
    %lt3A_10 = arith.cmpi slt, %iota3A, %lt3A_9 : vector<12288x1xi32>
    %max3A = arith.constant 1.000000e+00 : f32
    %max3A_11 = vector.broadcast %max3A : f32 to vector<12288x1xf32>
    %max3A_12 = arith.maximumf %add3A, %max3A_11 : vector<12288x1xf32>
    %rsqrt3A = math.rsqrt %max3A_12 : vector<12288x1xf32>
    %jit3A = arith.constant 0.000000e+00 : f32
    %broadcast_in_dim3A = vector.broadcast %jit3A : f32 to vector<12288x1xf32>
    %select_n3A = arith.select %lt3A_10, %rsqrt3A, %broadcast_in_dim3A : vector<12288x1xi1>, vector<12288x1xf32>
    %swap3A = arith.constant 0 : index
    %swap3A_13 = arith.constant 0 : index
    %swap3A_14 = vector.load %arg2[%swap3A, %swap3A_13] : memref<12288x1xf32, #tpu.memory_space<vmem>>, vector<12288x1xf32>
    tpu.vector_store %arg2[%swap3A, %swap3A_13], %select_n3A {strides = array<i32>} : memref<12288x1xf32, #tpu.memory_space<vmem>>, vector<12288x1xf32>,
    %get3A_15 = arith.constant 0 : index
    %get3A_16 = arith.constant 0 : index
    %get3A_17 = vector.load %arg1[%get3A_15, %get3A_16] : memref<12288x128xf32, #tpu.memory_space<vmem>>, vector<12288x128xf32>
    %mul3A = vector.broadcast %select_n3A : vector<12288x1xf32> to vector<12288x128xf32>
    %mul3A_18 = arith.mulf %get3A_17, %mul3A : vector<12288x128xf32>
    %swap3A_19 = arith.constant 0 : index
    %swap3A_20 = arith.constant 0 : index
    %swap3A_21 = vector.load %arg3[%swap3A_19, %swap3A_20] : memref<12288x128xf32, #tpu.memory_space<vmem>>, vector<12288x128xf32>
    tpu.vector_store %arg3[%swap3A_19, %swap3A_20], %mul3A_18 {strides = array<i32>} : memref<12288x128xf32, #tpu.memory_space<vmem>>, vector<12288x128xf32>,
    return
  }
}

module attributes {stable_mosaic.version = 14 : i64} {
  func.func @body(%arg0: memref<2x10112x128xf32, #tpu.memory_space<vmem>>, %arg1: memref<12288x1xf32, #tpu.memory_space<vmem>>, %arg2: memref<128x128xf32, #tpu.memory_space<vmem>>, %arg3: memref<128xf32, #tpu.memory_space<vmem>>, %arg4: memref<12288x128xf32, #tpu.memory_space<vmem>>, %arg5: memref<12288x128xf32, #tpu.memory_space<vmem>>) attributes {dimension_semantics = [], scalar_prefetch = 0 : i64, scratch_operands = 0 : i64, tpu.core_type = #tpu.core_type<tc>} {
    %get3A = arith.constant 0 : index
    %get3A_0 = arith.constant 0 : index
    %get3A_1 = vector.load %arg1[%get3A, %get3A_0] : memref<12288x1xf32, #tpu.memory_space<vmem>>, vector<12288x1xf32>
    %get3A_2 = arith.constant 0 : index
    %get3A_3 = arith.constant 0 : index
    %get3A_4 = arith.constant 0 : index
    %get3A_5 = vector.load %arg0[%get3A_2, %get3A_3, %get3A_4] : memref<2x10112x128xf32, #tpu.memory_space<vmem>>, vector<1x10112x128xf32>
    %get3A_6 = vector.shape_cast %get3A_5 : vector<1x10112x128xf32> to vector<10112x128xf32>
    %get3A_7 = arith.constant 1 : index
    %get3A_8 = arith.constant 0 : index
    %get3A_9 = arith.constant 0 : index
    %get3A_10 = vector.load %arg0[%get3A_7, %get3A_8, %get3A_9] : memref<2x10112x128xf32, #tpu.memory_space<vmem>>, vector<1x10112x128xf32>
    %get3A_11 = vector.shape_cast %get3A_10 : vector<1x10112x128xf32> to vector<10112x128xf32>
    %add3A = arith.addf %get3A_6, %get3A_11 : vector<10112x128xf32>
    %slice3A = vector.extract_strided_slice %get3A_1 {offsets = [0, 0], sizes = [10112, 1], strides = [1, 1]} : vector<12288x1xf32> to vector<10112x1xf32>
    %mul3A = vector.broadcast %slice3A : vector<10112x1xf32> to vector<10112x128xf32>
    %mul3A_12 = arith.mulf %add3A, %mul3A : vector<10112x128xf32>
    %get3A_13 = arith.constant 0 : index
    %get3A_14 = arith.constant 0 : index
    %get3A_15 = vector.load %arg2[%get3A_13, %get3A_14] : memref<128x128xf32, #tpu.memory_space<vmem>>, vector<128x128xf32>
    %dot_general3A = arith.constant dense<0.000000e+00> : vector<10112x128xf32>
    %dot_general3A_16 = tpu.matmul %mul3A_12, %get3A_15, %dot_general3A {dimension_numbers = #tpu.dot_dimension_numbers<[1], [0], [0], [1], [0, 0, 1, 1], [], []>, precision = #tpu.contract_precision<fp32>, transpose_lhs_hint = false} : vector<10112x128xf32>, vector<128x128xf32>, vector<10112x128xf32> -> vector<10112x128xf32>
    %get3A_17 = arith.constant 0 : index
    %get3A_18 = vector.load %arg3[%get3A_17] : memref<128xf32, #tpu.memory_space<vmem>>, vector<128xf32>
    %broadcast_in_dim3A = vector.shape_cast %get3A_18 : vector<128xf32> to vector<1x128xf32>
    %add3A_19 = vector.broadcast %broadcast_in_dim3A : vector<1x128xf32> to vector<10112x128xf32>
    %add3A_20 = arith.addf %dot_general3A_16, %add3A_19 : vector<10112x128xf32>
    %iota3A = tpu.iota {dimensions = array<i32: 0>} : vector<10112x1xi32>
    %lt3A = arith.constant 10000 : i32
    %lt3A_21 = vector.broadcast %lt3A : i32 to vector<10112x1xi32>
    %lt3A_22 = arith.cmpi slt, %iota3A, %lt3A_21 : vector<10112x1xi32>
    %max3A = arith.constant 0.000000e+00 : f32
    %max3A_23 = vector.broadcast %max3A : f32 to vector<10112x128xf32>
    %max3A_24 = arith.maximumf %add3A_20, %max3A_23 : vector<10112x128xf32>
    %jit3A = arith.constant 0.000000e+00 : f32
    %broadcast_in_dim3A_25 = vector.shape_cast %lt3A_22 : vector<10112x1xi1> to vector<10112x1xi1>
    %broadcast_in_dim3A_26 = vector.broadcast %broadcast_in_dim3A_25 : vector<10112x1xi1> to vector<10112x128xi1>
    %broadcast_in_dim3A_27 = vector.broadcast %jit3A : f32 to vector<10112x128xf32>
    %select_n3A = arith.select %broadcast_in_dim3A_26, %max3A_24, %broadcast_in_dim3A_27 : vector<10112x128xi1>, vector<10112x128xf32>
    %broadcast_in_dim3A_28 = arith.constant 0.000000e+00 : f32
    %broadcast_in_dim3A_29 = vector.broadcast %broadcast_in_dim3A_28 : f32 to vector<2176x128xf32>
    %swap3A = arith.constant 0 : index
    %swap3A_30 = arith.constant 0 : index
    %swap3A_31 = vector.load %arg4[%swap3A, %swap3A_30] : memref<12288x128xf32, #tpu.memory_space<vmem>>, vector<10112x128xf32>
    tpu.vector_store %arg4[%swap3A, %swap3A_30], %select_n3A {strides = array<i32>} : memref<12288x128xf32, #tpu.memory_space<vmem>>, vector<10112x128xf32>,
    %swap3A_32 = arith.constant 10112 : index
    %swap3A_33 = arith.constant 0 : index
    %swap3A_34 = vector.load %arg4[%swap3A_32, %swap3A_33] : memref<12288x128xf32, #tpu.memory_space<vmem>>, vector<2176x128xf32>
    tpu.vector_store %arg4[%swap3A_32, %swap3A_33], %broadcast_in_dim3A_29 {strides = array<i32>} : memref<12288x128xf32, #tpu.memory_space<vmem>>, vector<2176x128xf32>,
    %slice3A_35 = vector.extract_strided_slice %get3A_1 {offsets = [0, 0], sizes = [10112, 1], strides = [1, 1]} : vector<12288x1xf32> to vector<10112x1xf32>
    %mul3A_36 = vector.broadcast %slice3A_35 : vector<10112x1xf32> to vector<10112x128xf32>
    %mul3A_37 = arith.mulf %select_n3A, %mul3A_36 : vector<10112x128xf32>
    %swap3A_38 = arith.constant 0 : index
    %swap3A_39 = arith.constant 0 : index
    %swap3A_40 = vector.load %arg5[%swap3A_38, %swap3A_39] : memref<12288x128xf32, #tpu.memory_space<vmem>>, vector<10112x128xf32>
    tpu.vector_store %arg5[%swap3A_38, %swap3A_39], %mul3A_37 {strides = array<i32>} : memref<12288x128xf32, #tpu.memory_space<vmem>>, vector<10112x128xf32>,
    %swap3A_41 = arith.constant 10112 : index
    %swap3A_42 = arith.constant 0 : index
    %swap3A_43 = vector.load %arg5[%swap3A_41, %swap3A_42] : memref<12288x128xf32, #tpu.memory_space<vmem>>, vector<2176x128xf32>
    tpu.vector_store %arg5[%swap3A_41, %swap3A_42], %broadcast_in_dim3A_29 {strides = array<i32>} : memref<12288x128xf32, #tpu.memory_space<vmem>>, vector<2176x128xf32>,
    return
  }
}

module attributes {stable_mosaic.version = 14 : i64} {
  func.func @body(%arg0: memref<2x10112x128xf32, #tpu.memory_space<vmem>>, %arg1: memref<12288x1xf32, #tpu.memory_space<vmem>>, %arg2: memref<128x128xf32, #tpu.memory_space<vmem>>, %arg3: memref<128xf32, #tpu.memory_space<vmem>>, %arg4: memref<12288x128xf32, #tpu.memory_space<vmem>>) attributes {dimension_semantics = [], scalar_prefetch = 0 : i64, scratch_operands = 0 : i64, tpu.core_type = #tpu.core_type<tc>} {
    %get3A = arith.constant 0 : index
    %get3A_0 = arith.constant 0 : index
    %get3A_1 = vector.load %arg1[%get3A, %get3A_0] : memref<12288x1xf32, #tpu.memory_space<vmem>>, vector<12288x1xf32>
    %get3A_2 = arith.constant 0 : index
    %get3A_3 = arith.constant 0 : index
    %get3A_4 = arith.constant 0 : index
    %get3A_5 = vector.load %arg0[%get3A_2, %get3A_3, %get3A_4] : memref<2x10112x128xf32, #tpu.memory_space<vmem>>, vector<1x10112x128xf32>
    %get3A_6 = vector.shape_cast %get3A_5 : vector<1x10112x128xf32> to vector<10112x128xf32>
    %get3A_7 = arith.constant 1 : index
    %get3A_8 = arith.constant 0 : index
    %get3A_9 = arith.constant 0 : index
    %get3A_10 = vector.load %arg0[%get3A_7, %get3A_8, %get3A_9] : memref<2x10112x128xf32, #tpu.memory_space<vmem>>, vector<1x10112x128xf32>
    %get3A_11 = vector.shape_cast %get3A_10 : vector<1x10112x128xf32> to vector<10112x128xf32>
    %add3A = arith.addf %get3A_6, %get3A_11 : vector<10112x128xf32>
    %slice3A = vector.extract_strided_slice %get3A_1 {offsets = [0, 0], sizes = [10112, 1], strides = [1, 1]} : vector<12288x1xf32> to vector<10112x1xf32>
    %mul3A = vector.broadcast %slice3A : vector<10112x1xf32> to vector<10112x128xf32>
    %mul3A_12 = arith.mulf %add3A, %mul3A : vector<10112x128xf32>
    %get3A_13 = arith.constant 0 : index
    %get3A_14 = arith.constant 0 : index
    %get3A_15 = vector.load %arg2[%get3A_13, %get3A_14] : memref<128x128xf32, #tpu.memory_space<vmem>>, vector<128x128xf32>
    %dot_general3A = arith.constant dense<0.000000e+00> : vector<10112x128xf32>
    %dot_general3A_16 = tpu.matmul %mul3A_12, %get3A_15, %dot_general3A {dimension_numbers = #tpu.dot_dimension_numbers<[1], [0], [0], [1], [0, 0, 1, 1], [], []>, precision = #tpu.contract_precision<fp32>, transpose_lhs_hint = false} : vector<10112x128xf32>, vector<128x128xf32>, vector<10112x128xf32> -> vector<10112x128xf32>
    %get3A_17 = arith.constant 0 : index
    %get3A_18 = vector.load %arg3[%get3A_17] : memref<128xf32, #tpu.memory_space<vmem>>, vector<128xf32>
    %broadcast_in_dim3A = vector.shape_cast %get3A_18 : vector<128xf32> to vector<1x128xf32>
    %add3A_19 = vector.broadcast %broadcast_in_dim3A : vector<1x128xf32> to vector<10112x128xf32>
    %add3A_20 = arith.addf %dot_general3A_16, %add3A_19 : vector<10112x128xf32>
    %iota3A = tpu.iota {dimensions = array<i32: 0>} : vector<10112x1xi32>
    %lt3A = arith.constant 10000 : i32
    %lt3A_21 = vector.broadcast %lt3A : i32 to vector<10112x1xi32>
    %lt3A_22 = arith.cmpi slt, %iota3A, %lt3A_21 : vector<10112x1xi32>
    %max3A = arith.constant 0.000000e+00 : f32
    %max3A_23 = vector.broadcast %max3A : f32 to vector<10112x128xf32>
    %max3A_24 = arith.maximumf %add3A_20, %max3A_23 : vector<10112x128xf32>
    %jit3A = arith.constant 0.000000e+00 : f32
    %broadcast_in_dim3A_25 = vector.shape_cast %lt3A_22 : vector<10112x1xi1> to vector<10112x1xi1>
    %broadcast_in_dim3A_26 = vector.broadcast %broadcast_in_dim3A_25 : vector<10112x1xi1> to vector<10112x128xi1>
    %broadcast_in_dim3A_27 = vector.broadcast %jit3A : f32 to vector<10112x128xf32>
    %select_n3A = arith.select %broadcast_in_dim3A_26, %max3A_24, %broadcast_in_dim3A_27 : vector<10112x128xi1>, vector<10112x128xf32>
    %broadcast_in_dim3A_28 = arith.constant 0.000000e+00 : f32
    %broadcast_in_dim3A_29 = vector.broadcast %broadcast_in_dim3A_28 : f32 to vector<2176x128xf32>
    %swap3A = arith.constant 0 : index
    %swap3A_30 = arith.constant 0 : index
    %swap3A_31 = vector.load %arg4[%swap3A, %swap3A_30] : memref<12288x128xf32, #tpu.memory_space<vmem>>, vector<10112x128xf32>
    tpu.vector_store %arg4[%swap3A, %swap3A_30], %select_n3A {strides = array<i32>} : memref<12288x128xf32, #tpu.memory_space<vmem>>, vector<10112x128xf32>,
    %swap3A_32 = arith.constant 10112 : index
    %swap3A_33 = arith.constant 0 : index
    %swap3A_34 = vector.load %arg4[%swap3A_32, %swap3A_33] : memref<12288x128xf32, #tpu.memory_space<vmem>>, vector<2176x128xf32>
    tpu.vector_store %arg4[%swap3A_32, %swap3A_33], %broadcast_in_dim3A_29 {strides = array<i32>} : memref<12288x128xf32, #tpu.memory_space<vmem>>, vector<2176x128xf32>,
    return
  }
}

module attributes {stable_mosaic.version = 14 : i64} {
  func.func @body(%arg0: memref<2x384x128xf32, #tpu.memory_space<vmem>>, %arg1: memref<32x384x1xf32, #tpu.memory_space<vmem>>, %arg2: memref<256x200xf32, #tpu.memory_space<vmem>>, %arg3: memref<328x2xf32, #tpu.memory_space<vmem>>, %arg4: memref<2xf32, #tpu.memory_space<vmem>>, %arg5: memref<256x2xf32, #tpu.memory_space<vmem>>) attributes {dimension_semantics = [], scalar_prefetch = 0 : i64, scratch_operands = 0 : i64, tpu.core_type = #tpu.core_type<tc>} {
    %get3A = arith.constant 0 : index
    %get3A_0 = arith.constant 0 : index
    %get3A_1 = arith.constant 0 : index
    %get3A_2 = vector.load %arg0[%get3A, %get3A_0, %get3A_1] : memref<2x384x128xf32, #tpu.memory_space<vmem>>, vector<1x256x128xf32>
    %get3A_3 = vector.shape_cast %get3A_2 : vector<1x256x128xf32> to vector<256x128xf32>
    %get3A_4 = arith.constant 1 : index
    %get3A_5 = arith.constant 0 : index
    %get3A_6 = arith.constant 0 : index
    %get3A_7 = vector.load %arg0[%get3A_4, %get3A_5, %get3A_6] : memref<2x384x128xf32, #tpu.memory_space<vmem>>, vector<1x256x128xf32>
    %get3A_8 = vector.shape_cast %get3A_7 : vector<1x256x128xf32> to vector<256x128xf32>
    %add3A = arith.addf %get3A_3, %get3A_8 : vector<256x128xf32>
    %get3A_9 = arith.constant 0 : index
    %get3A_10 = arith.constant 0 : index
    %get3A_11 = arith.constant 0 : index
    %get3A_12 = vector.load %arg1[%get3A_9, %get3A_10, %get3A_11] : memref<32x384x1xf32, #tpu.memory_space<vmem>>, vector<32x384x1xf32>
    %reduce_sum3A = arith.constant dense<0.000000e+00> : vector<384x1xf32>
    %reduce_sum3A_13 = vector.multi_reduction <add>, %get3A_12, %reduce_sum3A [0] : vector<32x384x1xf32> to vector<384x1xf32>
    %slice3A = vector.extract_strided_slice %reduce_sum3A_13 {offsets = [0, 0], sizes = [256, 1], strides = [1, 1]} : vector<384x1xf32> to vector<256x1xf32>
    %max3A = arith.constant 1.000000e+00 : f32
    %max3A_14 = vector.broadcast %max3A : f32 to vector<256x1xf32>
    %max3A_15 = arith.maximumf %slice3A, %max3A_14 : vector<256x1xf32>
    %div3A = vector.broadcast %max3A_15 : vector<256x1xf32> to vector<256x128xf32>
    %div3A_16 = arith.divf %add3A, %div3A : vector<256x128xf32>
    %get3A_17 = arith.constant 0 : index
    %get3A_18 = arith.constant 0 : index
    %get3A_19 = vector.load %arg3[%get3A_17, %get3A_18] : memref<328x2xf32, #tpu.memory_space<vmem>>, vector<328x2xf32>
    %slice3A_20 = vector.extract_strided_slice %get3A_19 {offsets = [0, 0], sizes = [128, 2], strides = [1, 1]} : vector<328x2xf32> to vector<128x2xf32>
    %dot_general3A = arith.constant dense<0.000000e+00> : vector<256x2xf32>
    %dot_general3A_21 = tpu.matmul %div3A_16, %slice3A_20, %dot_general3A {dimension_numbers = #tpu.dot_dimension_numbers<[1], [0], [0], [1], [0, 0, 1, 1], [], []>, precision = #tpu.contract_precision<fp32>, transpose_lhs_hint = false} : vector<256x128xf32>, vector<128x2xf32>, vector<256x2xf32> -> vector<256x2xf32>
    %get3A_22 = arith.constant 0 : index
    %get3A_23 = arith.constant 0 : index
    %get3A_24 = vector.load %arg2[%get3A_22, %get3A_23] : memref<256x200xf32, #tpu.memory_space<vmem>>, vector<256x200xf32>
    %slice3A_25 = vector.extract_strided_slice %get3A_19 {offsets = [128, 0], sizes = [200, 2], strides = [1, 1]} : vector<328x2xf32> to vector<200x2xf32>
    %dot_general3A_26 = arith.constant dense<0.000000e+00> : vector<256x2xf32>
    %dot_general3A_27 = tpu.matmul %get3A_24, %slice3A_25, %dot_general3A_26 {dimension_numbers = #tpu.dot_dimension_numbers<[1], [0], [0], [1], [0, 0, 1, 1], [], []>, precision = #tpu.contract_precision<fp32>, transpose_lhs_hint = false} : vector<256x200xf32>, vector<200x2xf32>, vector<256x2xf32> -> vector<256x2xf32>
    %add3A_28 = arith.addf %dot_general3A_21, %dot_general3A_27 : vector<256x2xf32>
    %get3A_29 = arith.constant 0 : index
    %get3A_30 = vector.load %arg4[%get3A_29] : memref<2xf32, #tpu.memory_space<vmem>>, vector<2xf32>
    %broadcast_in_dim3A = vector.shape_cast %get3A_30 : vector<2xf32> to vector<1x2xf32>
    %add3A_31 = vector.broadcast %broadcast_in_dim3A : vector<1x2xf32> to vector<256x2xf32>
    %add3A_32 = arith.addf %add3A_28, %add3A_31 : vector<256x2xf32>
    %swap3A = arith.constant 0 : index
    %swap3A_33 = arith.constant 0 : index
    %swap3A_34 = vector.load %arg5[%swap3A, %swap3A_33] : memref<256x2xf32, #tpu.memory_space<vmem>>, vector<256x2xf32>
    tpu.vector_store %arg5[%swap3A, %swap3A_33], %add3A_32 {strides = array<i32>} : memref<256x2xf32, #tpu.memory_space<vmem>>, vector<256x2xf32>,
    return
  }
}

</mosaic_0001>

<sc_bundles>
// kernel: kernel.10.cloned.1.call-start
scs
__scs_entry_jumppad:
0x0: {  	(pc) =	sbr.rel $0x88, $3  }
0x1: {  	(tag) =	ssettag $0x0;
	lr =	simm.s32 $0x1  }
0x2: {  	[smem:$0x3F96] =	sst lr;
	_ =	strace $0xD0000000  }
0x3: {  	_ = 	snop  }
0x4: {  	_ = 	snop  }
0x5: {  	_ = 	snop  }
0x6: {  	_ = 	snop  }
0x7: {  	_ = 	snop  }
__scs_overlays_trampoline_lowered:
0x8: {  	[smem:$0x3FA5] =	sst s0  }
0x9: {  	[smem:$0x3FA6] =	sst s1  }
0xa: {  	[smem:$0x3FA7] =	sst s2  }
0xb: {  	[smem:$0x3FA8] =	sst s3  }
0xc: {  	[smem:$0x3FA9] =	sst s4  }
0xd: {  	[smem:$0x3FAA] =	sst s5  }
0xe: {  	[smem:$0x3FAB] =	sst s6  }
0xf: {  	[smem:$0x3FAC] =	sst s7  }
0x10: {  	[smem:$0x3FAD] =	sst s8  }
0x11: {  	[smem:$0x3FAE] =	sst s9;
	s0 =	simm.s32 @!p0 $0x0  }
0x12: {  	s1 =	sld [smem:$0x3F94];
	s0 =	simm.s32 @p0 $0x1  }
0x13: {  	[smem:$0x3FAF] =	sst s0;
	s0 =	simm.s32 @!p1 $0x0  }
0x14: {  	s2 =	sld [smem:$0x3F93];
	s0 =	simm.s32 @p1 $0x1  }
0x15: {  	[smem:$0x3FB0] =	sst s0;
	s0 =	simm.s32 @!p2 $0x0  }
0x16: {  	s3 =	sld [smem:$0x3FDB];
	s0 =	simm.s32 @p2 $0x1  }
0x17: {  	s4 =	simm.s32 $0x1BF5;
	[smem:$0x3FB2] =	sst s0  }
0x18: {  	s0 =	sld [smem:$0x3F95];
	_ =	swait.ge [sflag:s4], $0x0  }
0x19: {  	s7 =	sld [smem:$0x3F96]  }
0x1a: {  	s8 =	sadd.s32 $0xFFFFE003, lr  }
0x1b: {  	s9 =	sadd.s32 $0xFFFFFEF7, lr;
	s5 =	simm.s32 $0xFFFFFFFF;
	p2 =	slt.u32 s8, $0xFFFFF086  }
0x1c: {  	p1 =	slt.u32 s9, $0xF7A;
	s5 =	simm.s32 @!p2 $0x0  }
0x1d: {  	s5 =	simm.s32 @p1 $0x1;
	p0 =	seq.s32 s7, s2  }
0x1e: {  	s7 =	smul.u32 @!p0 $0xF7A, s2;
	p2 =	seq.s32 @!p0 s5, $0x0  }
0x1f: {  	s9 =	smul.u32 $0xF7A, s1;
	s8 =	simm.s32 @!p0 $0x1BF5;
	p2 =	por !p2, p0  }
0x20: {  	[sflag:s8] =	ssyncset.s32 @!p0 $0xFFFFF086;
	s6 =	sadd.s32 @!p0 s3, s7;
	s7 =	simm.s32 @!p0 $0x108  }
0x21: {  	s3 =	sadd.s32 s3, s9;
	s6 =	sadd.s32 @!p0 $0x88, s6;
	s7 =	simm.s32 @p2 $0x1082  }
0x22: {  	[simem:s7], [sflag:s8] =	dma.local @!p0 [hbm:s6], $0xF7A  }
0x23: {  	s9 =	sor.u32 $0xD0000000, s2;
	s6 =	simm.s32 $0x108;
	_ =	swait.ge @!p0 [sflag:s8], $0x0  }
0x24: {  	s3 =	sadd.s32 $0x88, s3;
	s6 =	simm.s32 @!p1 $0x1082;
	[sflag:s4] =	ssyncset.s32 $0xFFFFF086  }
0x25: {  	[simem:s6], [sflag:s4] =	dma.local [hbm:s3], $0xF7A  }
0x26: {  	[smem:$0x3F96] =	sst s1;
	(tag) =	ssettag s2;
	_ =	strace s9  }
0x27: {  	s1 =	sld [smem:$0x3FA6]  }
0x28: {  	s2 =	sld [smem:$0x3FA7]  }
0x29: {  	s4 =	sld [smem:$0x3FA9]  }
0x2a: {  	p0 =	seq.s32 s5, $0x0;
	s5 =	sld [smem:$0x3FAA]  }
0x2b: {  	s6 =	sld [smem:$0x3FAB]  }
0x2c: {  	s7 =	sld [smem:$0x3FAC]  }
0x2d: {  	s3 =	simm.s32 $0x108;
	s8 =	sld [smem:$0x3FAD]  }
0x2e: {  	s3 =	simm.s32 @!p0 $0x1082;
	s9 =	sld [smem:$0x3FAE]  }
0x2f: {  	lr =	sadd.s32 s0, s3;
	s0 =	sld [smem:$0x3FA5]  }
0x30: {  	s3 =	sld [smem:$0x3FA8]  }
0x31: {  	[smem:$0x3FB1] =	sst s10  }
0x32: {  	s10 =	sld [smem:$0x3FAF];
	_ =	sdelay $0x3  }
0x33: {  	p0 =	seq.s32 s10, $0x1;
	s10 =	sld [smem:$0x3FB1];
	_ =	sdelay $0x3  }
0x34: {  	[smem:$0x3FB1] =	sst s10  }
0x35: {  	s10 =	sld [smem:$0x3FB0];
	_ =	sdelay $0x3  }
0x36: {  	p1 =	seq.s32 s10, $0x1;
	s10 =	sld [smem:$0x3FB1];
	_ =	sdelay $0x3  }
0x37: {  	[smem:$0x3FB1] =	sst s10  }
0x38: {  	s10 =	sld [smem:$0x3FB2]  }
0x39: {  	_ = 	snop;
	(pc) =	sbr.ind lr, $3  }
0x3a: {  	_ = 	snop  }
0x3b: {  	_ = 	snop  }
0x3c: {  	p2 =	seq.s32 s10, $0x1;
	s10 =	sld [smem:$0x3FB1]  }
0x3d: {  	_ =	shalt  }
0x3e: {  	_ =	shalt  }
0x3f: {  	_ =	shalt  }
0x40: {  	_ =	shalt  }
0x41: {  	_ =	shalt  }
0x42: {  	_ =	shalt  }
0x43: {  	_ =	shalt  }
0x44: {  	_ =	shalt  }
0x45: {  	_ =	shalt  }
0x46: {  	_ =	shalt  }
0x47: {  	_ =	shalt  }
0x48: {  	_ =	shalt  }
0x49: {  	_ =	shalt  }
0x4a: {  	_ =	shalt  }
0x4b: {  	_ =	shalt  }
0x4c: {  	_ =	shalt  }
0x4d: {  	_ =	shalt  }
0x4e: {  	_ =	shalt  }
0x4f: {  	_ =	shalt  }
0x50: {  	_ =	shalt  }
0x51: {  	_ =	shalt  }
0x52: {  	_ =	shalt  }
0x53: {  	_ =	shalt  }
0x54: {  	_ =	shalt  }
0x55: {  	_ =	shalt  }
0x56: {  	_ =	shalt  }
0x57: {  	_ =	shalt  }
0x58: {  	_ =	shalt  }
0x59: {  	_ =	shalt  }
0x5a: {  	_ =	shalt  }
0x5b: {  	_ =	shalt  }
0x5c: {  	_ =	shalt  }
0x5d: {  	_ =	shalt  }
0x5e: {  	_ =	shalt  }
0x5f: {  	_ =	shalt  }
0x60: {  	_ =	shalt  }
0x61: {  	_ =	shalt  }
0x62: {  	_ =	shalt  }
0x63: {  	_ =	shalt  }
0x64: {  	_ =	shalt  }
0x65: {  	_ =	shalt  }
0x66: {  	_ =	shalt  }
0x67: {  	_ =	shalt  }
0x68: {  	_ =	shalt  }
0x69: {  	_ =	shalt  }
0x6a: {  	_ =	shalt  }
0x6b: {  	_ =	shalt  }
0x6c: {  	_ =	shalt  }
0x6d: {  	_ =	shalt  }
0x6e: {  	_ =	shalt  }
0x6f: {  	_ =	shalt  }
0x70: {  	_ =	shalt  }
0x71: {  	_ =	shalt  }
0x72: {  	_ =	shalt  }
0x73: {  	_ =	shalt  }
0x74: {  	_ =	shalt  }
0x75: {  	_ =	shalt  }
0x76: {  	_ =	shalt  }
0x77: {  	_ =	shalt  }
0x78: {  	_ =	shalt  }
0x79: {  	_ =	shalt  }
0x7a: {  	_ =	shalt  }
0x7b: {  	_ =	shalt  }
0x7c: {  	_ =	shalt  }
0x7d: {  	_ =	shalt  }
0x7e: {  	_ =	shalt  }
0x7f: {  	_ =	shalt  }
0x80: {  	_ =	shalt  }
0x81: {  	_ =	shalt  }
0x82: {  	_ =	shalt  }
0x83: {  	_ =	shalt  }
0x84: {  	_ =	shalt  }
0x85: {  	_ =	shalt  }
0x86: {  	_ =	shalt  }
0x87: {  	_ =	shalt  }
.Lfunc_end0:
.L_simem_size_0:
called_computation_lowered:
.L_overlay_start_0:
0x88: {  	s2 =	sld [smem:$0x3FD9]  }
0x89: {  	s3 =	sld [smem:$0x3FFE];
	_ =	sdelay $0x1  }
0x8a: {  	s1 =	srdreg.scid  }
0x8b: {  	s0 =	sand.u32 $0x1, s1  }
0x8c: {  	s17 =	sshll.u32 s0, $0xA;
	s2 =	sadd.s32 s3, s2  }
0x8d: {  	s2 =	sadd.s32 s2, s17  }
0x8e: {  	[smem:$0x3FBD] =	sst s2  }
0x8f: {  	_ = 	snop  }
0x90: {  	s2 =	sld [smem:$0x3FC5];
	(tm) =	ssettm $0x1  }
0x91: {  	s18 =	sld [smem:$0x3FFB];
	_ =	sdelay $0x3  }
0x92: {  	_ =	strace s18  }
0x93: {  	s3 =	sld [smem:$0x3FFC];
	_ =	sdelay $0x3  }
0x94: {  	_ =	strace s3  }
0x95: {  	s3 =	sld [smem:$0x3FFD];
	_ =	sdelay $0x3  }
0x96: {  	_ =	strace s3  }
0x97: {  	_ =	strace $0x8FFFFFFF  }
0x98: {  	s19 =	sld [smem:$0x3FDB];
	_ =	sdelay $0x1  }
0x99: {  	s4 =	simm.s32 $_scs_section_size  }
0x9a: {  	s5 =	simm.s32 $_size__tile_overlayer_lowered;
	s6 =	simm.s32 $_tile_overlayer_lowered  }
0x9b: {  	s22 =	simm.s32 $0x1BFF;
	s21 =	sshll.u32 s6, $0x1;
	s3 =	sadd.s32 s4, s19  }
0x9c: {  	s7 =	simm.s32 $0x0;
	s20 =	sshll.u32 s5, $0x1;
	s5 =	sadd.s32 s21, s3  }
0x9d: {  	[timem:s7], [sflag:s22] =	dma.local [hbm:s5], s20  }
0x9e: {  	_ =	swait.ge [sflag:s22], s20  }
0x9f: {  	s4 =	ssub.s32 $0x0, s20;
	[sflag:s22] =	ssyncset.done $0x0  }
0xa0: {  	[sflag:s22] =	ssyncadd.s32 s4;
	_ =	sdelay $0x1  }
0xa1: {  	s23 =	simm.s32 $0x1B8B  }
0xa2: {  	_ =	swait.ge [sflag:s23], $0x1  }
0xa3: {  	[sflag:s23] =	ssyncset.done $0x0  }
0xa4: {  	s25 =	simm.s32 $0x1B8E;
	s24 =	sld [smem:$0x3FFE];
	[sflag:s23] =	ssyncadd.s32 $0xFFFFFFFF  }
0xa5: {  	s26 =	simm.s32 $execute0_lowered;
	[smem:$0x3FD2] =	sst s25  }
0xa6: {  	s5 =	sshll.u32 s26, $0x1;
	_ =	strace $0x80000046;
	[dreg:$0x1] =	wrdreg $0xFFFFFFFF  }
0xa7: {  	s28 =	simm.s32 $_size_execute0_lowered;
	s3 =	sadd.s32 s3, s5;
	[dreg:$0x0] =	wrdreg $0x0  }
0xa8: {  	s5 =	sshll.u32 s28, $0x1;
	[dreg:$0x2] =	wrdreg s3  }
0xa9: {  	[dreg:$0x3] =	wrdreg s5  }
0xaa: {  	[dreg:$0x4] =	wrdreg $0xC0  }
0xab: {  	_ =	task [dreg:s7], $0x5FFFF  }
0xac: {  	[dreg:$0x1] =	wrdreg $0xFFFFFFFF  }
0xad: {  	[dreg:$0x0] =	wrdreg $0x60  }
0xae: {  	[dreg:$0x2] =	wrdreg s24  }
0xaf: {  	[dreg:$0x3] =	wrdreg s2  }
0xb0: {  	[dreg:$0x4] =	wrdreg $0xD0800  }
0xb1: {  	[dreg:$0x5] =	wrdreg $0x9  }
0xb2: {  	_ =	task.clear_ibuf [dreg:s7], $0x6FFFF;
	_ =	strace $0x90000046  }
0xb3: {  	s29 =	simm.s32 $0x9;
	_ =	strace $0x80000048  }
0xb4: {  	_ =	swait.ge [sflag:s29], $0x1  }
0xb5: {  	[sflag:s29] =	ssyncadd.s32 $0xFFFFFFFF  }
0xb6: {  	_ =	strace $0x90000048  }
0xb7: {  	_ =	sfence  }
0xb8: {  	s30 =	sld [smem:$0x0];
	_ =	sdelay $0x2  }
0xb9: {  	s31 =	sshll.u32 s1, $0xD;
	s1 =	sshrl.u32 s1, $0x2  }
0xba: {  	s3 =	sand.u32 $0x4000, s31;
	s1 =	sadd.s32 s1, s30  }
0xbb: {  	s0 =	sor.u32 s3, s0;
	s1 =	sshll.u32 s1, $0x11  }
0xbc: {  	s0 =	sor.u32 s1, s0  }
0xbd: {  	s0 =	sadd.s32 $0x8F2B, s0  }
0xbe: {  	[sflag:s0] =	ssyncadd.remote.s32 $0x1  }
0xbf: {  	_ =	sfence.sel $0xFFFF  }
0xc0: {  	[dreg:$0x0] =	wrdreg $0xFFFFFFFF;
	(pc) =	sbr.abs _section_cstart, $3  }
0xc1: {  	[dreg:$0x1] =	wrdreg $0xFFFFFFFF  }
0xc2: {  	_ =	task.clear_ibuf [dreg:s7], $0x2FFFF;
	_ =	strace $0x9FFFFFFF  }
0xc3: {  	(tm) =	ssettm $0x7FFFFFFF  }
tec
execute0_lowered:
.L_overlay_start_1:
0x0: {  	(tag) =	ssettag $0x1  }
0x1: {  	s0 =	rddreg [dreg:$0x0]  }
0x2: {  	s2 =	rddreg [dreg:$0x1]  }
0x3: {  	s1 =	srdreg.scid;
	s14 =	stileid.u32  }
0x4: {  	s11 =	rddreg [dreg:$0x2];
	s3 =	simm.s32 $0x0;
	s15 =	simm.s32 $0x2  }
0x5: {  	s17 =	simm.s32 $0x400;
	s18 =	simm.s32 $0x6C00;
	s28 =	simm.s32 $0xCD80  }
0x6: {  	s29 =	simm.s32 $0x0;
	s1 =	sand.u32 $0x1, s1;
	s4 =	sshll.u32 s14, $0x1  }
0x7: {  	[smem:$0x7FF] =	sst s3;
	s19 =	smul.u32 $0x600, s14;
	s8 =	sshrl.u32 s14, $0x2  }
0x8: {  	s25 =	sshrl.u32 s14, $0x3;
	s30 =	sshll.u32 s14, $0x7;
	s14 =	smul.u32 $0x6000, s14  }
0x9: {  	s12 =	sadd.s32 $0xD600, s0;
	s5 =	sor.u32 s1, s4;
	s8 =	smul.u32 $0xC00, s8  }
0xa: {  	_ =	strace $0x80000047;
	s9 =	sshll.u32 s1, $0x7;
	s6 =	smul.u32 $0x500, s5  }
0xb: {  	s1 =	ssub.s32 $0x2, s1;
	s4 =	sshll.u32 s5, $0x6;
	s23 =	smul.u32 $0xC000, s5  }
0xc: {  	s10 =	sshll.u32 s5, $0x7;
	s22 =	sshrl.u32 s1, $0x1;
	s24 =	smul.u32 $0x1800, s5  }
0xd: {  	s31 =	sshrl.u32 s14, $0x2;
	s7 =	sadd.s32 s4, s0;
	s4 =	sor.u32 s9, s19  }
0xe: {  	s20 =	sand.u32 $0x380, s10;
	s1 =	ssub.s32 s1, s22;
	s10 =	smul.u32 $0x60000, s25  }
0xf: {  	s19 =	simm.s32 $0x9C00;
	s22 =	simm.s32 $0x1;
	s25 =	simm.s32 $0x18000  }
0x10: {  	s6 =	sadd.s32 s6, s0;
	s4 =	sshrl.u32 s4, $0x3;
	s8 =	sor.u32 s8, s20  }
0x11: {  	s5 =	sadd.s32 $0xBA00, s7;
	s14 =	smax.u32 s1, $0x1;
	s20 =	simm.s32 $0x80  }
0x12: {  	s13 =	sadd.s32 s4, s0;
	s21 =	sshrl.u32 s8, $0x3;
	s4 =	sadd.s32 $0xC200, s7  }
0x13: {  	s8 =	sshrl.u32 s23, $0x3;
	s6 =	sadd.s32 $0x1A00, s6;
	s7 =	sadd.s32 s12, s24  }
0x14: {  	s10 =	sshrl.u32 s10, $0x2;
	s23 =	simm.s32 $0x100;
	s24 =	simm.s32 $0x1800  }
0x15: {  	s0 =	sadd.s32 s21, s0;
	s26 =	sadd.s32 s12, s8;
	s12 =	sand.u32 $0x380, s30  }
0x16: {  	s10 =	sadd.s32 s10, s11;
	s11 =	sadd.s32 s31, s11;
	s21 =	simm.s32 $0x2C00  }
0x17: {  	s8 =	sadd.s32 $0x800, s26;
	s9 =	sadd.s32 $0x1000, s26;
	s10 =	sadd.s32 s12, s10  }
0x18: {  	v0 =	vimm.f32 $0.0e+00;
	v1 =	vimm.f32 $1.000000000e+00;
	s12 =	sadd.s32 $0xCA00, s13;
	s13 =	sadd.s32 $0x3D600, s0;
	s26 =	simm.s32 $0x9D80  }
.LBB2_1:
0x19: {  	[tilespmem:s3], [sflag:$0x2] =	stream.linear.gather [hbm4b:s4+s3], $0x180, $0x38;
	[tilespmem:$0x10080] =	vst v63  }
0x1a: {  	_ =	swait.ge [sflag:s15], $0x180  }
0x1b: {  	[sflag:s15] =	ssyncset.done $0x0  }
0x1c: {  	s0 =	simm.s32 $0x200;
	[sflag:s15] =	ssyncadd.s32 $0xFFFFFE80  }
0x1d: {  	[tilespmem:s0], [sflag:$0x2] =	stream.linear.gather [hbm4b:s5+s3], $0x180, $0x38;
	[tilespmem:$0x10080] =	vst v63  }
0x1e: {  	_ =	swait.ge [sflag:s15], $0x180  }
0x1f: {  	[sflag:s15] =	ssyncset.done $0x0  }
0x20: {  	[sflag:s15] =	ssyncadd.s32 $0xFFFFFE80  }
0x21: {  	[tilespmem:s17], [sflag:$0x2] =	stream.linear.gather [hbm4b:s6+s3], $0x2780, $0x38;
	[tilespmem:$0x10080] =	vst v63  }
0x22: {  	_ =	swait.ge [sflag:s15], $0x2780  }
0x23: {  	[sflag:s15] =	ssyncset.done $0x0  }
0x24: {  	s1 =	simm.s32 $0x0;
	s0 =	simm.s32 $0x40;
	[sflag:s15] =	ssyncadd.s32 $0xFFFFD880  }
.LBB2_2:
0x25: {  	p0 =	sne.s32 s0, $0xBFC0;
	[tilespmem:s1+$0x6C00] =	vst v0;
	s1 =	smov.u32 s0;
	s0 =	sadd.s32 $0x40, s0  }
.Ltmp0:
0x26: {  	(pc) =	sbr.rel @p0 .LBB2_2-.Ltmp0, $2  }
0x27: {  	_ =	sdelay $0x2  }
0x28: {  	s1 =	sshra.s32 s1, $0x2  }
0x29: {  	[tilespmem:s1+$0x6C00] =	vst v0  }
0x2a: {  	[tilespmem:$0x9C00] =	vst v0  }
0x2b: {  	[tilespmem:$0x9C10] =	vst v0  }
0x2c: {  	[tilespmem:$0x9C20] =	vst v0  }
0x2d: {  	[tilespmem:$0x9C30] =	vst v0  }
0x2e: {  	[tilespmem:$0x9C40] =	vst v0  }
0x2f: {  	[tilespmem:$0x9C50] =	vst v0  }
0x30: {  	[tilespmem:$0x9C60] =	vst v0  }
0x31: {  	[tilespmem:$0x9C70] =	vst v0  }
0x32: {  	[tilespmem:$0x9C80] =	vst v0  }
0x33: {  	[tilespmem:$0x9C90] =	vst v0  }
0x34: {  	[tilespmem:$0x9CA0] =	vst v0  }
0x35: {  	[tilespmem:$0x9CB0] =	vst v0  }
0x36: {  	[tilespmem:$0x9CC0] =	vst v0  }
0x37: {  	[tilespmem:$0x9CD0] =	vst v0  }
0x38: {  	[tilespmem:$0x9CE0] =	vst v0  }
0x39: {  	[tilespmem:$0x9CF0] =	vst v0  }
0x3a: {  	[tilespmem:$0x9D00] =	vst v0  }
0x3b: {  	[tilespmem:$0x9D10] =	vst v0  }
0x3c: {  	[tilespmem:$0x9D20] =	vst v0  }
0x3d: {  	[tilespmem:$0x9D30] =	vst v0  }
0x3e: {  	[tilespmem:$0x9D40] =	vst v0  }
0x3f: {  	[tilespmem:$0x9D50] =	vst v0  }
0x40: {  	[tilespmem:$0x9D60] =	vst v0  }
0x41: {  	s0 =	simm.s32 $0x0;
	[tilespmem:$0x9D70] =	vst v0  }
.LBB2_4:
0x42: {  	s1 =	sshra.s32 s0, $0x2  }
0x43: {  	v2 =	vld [tilespmem:s1+$0x400];
	_ =	sdelay $0x7  }
0x44: {  	[tilespmem:v2+s18+$0x0] =	vst.idx.add.f32.msk $0xffff, v1  }
0x45: {  	v2 =	vld [tilespmem:s1+$0x410];
	_ =	sdelay $0x7  }
0x46: {  	[tilespmem:v2+s18+$0x0] =	vst.idx.add.f32.msk $0xffff, v1  }
0x47: {  	v2 =	vld [tilespmem:s1+$0x420];
	_ =	sdelay $0x7  }
0x48: {  	[tilespmem:v2+s18+$0x0] =	vst.idx.add.f32.msk $0xffff, v1  }
0x49: {  	v2 =	vld [tilespmem:s1+$0x430];
	_ =	sdelay $0x7  }
0x4a: {  	[tilespmem:v2+s18+$0x0] =	vst.idx.add.f32.msk $0xffff, v1  }
0x4b: {  	v2 =	vld [tilespmem:s1+$0x440];
	_ =	sdelay $0x7  }
0x4c: {  	[tilespmem:v2+s18+$0x0] =	vst.idx.add.f32.msk $0xffff, v1  }
0x4d: {  	v2 =	vld [tilespmem:s1+$0x450];
	_ =	sdelay $0x7  }
0x4e: {  	[tilespmem:v2+s18+$0x0] =	vst.idx.add.f32.msk $0xffff, v1  }
0x4f: {  	v2 =	vld [tilespmem:s1+$0x460];
	_ =	sdelay $0x7  }
0x50: {  	[tilespmem:v2+s18+$0x0] =	vst.idx.add.f32.msk $0xffff, v1  }
0x51: {  	v2 =	vld [tilespmem:s1+$0x470];
	_ =	sdelay $0x2  }
0x52: {  	p0 =	sne.s32 s0, $0x9C00  }
.Ltmp1:
0x53: {  	_ = 	snop;
	(pc) =	sbr.rel @p0 .LBB2_4-.Ltmp1, $2  }
0x54: {  	_ =	sdelay $0x2  }
0x55: {  	s0 =	sadd.s32 $0x200, s0;
	[tilespmem:v2+s18+$0x0] =	vst.idx.add.f32.msk $0xffff, v1  }
0x56: {  	v2 =	vld [tilespmem:$0x200];
	_ =	sdelay $0x7  }
0x57: {  	[tilespmem:v2+s19+$0x0] =	vst.idx.add.f32.msk $0xffff, v1  }
0x58: {  	v2 =	vld [tilespmem:$0x210];
	_ =	sdelay $0x7  }
0x59: {  	[tilespmem:v2+s19+$0x0] =	vst.idx.add.f32.msk $0xffff, v1  }
0x5a: {  	v2 =	vld [tilespmem:$0x220];
	_ =	sdelay $0x7  }
0x5b: {  	[tilespmem:v2+s19+$0x0] =	vst.idx.add.f32.msk $0xffff, v1  }
0x5c: {  	v2 =	vld [tilespmem:$0x230];
	_ =	sdelay $0x7  }
0x5d: {  	[tilespmem:v2+s19+$0x0] =	vst.idx.add.f32.msk $0xffff, v1  }
0x5e: {  	v2 =	vld [tilespmem:$0x240];
	_ =	sdelay $0x7  }
0x5f: {  	[tilespmem:v2+s19+$0x0] =	vst.idx.add.f32.msk $0xffff, v1  }
0x60: {  	v2 =	vld [tilespmem:$0x250];
	_ =	sdelay $0x7  }
0x61: {  	[tilespmem:v2+s19+$0x0] =	vst.idx.add.f32.msk $0xffff, v1  }
0x62: {  	v2 =	vld [tilespmem:$0x260];
	_ =	sdelay $0x7  }
0x63: {  	[tilespmem:v2+s19+$0x0] =	vst.idx.add.f32.msk $0xffff, v1  }
0x64: {  	v2 =	vld [tilespmem:$0x270];
	_ =	sdelay $0x7  }
0x65: {  	[tilespmem:v2+s19+$0x0] =	vst.idx.add.f32.msk $0xffff, v1  }
0x66: {  	v2 =	vld [tilespmem:$0x280];
	_ =	sdelay $0x7  }
0x67: {  	[tilespmem:v2+s19+$0x0] =	vst.idx.add.f32.msk $0xffff, v1  }
0x68: {  	v2 =	vld [tilespmem:$0x290];
	_ =	sdelay $0x7  }
0x69: {  	[tilespmem:v2+s19+$0x0] =	vst.idx.add.f32.msk $0xffff, v1  }
0x6a: {  	v2 =	vld [tilespmem:$0x2A0];
	_ =	sdelay $0x7  }
0x6b: {  	[tilespmem:v2+s19+$0x0] =	vst.idx.add.f32.msk $0xffff, v1  }
0x6c: {  	v2 =	vld [tilespmem:$0x2B0];
	_ =	sdelay $0x7  }
0x6d: {  	[tilespmem:v2+s19+$0x0] =	vst.idx.add.f32.msk $0xffff, v1  }
0x6e: {  	v2 =	vld [tilespmem:$0x2C0];
	_ =	sdelay $0x7  }
0x6f: {  	[tilespmem:v2+s19+$0x0] =	vst.idx.add.f32.msk $0xffff, v1  }
0x70: {  	v2 =	vld [tilespmem:$0x2D0];
	_ =	sdelay $0x7  }
0x71: {  	[tilespmem:v2+s19+$0x0] =	vst.idx.add.f32.msk $0xffff, v1  }
0x72: {  	v2 =	vld [tilespmem:$0x2E0];
	_ =	sdelay $0x7  }
0x73: {  	[tilespmem:v2+s19+$0x0] =	vst.idx.add.f32.msk $0xffff, v1  }
0x74: {  	v2 =	vld [tilespmem:$0x2F0];
	_ =	sdelay $0x7  }
0x75: {  	[tilespmem:v2+s19+$0x0] =	vst.idx.add.f32.msk $0xffff, v1  }
0x76: {  	v2 =	vld [tilespmem:$0x300];
	_ =	sdelay $0x7  }
0x77: {  	[tilespmem:v2+s19+$0x0] =	vst.idx.add.f32.msk $0xffff, v1  }
0x78: {  	v2 =	vld [tilespmem:$0x310];
	_ =	sdelay $0x7  }
0x79: {  	[tilespmem:v2+s19+$0x0] =	vst.idx.add.f32.msk $0xffff, v1  }
0x7a: {  	v2 =	vld [tilespmem:$0x320];
	_ =	sdelay $0x7  }
0x7b: {  	[tilespmem:v2+s19+$0x0] =	vst.idx.add.f32.msk $0xffff, v1  }
0x7c: {  	v2 =	vld [tilespmem:$0x330];
	_ =	sdelay $0x7  }
0x7d: {  	[tilespmem:v2+s19+$0x0] =	vst.idx.add.f32.msk $0xffff, v1  }
0x7e: {  	v2 =	vld [tilespmem:$0x340];
	_ =	sdelay $0x7  }
0x7f: {  	[tilespmem:v2+s19+$0x0] =	vst.idx.add.f32.msk $0xffff, v1  }
0x80: {  	v2 =	vld [tilespmem:$0x350];
	_ =	sdelay $0x7  }
0x81: {  	[tilespmem:v2+s19+$0x0] =	vst.idx.add.f32.msk $0xffff, v1  }
0x82: {  	v2 =	vld [tilespmem:$0x360];
	_ =	sdelay $0x7  }
0x83: {  	[tilespmem:v2+s19+$0x0] =	vst.idx.add.f32.msk $0xffff, v1  }
0x84: {  	v2 =	vld [tilespmem:$0x370];
	_ =	sdelay $0x7  }
0x85: {  	s0 =	simm.s32 $0x0;
	[tilespmem:v2+s19+$0x0] =	vst.idx.add.f32.msk $0xffff, v1  }
0x86: {  	[tilespmem:s21], [sflag:$0x1] =	stream.indirect.gather [hbm4b:s2+s20], $0x80, s0, s20, $0xb8;
	[tilespmem:$0x10080] =	vst v63  }
0x87: {  	_ =	swait.ge [sflag:s22], $0x4000  }
0x88: {  	[sflag:s22] =	ssyncset.done $0x0  }
0x89: {  	[sflag:s22] =	ssyncadd.s32 $0xFFFFC000  }
0x8a: {  	[hbm4b:s7+s0] =	stream.linear.scatter [tilespmem:s21], [sflag:$0x2], $0x4000, $0x38;
	[tilespmem:$0x10080] =	vst v63  }
0x8b: {  	_ =	swait.ge [sflag:s15], $0x4000  }
0x8c: {  	[sflag:s15] =	ssyncset.done $0x0  }
0x8d: {  	[sflag:s15] =	ssyncadd.s32 $0xFFFFC000  }
0x8e: {  	[tilespmem:s21], [sflag:$0x1] =	stream.indirect.gather [hbm4b:s2+s20], $0x80, s20, s20, $0xb8;
	[tilespmem:$0x10080] =	vst v63  }
0x8f: {  	_ =	swait.ge [sflag:s22], $0x4000  }
0x90: {  	[sflag:s22] =	ssyncset.done $0x0  }
0x91: {  	[sflag:s22] =	ssyncadd.s32 $0xFFFFC000  }
0x92: {  	[hbm4b:s8+s0] =	stream.linear.scatter [tilespmem:s21], [sflag:$0x2], $0x4000, $0x38;
	[tilespmem:$0x10080] =	vst v63  }
0x93: {  	_ =	swait.ge [sflag:s15], $0x4000  }
0x94: {  	[sflag:s15] =	ssyncset.done $0x0  }
0x95: {  	[sflag:s15] =	ssyncadd.s32 $0xFFFFC000  }
0x96: {  	[tilespmem:s21], [sflag:$0x1] =	stream.indirect.gather [hbm4b:s2+s20], $0x80, s23, s20, $0xb8;
	[tilespmem:$0x10080] =	vst v63  }
0x97: {  	_ =	swait.ge [sflag:s22], $0x4000  }
0x98: {  	[sflag:s22] =	ssyncset.done $0x0  }
0x99: {  	[sflag:s22] =	ssyncadd.s32 $0xFFFFC000  }
0x9a: {  	[hbm4b:s9+s0] =	stream.linear.scatter [tilespmem:s21], [sflag:$0x2], $0x4000, $0x38;
	[tilespmem:$0x10080] =	vst v63  }
0x9b: {  	_ =	swait.ge [sflag:s15], $0x4000  }
0x9c: {  	[sflag:s15] =	ssyncset.done $0x0  }
0x9d: {  	[sflag:s15] =	ssyncadd.s32 $0xFFFFC000  }
0x9e: {  	[spmem:s10] =	stream.strided.scatter [tilespmem:s18], [sflag:$0x2], $0x3000, s17, s20, $0x38;
	[tilespmem:$0x10080] =	vst v63  }
0x9f: {  	_ =	swait.ge [sflag:s15], $0x3000  }
0xa0: {  	[sflag:s15] =	ssyncset.done $0x0  }
0xa1: {  	[sflag:s15] =	ssyncadd.s32 $0xFFFFD000  }
0xa2: {  	[bflag:$0x0] =	sbarrier.arrive $0xFFFF  }
0xa3: {  	[tilespmem:s26], [sflag:$0x2] =	stream.strided.gather [spmem:s11], $0x3000, s25, s24, $0x38;
	[tilespmem:$0x10080] =	vst v63  }
0xa4: {  	_ =	swait.ge [sflag:s15], $0x3000  }
0xa5: {  	s1 =	sand.u32 $0x70, s0;
	s0 =	sand.u32 $0x1C00, s0;
	[sflag:s15] =	ssyncset.done $0x0  }
0xa6: {  	s0 =	sor.u32 s1, s0;
	[sflag:s15] =	ssyncadd.s32 $0xFFFFD000  }
0xa7: {  	v2 =	vld [tilespmem:s0+$0x9E00]  }
0xa8: {  	v3 =	vld [tilespmem:s0+$0x9D80];
	_ =	sdelay $0x1  }
0xa9: {  	v4 =	vld [tilespmem:s0+$0x9E80];
	_ =	sdelay $0x1  }
0xaa: {  	v5 =	vld [tilespmem:s0+$0x9F00]  }
0xab: {  	v2 =	vadd.f32 v2, v3  }
0xac: {  	v3 =	vld [tilespmem:s0+$0x9F80]  }
0xad: {  	v2 =	vadd.f32 v4, v2  }
0xae: {  	v56 =	vld [tilespmem:s0+$0xA000]  }
0xaf: {  	v2 =	vadd.f32 v5, v2  }
0xb0: {  	v57 =	vld [tilespmem:s0+$0xA080]  }
0xb1: {  	v2 =	vadd.f32 v3, v2  }
0xb2: {  	v3 =	vld [tilespmem:s0+$0xA100]  }
0xb3: {  	v2 =	vadd.f32 v56, v2  }
0xb4: {  	v58 =	vld [tilespmem:s0+$0xB580]  }
0xb5: {  	v2 =	vadd.f32 v57, v2  }
0xb6: {  	v59 =	vld [tilespmem:s0+$0xB600]  }
0xb7: {  	v2 =	vadd.f32 v3, v2  }
0xb8: {  	v3 =	vld [tilespmem:s0+$0xB680]  }
0xb9: {  	v2 =	vadd.f32 v58, v2  }
0xba: {  	v60 =	vld [tilespmem:s0+$0xB700]  }
0xbb: {  	v2 =	vadd.f32 v59, v2  }
0xbc: {  	v61 =	vld [tilespmem:s0+$0xB780]  }
0xbd: {  	v2 =	vadd.f32 v3, v2  }
0xbe: {  	v3 =	vld [tilespmem:s0+$0xB800]  }
0xbf: {  	v2 =	vadd.f32 v60, v2  }
0xc0: {  	v62 =	vld [tilespmem:s0+$0xB880]  }
0xc1: {  	v2 =	vadd.f32 v61, v2  }
0xc2: {  	v63 =	vld [tilespmem:s0+$0xB900]  }
0xc3: {  	v2 =	vadd.f32 v3, v2;
	_ =	sdelay $0x1  }
0xc4: {  	v2 =	vadd.f32 v62, v2;
	_ =	sdelay $0x1  }
0xc5: {  	s16 =	simm.s32 $0x10;
	s1 =	simm.s32 $0x80;
	v2 =	vadd.f32 v63, v2  }
0xc6: {  	s30 =	simm.s32 $0xCD80;
	s31 =	sand.u32 $0x1C00, s1;
	s0 =	sand.u32 $0x70, s16  }
0xc7: {  	s31 =	sor.u32 s0, s31;
	s0 =	simm.s32 $0x20;
	[tilespmem:s30+$0x0] =	vst v2  }
.LBB2_6:
0xc8: {  	p0 =	sne.s32 s0, $0x2F0;
	v2 =	vld [tilespmem:s31+$0x9E00]  }
0xc9: {  	v3 =	vld [tilespmem:s31+$0x9D80];
	_ =	sdelay $0x1  }
0xca: {  	v4 =	vld [tilespmem:s31+$0x9E80];
	_ =	sdelay $0x1  }
0xcb: {  	v5 =	vld [tilespmem:s31+$0x9F00]  }
0xcc: {  	v2 =	vadd.f32 v2, v3  }
0xcd: {  	v3 =	vld [tilespmem:s31+$0x9F80]  }
0xce: {  	v2 =	vadd.f32 v4, v2  }
0xcf: {  	v4 =	vld [tilespmem:s31+$0xA000]  }
0xd0: {  	v2 =	vadd.f32 v5, v2  }
0xd1: {  	v5 =	vld [tilespmem:s31+$0xA080]  }
0xd2: {  	v2 =	vadd.f32 v3, v2  }
0xd3: {  	v3 =	vld [tilespmem:s31+$0xA100]  }
0xd4: {  	v2 =	vadd.f32 v4, v2  }
0xd5: {  	v4 =	vld [tilespmem:s31+$0xB580]  }
0xd6: {  	v2 =	vadd.f32 v5, v2  }
0xd7: {  	v5 =	vld [tilespmem:s31+$0xB600]  }
0xd8: {  	v2 =	vadd.f32 v3, v2  }
0xd9: {  	v3 =	vld [tilespmem:s31+$0xB680]  }
0xda: {  	v2 =	vadd.f32 v4, v2  }
0xdb: {  	v4 =	vld [tilespmem:s31+$0xB700]  }
0xdc: {  	v2 =	vadd.f32 v5, v2  }
0xdd: {  	v5 =	vld [tilespmem:s31+$0xB780]  }
0xde: {  	v2 =	vadd.f32 v3, v2  }
0xdf: {  	v3 =	vld [tilespmem:s31+$0xB800]  }
0xe0: {  	v2 =	vadd.f32 v4, v2  }
0xe1: {  	v4 =	vld [tilespmem:s31+$0xB880]  }
0xe2: {  	v2 =	vadd.f32 v5, v2  }
0xe3: {  	v5 =	vld [tilespmem:s31+$0xB900]  }
0xe4: {  	v2 =	vadd.f32 v3, v2;
	_ =	sdelay $0x1  }
.Ltmp2:
0xe5: {  	v2 =	vadd.f32 v4, v2;
	(pc) =	sbr.rel @p0 .LBB2_6-.Ltmp2, $4  }
0xe6: {  	_ = 	snop  }
0xe7: {  	s1 =	sadd.s32 $0x80, s1;
	v2 =	vadd.f32 v5, v2  }
0xe8: {  	s30 =	sadd.s32 $0x10, s30;
	s16 =	sand.u32 $0x1C00, s1;
	s31 =	sand.u32 $0x70, s0  }
0xe9: {  	s0 =	sadd.s32 $0x10, s0;
	s31 =	sor.u32 s31, s16;
	[tilespmem:s30+$0x0] =	vst v2  }
0xea: {  	v2 =	vld [tilespmem:s31+$0x9E00]  }
0xeb: {  	v3 =	vld [tilespmem:s31+$0x9D80];
	_ =	sdelay $0x1  }
0xec: {  	v4 =	vld [tilespmem:s31+$0x9E80];
	_ =	sdelay $0x1  }
0xed: {  	v5 =	vld [tilespmem:s31+$0x9F00]  }
0xee: {  	v2 =	vadd.f32 v2, v3  }
0xef: {  	v3 =	vld [tilespmem:s31+$0x9F80]  }
0xf0: {  	v2 =	vadd.f32 v4, v2  }
0xf1: {  	v56 =	vld [tilespmem:s31+$0xA000]  }
0xf2: {  	v2 =	vadd.f32 v5, v2  }
0xf3: {  	v57 =	vld [tilespmem:s31+$0xA080]  }
0xf4: {  	v2 =	vadd.f32 v3, v2  }
0xf5: {  	v3 =	vld [tilespmem:s31+$0xA100]  }
0xf6: {  	v2 =	vadd.f32 v56, v2  }
0xf7: {  	v58 =	vld [tilespmem:s31+$0xB580]  }
0xf8: {  	v2 =	vadd.f32 v57, v2  }
0xf9: {  	v59 =	vld [tilespmem:s31+$0xB600]  }
0xfa: {  	v2 =	vadd.f32 v3, v2  }
0xfb: {  	v3 =	vld [tilespmem:s31+$0xB680]  }
0xfc: {  	v2 =	vadd.f32 v58, v2  }
0xfd: {  	v60 =	vld [tilespmem:s31+$0xB700]  }
0xfe: {  	v2 =	vadd.f32 v59, v2  }
0xff: {  	v61 =	vld [tilespmem:s31+$0xB780]  }
0x100: {  	v2 =	vadd.f32 v3, v2  }
0x101: {  	v3 =	vld [tilespmem:s31+$0xB800]  }
0x102: {  	v2 =	vadd.f32 v60, v2  }
0x103: {  	v62 =	vld [tilespmem:s31+$0xB880]  }
0x104: {  	v2 =	vadd.f32 v61, v2  }
0x105: {  	v63 =	vld [tilespmem:s31+$0xB900]  }
0x106: {  	v2 =	vadd.f32 v3, v2;
	_ =	sdelay $0x1  }
0x107: {  	v2 =	vadd.f32 v62, v2;
	_ =	sdelay $0x1  }
0x108: {  	v2 =	vadd.f32 v63, v2  }
0x109: {  	s0 =	sadd.s32 $0x10, s30  }
0x10a: {  	[tilespmem:s0+$0x0] =	vst v2  }
0x10b: {  	[hbm4b:s12+s20] =	stream.strided.scatter [tilespmem:s28], [sflag:$0x2], $0x300, s23, s20, $0x38;
	[tilespmem:$0x10080] =	vst v63  }
0x10c: {  	s29 =	sadd.s32 $0x1, s29;
	_ =	swait.ge [sflag:s15], $0x300  }
0x10d: {  	p0 =	sne.s32 s29, s14;
	[sflag:s15] =	ssyncset.done $0x0  }
.Ltmp3:
0x10e: {  	[sflag:s15] =	ssyncadd.s32 $0xFFFFFD00;
	(pc) =	sbr.rel @p0 .LBB2_1-.Ltmp3, $4  }
0x10f: {  	[hbm4b:s13+s20] =	stream.strided.scatter [tilespmem:s19], [sflag:$0x2], $0x180, s17, s20, $0x38;
	[tilespmem:$0x10080] =	vst v63  }
0x110: {  	_ =	swait.ge [sflag:s15], $0x180  }
0x111: {  	[sflag:s15] =	ssyncset.done $0x0  }
0x112: {  	[sflag:s15] =	ssyncadd.s32 $0xFFFFFE80  }
0x113: {  	_ =	sfence.sel $0x180000  }
0x114: {  	[bflag:$0x0] =	sbarrier.arrive $0xFFFF  }
0x115: {  	_ =	strace $0x90000047  }
0x116: {  	s0 =	stileid.u32;
	[bflag:$0x2] =	sbarrier.arrive $0xFFFF  }
0x117: {  	p0 =	sne.s32 s0, $0x0;
	s0 =	rddreg [dreg:$0x3]  }
0x118: {  	s0 =	sadd.s32 @!p0 $0x100000, s0  }
0x119: {  	[sflag:s0] =	ssyncadd.tile.s32 @!p0 $0x1;
	_ =	shalt  }
.Lfunc_end2:
_tile_overlayer_lowered:
.L_overlay_start_2:
0x11a: {  	(tag) =	ssettag $0x2  }
0x11b: {  	s0 =	rddreg [dreg:$0x0];
	s2 =	stileid.u32  }
0x11c: {  	s1 =	rddreg [dreg:$0x1];
	p0 =	sne.s32 s2, $0x0  }
0x11d: {  	s3 =	rddreg [dreg:$0x2];
	[bflag:$0x3] =	sbarrier.arrive $0xFFFF;
	s2 =	simm.s32 @!p0 $0x1C02  }
0x11e: {  	[timem:s3], [sflag:s2] =	dma.local @!p0 [hbm:s0], s1  }
0x11f: {  	s0 =	simm.s32 @!p0 $0x2  }
0x120: {  	_ =	swait.ge @!p0 [sflag:s0], s1  }
0x121: {  	s1 =	ssub.s32 @!p0 $0x0, s1;
	[sflag:s0] =	ssyncset.done @!p0 $0x0  }
0x122: {  	[sflag:s0] =	ssyncadd.s32 @!p0 s1  }
0x123: {  	[bflag:$0x3] =	sbarrier.arrive $0xFFFF  }
0x124: {  	_ =	shalt  }

// kernel: kernel.13.cloned.1.call-start
scs
__scs_entry_jumppad:
0x0: {  	(pc) =	sbr.rel $0x88, $3  }
0x1: {  	(tag) =	ssettag $0x0;
	lr =	simm.s32 $0x1  }
0x2: {  	[smem:$0x3F96] =	sst lr;
	_ =	strace $0xD0000000  }
0x3: {  	_ = 	snop  }
0x4: {  	_ = 	snop  }
0x5: {  	_ = 	snop  }
0x6: {  	_ = 	snop  }
0x7: {  	_ = 	snop  }
__scs_overlays_trampoline_lowered:
0x8: {  	[smem:$0x3FA5] =	sst s0  }
0x9: {  	[smem:$0x3FA6] =	sst s1  }
0xa: {  	[smem:$0x3FA7] =	sst s2  }
0xb: {  	[smem:$0x3FA8] =	sst s3  }
0xc: {  	[smem:$0x3FA9] =	sst s4  }
0xd: {  	[smem:$0x3FAA] =	sst s5  }
0xe: {  	[smem:$0x3FAB] =	sst s6  }
0xf: {  	[smem:$0x3FAC] =	sst s7  }
0x10: {  	[smem:$0x3FAD] =	sst s8  }
0x11: {  	[smem:$0x3FAE] =	sst s9;
	s0 =	simm.s32 @!p0 $0x0  }
0x12: {  	s1 =	sld [smem:$0x3F94];
	s0 =	simm.s32 @p0 $0x1  }
0x13: {  	[smem:$0x3FAF] =	sst s0;
	s0 =	simm.s32 @!p1 $0x0  }
0x14: {  	s2 =	sld [smem:$0x3F93];
	s0 =	simm.s32 @p1 $0x1  }
0x15: {  	[smem:$0x3FB0] =	sst s0;
	s0 =	simm.s32 @!p2 $0x0  }
0x16: {  	s3 =	sld [smem:$0x3FDB];
	s0 =	simm.s32 @p2 $0x1  }
0x17: {  	s4 =	simm.s32 $0x1BF5;
	[smem:$0x3FB2] =	sst s0  }
0x18: {  	s0 =	sld [smem:$0x3F95];
	_ =	swait.ge [sflag:s4], $0x0  }
0x19: {  	s7 =	sld [smem:$0x3F96]  }
0x1a: {  	s8 =	sadd.s32 $0xFFFFE003, lr  }
0x1b: {  	s9 =	sadd.s32 $0xFFFFFEF7, lr;
	s5 =	simm.s32 $0xFFFFFFFF;
	p2 =	slt.u32 s8, $0xFFFFF086  }
0x1c: {  	p1 =	slt.u32 s9, $0xF7A;
	s5 =	simm.s32 @!p2 $0x0  }
0x1d: {  	s5 =	simm.s32 @p1 $0x1;
	p0 =	seq.s32 s7, s2  }
0x1e: {  	s7 =	smul.u32 @!p0 $0xF7A, s2;
	p2 =	seq.s32 @!p0 s5, $0x0  }
0x1f: {  	s9 =	smul.u32 $0xF7A, s1;
	s8 =	simm.s32 @!p0 $0x1BF5;
	p2 =	por !p2, p0  }
0x20: {  	[sflag:s8] =	ssyncset.s32 @!p0 $0xFFFFF086;
	s6 =	sadd.s32 @!p0 s3, s7;
	s7 =	simm.s32 @!p0 $0x108  }
0x21: {  	s3 =	sadd.s32 s3, s9;
	s6 =	sadd.s32 @!p0 $0x88, s6;
	s7 =	simm.s32 @p2 $0x1082  }
0x22: {  	[simem:s7], [sflag:s8] =	dma.local @!p0 [hbm:s6], $0xF7A  }
0x23: {  	s9 =	sor.u32 $0xD0000000, s2;
	s6 =	simm.s32 $0x108;
	_ =	swait.ge @!p0 [sflag:s8], $0x0  }
0x24: {  	s3 =	sadd.s32 $0x88, s3;
	s6 =	simm.s32 @!p1 $0x1082;
	[sflag:s4] =	ssyncset.s32 $0xFFFFF086  }
0x25: {  	[simem:s6], [sflag:s4] =	dma.local [hbm:s3], $0xF7A  }
0x26: {  	[smem:$0x3F96] =	sst s1;
	(tag) =	ssettag s2;
	_ =	strace s9  }
0x27: {  	s1 =	sld [smem:$0x3FA6]  }
0x28: {  	s2 =	sld [smem:$0x3FA7]  }
0x29: {  	s4 =	sld [smem:$0x3FA9]  }
0x2a: {  	p0 =	seq.s32 s5, $0x0;
	s5 =	sld [smem:$0x3FAA]  }
0x2b: {  	s6 =	sld [smem:$0x3FAB]  }
0x2c: {  	s7 =	sld [smem:$0x3FAC]  }
0x2d: {  	s3 =	simm.s32 $0x108;
	s8 =	sld [smem:$0x3FAD]  }
0x2e: {  	s3 =	simm.s32 @!p0 $0x1082;
	s9 =	sld [smem:$0x3FAE]  }
0x2f: {  	lr =	sadd.s32 s0, s3;
	s0 =	sld [smem:$0x3FA5]  }
0x30: {  	s3 =	sld [smem:$0x3FA8]  }
0x31: {  	[smem:$0x3FB1] =	sst s10  }
0x32: {  	s10 =	sld [smem:$0x3FAF];
	_ =	sdelay $0x3  }
0x33: {  	p0 =	seq.s32 s10, $0x1;
	s10 =	sld [smem:$0x3FB1];
	_ =	sdelay $0x3  }
0x34: {  	[smem:$0x3FB1] =	sst s10  }
0x35: {  	s10 =	sld [smem:$0x3FB0];
	_ =	sdelay $0x3  }
0x36: {  	p1 =	seq.s32 s10, $0x1;
	s10 =	sld [smem:$0x3FB1];
	_ =	sdelay $0x3  }
0x37: {  	[smem:$0x3FB1] =	sst s10  }
0x38: {  	s10 =	sld [smem:$0x3FB2]  }
0x39: {  	_ = 	snop;
	(pc) =	sbr.ind lr, $3  }
0x3a: {  	_ = 	snop  }
0x3b: {  	_ = 	snop  }
0x3c: {  	p2 =	seq.s32 s10, $0x1;
	s10 =	sld [smem:$0x3FB1]  }
0x3d: {  	_ =	shalt  }
0x3e: {  	_ =	shalt  }
0x3f: {  	_ =	shalt  }
0x40: {  	_ =	shalt  }
0x41: {  	_ =	shalt  }
0x42: {  	_ =	shalt  }
0x43: {  	_ =	shalt  }
0x44: {  	_ =	shalt  }
0x45: {  	_ =	shalt  }
0x46: {  	_ =	shalt  }
0x47: {  	_ =	shalt  }
0x48: {  	_ =	shalt  }
0x49: {  	_ =	shalt  }
0x4a: {  	_ =	shalt  }
0x4b: {  	_ =	shalt  }
0x4c: {  	_ =	shalt  }
0x4d: {  	_ =	shalt  }
0x4e: {  	_ =	shalt  }
0x4f: {  	_ =	shalt  }
0x50: {  	_ =	shalt  }
0x51: {  	_ =	shalt  }
0x52: {  	_ =	shalt  }
0x53: {  	_ =	shalt  }
0x54: {  	_ =	shalt  }
0x55: {  	_ =	shalt  }
0x56: {  	_ =	shalt  }
0x57: {  	_ =	shalt  }
0x58: {  	_ =	shalt  }
0x59: {  	_ =	shalt  }
0x5a: {  	_ =	shalt  }
0x5b: {  	_ =	shalt  }
0x5c: {  	_ =	shalt  }
0x5d: {  	_ =	shalt  }
0x5e: {  	_ =	shalt  }
0x5f: {  	_ =	shalt  }
0x60: {  	_ =	shalt  }
0x61: {  	_ =	shalt  }
0x62: {  	_ =	shalt  }
0x63: {  	_ =	shalt  }
0x64: {  	_ =	shalt  }
0x65: {  	_ =	shalt  }
0x66: {  	_ =	shalt  }
0x67: {  	_ =	shalt  }
0x68: {  	_ =	shalt  }
0x69: {  	_ =	shalt  }
0x6a: {  	_ =	shalt  }
0x6b: {  	_ =	shalt  }
0x6c: {  	_ =	shalt  }
0x6d: {  	_ =	shalt  }
0x6e: {  	_ =	shalt  }
0x6f: {  	_ =	shalt  }
0x70: {  	_ =	shalt  }
0x71: {  	_ =	shalt  }
0x72: {  	_ =	shalt  }
0x73: {  	_ =	shalt  }
0x74: {  	_ =	shalt  }
0x75: {  	_ =	shalt  }
0x76: {  	_ =	shalt  }
0x77: {  	_ =	shalt  }
0x78: {  	_ =	shalt  }
0x79: {  	_ =	shalt  }
0x7a: {  	_ =	shalt  }
0x7b: {  	_ =	shalt  }
0x7c: {  	_ =	shalt  }
0x7d: {  	_ =	shalt  }
0x7e: {  	_ =	shalt  }
0x7f: {  	_ =	shalt  }
0x80: {  	_ =	shalt  }
0x81: {  	_ =	shalt  }
0x82: {  	_ =	shalt  }
0x83: {  	_ =	shalt  }
0x84: {  	_ =	shalt  }
0x85: {  	_ =	shalt  }
0x86: {  	_ =	shalt  }
0x87: {  	_ =	shalt  }
.Lfunc_end0:
.L_simem_size_0:
called_computation.1_lowered:
.L_overlay_start_0:
0x88: {  	s2 =	sld [smem:$0x3FD9]  }
0x89: {  	s3 =	sld [smem:$0x3FFE];
	_ =	sdelay $0x1  }
0x8a: {  	s1 =	srdreg.scid  }
0x8b: {  	s0 =	sand.u32 $0x1, s1  }
0x8c: {  	s16 =	sshll.u32 s0, $0xA;
	s2 =	sadd.s32 s3, s2  }
0x8d: {  	s2 =	sadd.s32 s2, s16  }
0x8e: {  	[smem:$0x3FBD] =	sst s2  }
0x8f: {  	_ = 	snop  }
0x90: {  	(tm) =	ssettm $0x1  }
0x91: {  	s17 =	sld [smem:$0x3FFB];
	_ =	sdelay $0x3  }
0x92: {  	_ =	strace s17  }
0x93: {  	s2 =	sld [smem:$0x3FFC];
	_ =	sdelay $0x3  }
0x94: {  	_ =	strace s2  }
0x95: {  	s2 =	sld [smem:$0x3FFD];
	_ =	sdelay $0x3  }
0x96: {  	_ =	strace s2  }
0x97: {  	_ =	strace $0x8FFFFFFF  }
0x98: {  	s18 =	sld [smem:$0x3FDB];
	_ =	sdelay $0x1  }
0x99: {  	s19 =	simm.s32 $_scs_section_size  }
0x9a: {  	s4 =	simm.s32 $_size__tile_overlayer_lowered;
	s5 =	simm.s32 $_tile_overlayer_lowered  }
0x9b: {  	s22 =	simm.s32 $0x1BFF;
	s21 =	sshll.u32 s5, $0x1;
	s2 =	sadd.s32 s19, s18  }
0x9c: {  	s6 =	simm.s32 $0x0;
	s20 =	sshll.u32 s4, $0x1;
	s4 =	sadd.s32 s21, s2  }
0x9d: {  	[timem:s6], [sflag:s22] =	dma.local [hbm:s4], s20  }
0x9e: {  	_ =	swait.ge [sflag:s22], s20  }
0x9f: {  	s3 =	ssub.s32 $0x0, s20;
	[sflag:s22] =	ssyncset.done $0x0  }
0xa0: {  	[sflag:s22] =	ssyncadd.s32 s3;
	_ =	sdelay $0x1  }
0xa1: {  	s23 =	simm.s32 $0x1B8B  }
0xa2: {  	_ =	swait.ge [sflag:s23], $0x1  }
0xa3: {  	[sflag:s23] =	ssyncset.done $0x0  }
0xa4: {  	s25 =	simm.s32 $0x1B8E;
	s24 =	sld [smem:$0x3FFE];
	[sflag:s23] =	ssyncadd.s32 $0xFFFFFFFF  }
0xa5: {  	s26 =	simm.s32 $execute0_lowered;
	[smem:$0x3FD2] =	sst s25  }
0xa6: {  	s4 =	sshll.u32 s26, $0x1;
	_ =	strace $0x80000049;
	[dreg:$0x1] =	wrdreg $0xFFFFFFFF  }
0xa7: {  	s28 =	simm.s32 $_size_execute0_lowered;
	s2 =	sadd.s32 s2, s4;
	[dreg:$0x0] =	wrdreg $0x0  }
0xa8: {  	s4 =	sshll.u32 s28, $0x1;
	[dreg:$0x2] =	wrdreg s2  }
0xa9: {  	[dreg:$0x3] =	wrdreg s4  }
0xaa: {  	[dreg:$0x4] =	wrdreg $0xC0  }
0xab: {  	_ =	task [dreg:s6], $0x5FFFF  }
0xac: {  	[dreg:$0x1] =	wrdreg $0xFFFFFFFF  }
0xad: {  	[dreg:$0x0] =	wrdreg $0x60  }
0xae: {  	[dreg:$0x2] =	wrdreg s24  }
0xaf: {  	[dreg:$0x3] =	wrdreg $0x90000  }
0xb0: {  	[dreg:$0x4] =	wrdreg $0x9  }
0xb1: {  	_ =	task.clear_ibuf [dreg:s6], $0x5FFFF;
	_ =	strace $0x90000049  }
0xb2: {  	s29 =	simm.s32 $0x9;
	_ =	strace $0x8000004B  }
0xb3: {  	_ =	swait.ge [sflag:s29], $0x1  }
0xb4: {  	[sflag:s29] =	ssyncadd.s32 $0xFFFFFFFF  }
0xb5: {  	_ =	strace $0x9000004B  }
0xb6: {  	_ =	sfence  }
0xb7: {  	s30 =	sld [smem:$0x0];
	_ =	sdelay $0x2  }
0xb8: {  	s31 =	sshll.u32 s1, $0xD;
	s1 =	sshrl.u32 s1, $0x2  }
0xb9: {  	s3 =	sand.u32 $0x4000, s31;
	s1 =	sadd.s32 s1, s30  }
0xba: {  	s0 =	sor.u32 s3, s0;
	s1 =	sshll.u32 s1, $0x11  }
0xbb: {  	s0 =	sor.u32 s1, s0  }
0xbc: {  	s0 =	sadd.s32 $0x8F2B, s0  }
0xbd: {  	[sflag:s0] =	ssyncadd.remote.s32 $0x1  }
0xbe: {  	_ =	sfence.sel $0xFFFF  }
0xbf: {  	[dreg:$0x0] =	wrdreg $0xFFFFFFFF;
	(pc) =	sbr.abs _section_cstart, $3  }
0xc0: {  	[dreg:$0x1] =	wrdreg $0xFFFFFFFF  }
0xc1: {  	_ =	task.clear_ibuf [dreg:s6], $0x2FFFF;
	_ =	strace $0x9FFFFFFF  }
0xc2: {  	(tm) =	ssettm $0x7FFFFFFF  }
0xc3: {  	_ =	shalt  }
tec
execute0_lowered:
.L_overlay_start_1:
0x0: {  	(tag) =	ssettag $0x1  }
0x1: {  	s1 =	srdreg.scid  }
0x2: {  	s0 =	stileid.u32;
	s6 =	rddreg [dreg:$0x0]  }
0x3: {  	s2 =	rddreg [dreg:$0x1];
	s3 =	simm.s32 $0x0;
	s14 =	simm.s32 $0x80  }
0x4: {  	s15 =	simm.s32 $0x5000;
	s16 =	simm.s32 $0x1;
	s17 =	simm.s32 $0x0  }
0x5: {  	s5 =	sand.u32 $0x1, s1;
	s29 =	sshll.u32 s0, $0x1;
	s9 =	smul.u32 $0x13C00, s0  }
0x6: {  	[smem:$0x7FF] =	sst s3;
	s4 =	sadd.s32 $0xA7C00, s6;
	s11 =	smul.u32 $0x4F000, s0  }
0x7: {  	s12 =	sshll.u32 s0, $0x6;
	s1 =	sor.u32 s5, s29;
	s8 =	smul.u32 $0x13C000, s5  }
0x8: {  	s30 =	ssub.s32 $0x2, s5;
	s5 =	sadd.s32 $0xC200, s6;
	s12 =	sor.u32 $0x1C02, s12  }
0x9: {  	s7 =	smul.u32 $0x500, s1;
	s1 =	rddreg [dreg:$0x2];
	_ =	strace $0x8000004A  }
0xa: {  	s10 =	sshrl.u32 s30, $0x1;
	s31 =	sshrl.u32 s11, $0x2;
	s11 =	simm.s32 $0x2800  }
0xb: {  	s8 =	sadd.s32 s9, s8;
	s9 =	ssub.s32 s30, s10;
	s13 =	sadd.s32 s31, s2  }
0xc: {  	s10 =	simm.s32 $0x2;
	s7 =	sadd.s32 s7, s6;
	s8 =	sshrl.u32 s8, $0x3  }
0xd: {  	s9 =	smax.u32 s9, $0x1;
	s13 =	sshrl.u32 s13, $0x3;
	s8 =	sadd.s32 s8, s6  }
0xe: {  	s6 =	sadd.s32 $0x3DC00, s7;
	s7 =	sadd.s32 $0x1A00, s7;
	s8 =	sadd.s32 $0x47C00, s8  }
.LBB2_1:
0xf: {  	[tilespmem:s3], [sflag:$0x2] =	stream.linear.gather [hbm4b:s6+s3], $0x2780, $0x38;
	[tilespmem:$0x1CC00] =	vst v63  }
0x10: {  	_ =	swait.ge [sflag:s10], $0x2780  }
0x11: {  	[sflag:s10] =	ssyncset.done $0x0  }
0x12: {  	[sflag:s10] =	ssyncadd.s32 $0xFFFFD880  }
0x13: {  	[tilespmem:s11], [sflag:$0x2] =	stream.linear.gather [hbm4b:s7+s3], $0x2780, $0x38;
	[tilespmem:$0x1CC00] =	vst v63  }
0x14: {  	_ =	swait.ge [sflag:s10], $0x2780  }
0x15: {  	[sflag:s10] =	ssyncset.done $0x0  }
0x16: {  	[sflag:s10] =	ssyncadd.s32 $0xFFFFD880  }
0x17: {  	[spmem:s13], [sflag:s12] =	dma.local [hbm:s5], $0x2780  }
0x18: {  	_ =	swait.ge [sflag:s10], $0x2780  }
0x19: {  	[sflag:s10] =	ssyncset.done $0x0  }
0x1a: {  	[sflag:s10] =	ssyncadd.s32 $0xFFFFD880  }
0x1b: {  	s18 =	simm.s32 $0x0;
	[bflag:$0x0] =	sbarrier.arrive $0xFFFF  }
0x1c: {  	[tilespmem:s15], [sflag:$0x1] =	stream.indirect.gather [hbm4b:s4+s14], $0x80, s18, s14, $0xb8;
	[tilespmem:$0x1CC00] =	vst v63  }
0x1d: {  	_ =	swait.ge [sflag:s16], $0x4000  }
0x1e: {  	[sflag:s16] =	ssyncset.done $0x0  }
0x1f: {  	s31 =	simm.s32 $0x2800;
	[sflag:s16] =	ssyncadd.s32 $0xFFFFC000  }
0x20: {  	[spmem:s2] =	stream.indirect.scatter.add.f32 [tilespmem:s15], [sflag:$0x2], $0x80, s31, s14, $0xb8;
	[tilespmem:$0x1CC00] =	vst v63  }
0x21: {  	_ =	swait.ge [sflag:s10], $0x4000  }
0x22: {  	s19 =	simm.s32 $0x400;
	s18 =	simm.s32 $0x200;
	[sflag:s10] =	ssyncset.done $0x0  }
.LBB2_2:
0x23: {  	s20 =	sshra.s32 s18, $0x2  }
0x24: {  	[sflag:s10] =	ssyncadd.s32 $0xFFFFC000;
	s18 =	smov.u32 s19;
	s21 =	sadd.s32 $0x200, s19  }
0x25: {  	[tilespmem:s15], [sflag:$0x1] =	stream.indirect.gather [hbm4b:s4+s14], $0x80, s20, s14, $0xb8;
	[tilespmem:$0x1CC00] =	vst v63  }
0x26: {  	p0 =	sne.s32 s19, $0x9C00;
	_ =	swait.ge [sflag:s16], $0x4000  }
.Ltmp0:
0x27: {  	[sflag:s16] =	ssyncset.done $0x0;
	(pc) =	sbr.rel @p0 .LBB2_2-.Ltmp0, $4  }
0x28: {  	s19 =	sadd.s32 $0x2800, s20;
	[sflag:s16] =	ssyncadd.s32 $0xFFFFC000  }
0x29: {  	[spmem:s2] =	stream.indirect.scatter.add.f32 [tilespmem:s15], [sflag:$0x2], $0x80, s19, s14, $0xb8;
	[tilespmem:$0x1CC00] =	vst v63  }
0x2a: {  	_ =	swait.ge [sflag:s10], $0x4000  }
0x2b: {  	s19 =	smov.u32 s21;
	[sflag:s10] =	ssyncset.done $0x0  }
0x2c: {  	s18 =	sshra.s32 s18, $0x2;
	[sflag:s10] =	ssyncadd.s32 $0xFFFFC000  }
0x2d: {  	[tilespmem:s15], [sflag:$0x1] =	stream.indirect.gather [hbm4b:s4+s14], $0x80, s18, s14, $0xb8;
	[tilespmem:$0x1CC00] =	vst v63  }
0x2e: {  	_ =	swait.ge [sflag:s16], $0x4000  }
0x2f: {  	[sflag:s16] =	ssyncset.done $0x0  }
0x30: {  	s18 =	sadd.s32 $0x2800, s18;
	[sflag:s16] =	ssyncadd.s32 $0xFFFFC000  }
0x31: {  	[spmem:s2] =	stream.indirect.scatter.add.f32 [tilespmem:s15], [sflag:$0x2], $0x80, s18, s14, $0xb8;
	[tilespmem:$0x1CC00] =	vst v63  }
0x32: {  	_ =	swait.ge [sflag:s10], $0x4000  }
0x33: {  	s17 =	sadd.s32 $0x1, s17;
	[sflag:s10] =	ssyncset.done $0x0  }
0x34: {  	p0 =	sne.s32 s17, s9;
	[sflag:s10] =	ssyncadd.s32 $0xFFFFC000  }
.Ltmp1:
0x35: {  	[bflag:$0x0] =	sbarrier.arrive $0xFFFF;
	(pc) =	sbr.rel @p0 .LBB2_1-.Ltmp1, $4  }
0x36: {  	[hbm:s8], [sflag:s12] =	dma.local [spmem:s13], $0x2780  }
0x37: {  	_ =	swait.ge [sflag:s10], $0x2780  }
0x38: {  	[sflag:s10] =	ssyncset.done $0x0  }
0x39: {  	[sflag:s10] =	ssyncadd.s32 $0xFFFFD880  }
0x3a: {  	_ =	sfence.sel $0x180000  }
0x3b: {  	[bflag:$0x0] =	sbarrier.arrive $0xFFFF  }
0x3c: {  	p0 =	sne.s32 s0, $0x0;
	_ =	strace $0x9000004A  }
0x3d: {  	s0 =	sadd.s32 @!p0 $0x100000, s1;
	[bflag:$0x2] =	sbarrier.arrive $0xFFFF  }
0x3e: {  	[sflag:s0] =	ssyncadd.tile.s32 @!p0 $0x1;
	_ =	shalt  }
.Lfunc_end2:
_tile_overlayer_lowered:
.L_overlay_start_2:
0x3f: {  	(tag) =	ssettag $0x2  }
0x40: {  	s0 =	rddreg [dreg:$0x0];
	s2 =	stileid.u32  }
0x41: {  	s1 =	rddreg [dreg:$0x1];
	p0 =	sne.s32 s2, $0x0  }
0x42: {  	s3 =	rddreg [dreg:$0x2];
	[bflag:$0x3] =	sbarrier.arrive $0xFFFF;
	s2 =	simm.s32 @!p0 $0x1C02  }
0x43: {  	[timem:s3], [sflag:s2] =	dma.local @!p0 [hbm:s0], s1  }
0x44: {  	s0 =	simm.s32 @!p0 $0x2  }
0x45: {  	_ =	swait.ge @!p0 [sflag:s0], s1  }
0x46: {  	s1 =	ssub.s32 @!p0 $0x0, s1;
	[sflag:s0] =	ssyncset.done @!p0 $0x0  }
0x47: {  	[sflag:s0] =	ssyncadd.s32 @!p0 s1  }
0x48: {  	[bflag:$0x3] =	sbarrier.arrive $0xFFFF  }
0x49: {  	_ =	shalt  }

// kernel: kernel.16.cloned.1.call-start
scs
__scs_entry_jumppad:
0x0: {  	(pc) =	sbr.rel $0x88, $3  }
0x1: {  	(tag) =	ssettag $0x0;
	lr =	simm.s32 $0x1  }
0x2: {  	[smem:$0x3F96] =	sst lr;
	_ =	strace $0xD0000000  }
0x3: {  	_ = 	snop  }
0x4: {  	_ = 	snop  }
0x5: {  	_ = 	snop  }
0x6: {  	_ = 	snop  }
0x7: {  	_ = 	snop  }
__scs_overlays_trampoline_lowered:
0x8: {  	[smem:$0x3FA5] =	sst s0  }
0x9: {  	[smem:$0x3FA6] =	sst s1  }
0xa: {  	[smem:$0x3FA7] =	sst s2  }
0xb: {  	[smem:$0x3FA8] =	sst s3  }
0xc: {  	[smem:$0x3FA9] =	sst s4  }
0xd: {  	[smem:$0x3FAA] =	sst s5  }
0xe: {  	[smem:$0x3FAB] =	sst s6  }
0xf: {  	[smem:$0x3FAC] =	sst s7  }
0x10: {  	[smem:$0x3FAD] =	sst s8  }
0x11: {  	[smem:$0x3FAE] =	sst s9;
	s0 =	simm.s32 @!p0 $0x0  }
0x12: {  	s1 =	sld [smem:$0x3F94];
	s0 =	simm.s32 @p0 $0x1  }
0x13: {  	[smem:$0x3FAF] =	sst s0;
	s0 =	simm.s32 @!p1 $0x0  }
0x14: {  	s2 =	sld [smem:$0x3F93];
	s0 =	simm.s32 @p1 $0x1  }
0x15: {  	[smem:$0x3FB0] =	sst s0;
	s0 =	simm.s32 @!p2 $0x0  }
0x16: {  	s3 =	sld [smem:$0x3FDB];
	s0 =	simm.s32 @p2 $0x1  }
0x17: {  	s4 =	simm.s32 $0x1BF5;
	[smem:$0x3FB2] =	sst s0  }
0x18: {  	s0 =	sld [smem:$0x3F95];
	_ =	swait.ge [sflag:s4], $0x0  }
0x19: {  	s7 =	sld [smem:$0x3F96]  }
0x1a: {  	s8 =	sadd.s32 $0xFFFFE003, lr  }
0x1b: {  	s9 =	sadd.s32 $0xFFFFFEF7, lr;
	s5 =	simm.s32 $0xFFFFFFFF;
	p2 =	slt.u32 s8, $0xFFFFF086  }
0x1c: {  	p1 =	slt.u32 s9, $0xF7A;
	s5 =	simm.s32 @!p2 $0x0  }
0x1d: {  	s5 =	simm.s32 @p1 $0x1;
	p0 =	seq.s32 s7, s2  }
0x1e: {  	s7 =	smul.u32 @!p0 $0xF7A, s2;
	p2 =	seq.s32 @!p0 s5, $0x0  }
0x1f: {  	s9 =	smul.u32 $0xF7A, s1;
	s8 =	simm.s32 @!p0 $0x1BF5;
	p2 =	por !p2, p0  }
0x20: {  	[sflag:s8] =	ssyncset.s32 @!p0 $0xFFFFF086;
	s6 =	sadd.s32 @!p0 s3, s7;
	s7 =	simm.s32 @!p0 $0x108  }
0x21: {  	s3 =	sadd.s32 s3, s9;
	s6 =	sadd.s32 @!p0 $0x88, s6;
	s7 =	simm.s32 @p2 $0x1082  }
0x22: {  	[simem:s7], [sflag:s8] =	dma.local @!p0 [hbm:s6], $0xF7A  }
0x23: {  	s9 =	sor.u32 $0xD0000000, s2;
	s6 =	simm.s32 $0x108;
	_ =	swait.ge @!p0 [sflag:s8], $0x0  }
0x24: {  	s3 =	sadd.s32 $0x88, s3;
	s6 =	simm.s32 @!p1 $0x1082;
	[sflag:s4] =	ssyncset.s32 $0xFFFFF086  }
0x25: {  	[simem:s6], [sflag:s4] =	dma.local [hbm:s3], $0xF7A  }
0x26: {  	[smem:$0x3F96] =	sst s1;
	(tag) =	ssettag s2;
	_ =	strace s9  }
0x27: {  	s1 =	sld [smem:$0x3FA6]  }
0x28: {  	s2 =	sld [smem:$0x3FA7]  }
0x29: {  	s4 =	sld [smem:$0x3FA9]  }
0x2a: {  	p0 =	seq.s32 s5, $0x0;
	s5 =	sld [smem:$0x3FAA]  }
0x2b: {  	s6 =	sld [smem:$0x3FAB]  }
0x2c: {  	s7 =	sld [smem:$0x3FAC]  }
0x2d: {  	s3 =	simm.s32 $0x108;
	s8 =	sld [smem:$0x3FAD]  }
0x2e: {  	s3 =	simm.s32 @!p0 $0x1082;
	s9 =	sld [smem:$0x3FAE]  }
0x2f: {  	lr =	sadd.s32 s0, s3;
	s0 =	sld [smem:$0x3FA5]  }
0x30: {  	s3 =	sld [smem:$0x3FA8]  }
0x31: {  	[smem:$0x3FB1] =	sst s10  }
0x32: {  	s10 =	sld [smem:$0x3FAF];
	_ =	sdelay $0x3  }
0x33: {  	p0 =	seq.s32 s10, $0x1;
	s10 =	sld [smem:$0x3FB1];
	_ =	sdelay $0x3  }
0x34: {  	[smem:$0x3FB1] =	sst s10  }
0x35: {  	s10 =	sld [smem:$0x3FB0];
	_ =	sdelay $0x3  }
0x36: {  	p1 =	seq.s32 s10, $0x1;
	s10 =	sld [smem:$0x3FB1];
	_ =	sdelay $0x3  }
0x37: {  	[smem:$0x3FB1] =	sst s10  }
0x38: {  	s10 =	sld [smem:$0x3FB2]  }
0x39: {  	_ = 	snop;
	(pc) =	sbr.ind lr, $3  }
0x3a: {  	_ = 	snop  }
0x3b: {  	_ = 	snop  }
0x3c: {  	p2 =	seq.s32 s10, $0x1;
	s10 =	sld [smem:$0x3FB1]  }
0x3d: {  	_ =	shalt  }
0x3e: {  	_ =	shalt  }
0x3f: {  	_ =	shalt  }
0x40: {  	_ =	shalt  }
0x41: {  	_ =	shalt  }
0x42: {  	_ =	shalt  }
0x43: {  	_ =	shalt  }
0x44: {  	_ =	shalt  }
0x45: {  	_ =	shalt  }
0x46: {  	_ =	shalt  }
0x47: {  	_ =	shalt  }
0x48: {  	_ =	shalt  }
0x49: {  	_ =	shalt  }
0x4a: {  	_ =	shalt  }
0x4b: {  	_ =	shalt  }
0x4c: {  	_ =	shalt  }
0x4d: {  	_ =	shalt  }
0x4e: {  	_ =	shalt  }
0x4f: {  	_ =	shalt  }
0x50: {  	_ =	shalt  }
0x51: {  	_ =	shalt  }
0x52: {  	_ =	shalt  }
0x53: {  	_ =	shalt  }
0x54: {  	_ =	shalt  }
0x55: {  	_ =	shalt  }
0x56: {  	_ =	shalt  }
0x57: {  	_ =	shalt  }
0x58: {  	_ =	shalt  }
0x59: {  	_ =	shalt  }
0x5a: {  	_ =	shalt  }
0x5b: {  	_ =	shalt  }
0x5c: {  	_ =	shalt  }
0x5d: {  	_ =	shalt  }
0x5e: {  	_ =	shalt  }
0x5f: {  	_ =	shalt  }
0x60: {  	_ =	shalt  }
0x61: {  	_ =	shalt  }
0x62: {  	_ =	shalt  }
0x63: {  	_ =	shalt  }
0x64: {  	_ =	shalt  }
0x65: {  	_ =	shalt  }
0x66: {  	_ =	shalt  }
0x67: {  	_ =	shalt  }
0x68: {  	_ =	shalt  }
0x69: {  	_ =	shalt  }
0x6a: {  	_ =	shalt  }
0x6b: {  	_ =	shalt  }
0x6c: {  	_ =	shalt  }
0x6d: {  	_ =	shalt  }
0x6e: {  	_ =	shalt  }
0x6f: {  	_ =	shalt  }
0x70: {  	_ =	shalt  }
0x71: {  	_ =	shalt  }
0x72: {  	_ =	shalt  }
0x73: {  	_ =	shalt  }
0x74: {  	_ =	shalt  }
0x75: {  	_ =	shalt  }
0x76: {  	_ =	shalt  }
0x77: {  	_ =	shalt  }
0x78: {  	_ =	shalt  }
0x79: {  	_ =	shalt  }
0x7a: {  	_ =	shalt  }
0x7b: {  	_ =	shalt  }
0x7c: {  	_ =	shalt  }
0x7d: {  	_ =	shalt  }
0x7e: {  	_ =	shalt  }
0x7f: {  	_ =	shalt  }
0x80: {  	_ =	shalt  }
0x81: {  	_ =	shalt  }
0x82: {  	_ =	shalt  }
0x83: {  	_ =	shalt  }
0x84: {  	_ =	shalt  }
0x85: {  	_ =	shalt  }
0x86: {  	_ =	shalt  }
0x87: {  	_ =	shalt  }
.Lfunc_end0:
.L_simem_size_0:
called_computation.2_lowered:
.L_overlay_start_0:
0x88: {  	s2 =	sld [smem:$0x3FD9]  }
0x89: {  	s3 =	sld [smem:$0x3FFE];
	_ =	sdelay $0x1  }
0x8a: {  	s1 =	srdreg.scid  }
0x8b: {  	s0 =	sand.u32 $0x1, s1  }
0x8c: {  	s16 =	sshll.u32 s0, $0xA;
	s2 =	sadd.s32 s3, s2  }
0x8d: {  	s2 =	sadd.s32 s2, s16  }
0x8e: {  	[smem:$0x3FBD] =	sst s2  }
0x8f: {  	_ = 	snop  }
0x90: {  	(tm) =	ssettm $0x1  }
0x91: {  	s17 =	sld [smem:$0x3FFB];
	_ =	sdelay $0x3  }
0x92: {  	_ =	strace s17  }
0x93: {  	s2 =	sld [smem:$0x3FFC];
	_ =	sdelay $0x3  }
0x94: {  	_ =	strace s2  }
0x95: {  	s2 =	sld [smem:$0x3FFD];
	_ =	sdelay $0x3  }
0x96: {  	_ =	strace s2  }
0x97: {  	_ =	strace $0x8FFFFFFF  }
0x98: {  	s18 =	sld [smem:$0x3FDB];
	_ =	sdelay $0x1  }
0x99: {  	s19 =	simm.s32 $_scs_section_size  }
0x9a: {  	s4 =	simm.s32 $_size__tile_overlayer_lowered;
	s5 =	simm.s32 $_tile_overlayer_lowered  }
0x9b: {  	s22 =	simm.s32 $0x1BFF;
	s21 =	sshll.u32 s5, $0x1;
	s2 =	sadd.s32 s19, s18  }
0x9c: {  	s6 =	simm.s32 $0x0;
	s20 =	sshll.u32 s4, $0x1;
	s4 =	sadd.s32 s21, s2  }
0x9d: {  	[timem:s6], [sflag:s22] =	dma.local [hbm:s4], s20  }
0x9e: {  	_ =	swait.ge [sflag:s22], s20  }
0x9f: {  	s3 =	ssub.s32 $0x0, s20;
	[sflag:s22] =	ssyncset.done $0x0  }
0xa0: {  	[sflag:s22] =	ssyncadd.s32 s3;
	_ =	sdelay $0x1  }
0xa1: {  	s23 =	simm.s32 $0x1B8B  }
0xa2: {  	_ =	swait.ge [sflag:s23], $0x1  }
0xa3: {  	[sflag:s23] =	ssyncset.done $0x0  }
0xa4: {  	s25 =	simm.s32 $0x1B8E;
	s24 =	sld [smem:$0x3FFE];
	[sflag:s23] =	ssyncadd.s32 $0xFFFFFFFF  }
0xa5: {  	s26 =	simm.s32 $execute0_lowered;
	[smem:$0x3FD2] =	sst s25  }
0xa6: {  	s4 =	sshll.u32 s26, $0x1;
	_ =	strace $0x8000004C;
	[dreg:$0x1] =	wrdreg $0xFFFFFFFF  }
0xa7: {  	s28 =	simm.s32 $_size_execute0_lowered;
	s2 =	sadd.s32 s2, s4;
	[dreg:$0x0] =	wrdreg $0x0  }
0xa8: {  	s4 =	sshll.u32 s28, $0x1;
	[dreg:$0x2] =	wrdreg s2  }
0xa9: {  	[dreg:$0x3] =	wrdreg s4  }
0xaa: {  	[dreg:$0x4] =	wrdreg $0xC0  }
0xab: {  	_ =	task [dreg:s6], $0x5FFFF  }
0xac: {  	[dreg:$0x1] =	wrdreg $0xFFFFFFFF  }
0xad: {  	[dreg:$0x0] =	wrdreg $0x60  }
0xae: {  	[dreg:$0x2] =	wrdreg s24  }
0xaf: {  	[dreg:$0x3] =	wrdreg $0x90000  }
0xb0: {  	[dreg:$0x4] =	wrdreg $0x9  }
0xb1: {  	_ =	task.clear_ibuf [dreg:s6], $0x5FFFF;
	_ =	strace $0x9000004C  }
0xb2: {  	s29 =	simm.s32 $0x9;
	_ =	strace $0x8000004E  }
0xb3: {  	_ =	swait.ge [sflag:s29], $0x1  }
0xb4: {  	[sflag:s29] =	ssyncadd.s32 $0xFFFFFFFF  }
0xb5: {  	_ =	strace $0x9000004E  }
0xb6: {  	_ =	sfence  }
0xb7: {  	s30 =	sld [smem:$0x0];
	_ =	sdelay $0x2  }
0xb8: {  	s31 =	sshll.u32 s1, $0xD;
	s1 =	sshrl.u32 s1, $0x2  }
0xb9: {  	s3 =	sand.u32 $0x4000, s31;
	s1 =	sadd.s32 s1, s30  }
0xba: {  	s0 =	sor.u32 s3, s0;
	s1 =	sshll.u32 s1, $0x11  }
0xbb: {  	s0 =	sor.u32 s1, s0  }
0xbc: {  	s0 =	sadd.s32 $0x8F2B, s0  }
0xbd: {  	[sflag:s0] =	ssyncadd.remote.s32 $0x1  }
0xbe: {  	_ =	sfence.sel $0xFFFF  }
0xbf: {  	[dreg:$0x0] =	wrdreg $0xFFFFFFFF;
	(pc) =	sbr.abs _section_cstart, $3  }
0xc0: {  	[dreg:$0x1] =	wrdreg $0xFFFFFFFF  }
0xc1: {  	_ =	task.clear_ibuf [dreg:s6], $0x2FFFF;
	_ =	strace $0x9FFFFFFF  }
0xc2: {  	(tm) =	ssettm $0x7FFFFFFF  }
0xc3: {  	_ =	shalt  }
tec
execute0_lowered:
.L_overlay_start_1:
0x0: {  	(tag) =	ssettag $0x1  }
0x1: {  	s1 =	srdreg.scid  }
0x2: {  	s0 =	stileid.u32;
	s6 =	rddreg [dreg:$0x0]  }
0x3: {  	s2 =	rddreg [dreg:$0x1];
	s3 =	simm.s32 $0x0;
	s14 =	simm.s32 $0x80  }
0x4: {  	s15 =	simm.s32 $0x5000;
	s16 =	simm.s32 $0x1;
	s17 =	simm.s32 $0x0  }
0x5: {  	s5 =	sand.u32 $0x1, s1;
	s29 =	sshll.u32 s0, $0x1;
	s9 =	smul.u32 $0x13C00, s0  }
0x6: {  	[smem:$0x7FF] =	sst s3;
	s4 =	sadd.s32 $0x107C00, s6;
	s11 =	smul.u32 $0x4F000, s0  }
0x7: {  	s12 =	sshll.u32 s0, $0x6;
	s1 =	sor.u32 s5, s29;
	s8 =	smul.u32 $0x13C000, s5  }
0x8: {  	s30 =	ssub.s32 $0x2, s5;
	s5 =	sadd.s32 $0xC200, s6;
	s12 =	sor.u32 $0x1C02, s12  }
0x9: {  	s7 =	smul.u32 $0x500, s1;
	s1 =	rddreg [dreg:$0x2];
	_ =	strace $0x8000004D  }
0xa: {  	s10 =	sshrl.u32 s30, $0x1;
	s31 =	sshrl.u32 s11, $0x2;
	s11 =	simm.s32 $0x2800  }
0xb: {  	s8 =	sadd.s32 s9, s8;
	s9 =	ssub.s32 s30, s10;
	s13 =	sadd.s32 s31, s2  }
0xc: {  	s10 =	simm.s32 $0x2;
	s7 =	sadd.s32 s7, s6;
	s8 =	sshrl.u32 s8, $0x3  }
0xd: {  	s9 =	smax.u32 s9, $0x1;
	s13 =	sshrl.u32 s13, $0x3;
	s8 =	sadd.s32 s8, s6  }
0xe: {  	s6 =	sadd.s32 $0x3DC00, s7;
	s7 =	sadd.s32 $0x1A00, s7;
	s8 =	sadd.s32 $0x47C00, s8  }
.LBB2_1:
0xf: {  	[tilespmem:s3], [sflag:$0x2] =	stream.linear.gather [hbm4b:s6+s3], $0x2780, $0x38;
	[tilespmem:$0x1CC00] =	vst v63  }
0x10: {  	_ =	swait.ge [sflag:s10], $0x2780  }
0x11: {  	[sflag:s10] =	ssyncset.done $0x0  }
0x12: {  	[sflag:s10] =	ssyncadd.s32 $0xFFFFD880  }
0x13: {  	[tilespmem:s11], [sflag:$0x2] =	stream.linear.gather [hbm4b:s7+s3], $0x2780, $0x38;
	[tilespmem:$0x1CC00] =	vst v63  }
0x14: {  	_ =	swait.ge [sflag:s10], $0x2780  }
0x15: {  	[sflag:s10] =	ssyncset.done $0x0  }
0x16: {  	[sflag:s10] =	ssyncadd.s32 $0xFFFFD880  }
0x17: {  	[spmem:s13], [sflag:s12] =	dma.local [hbm:s5], $0x2780  }
0x18: {  	_ =	swait.ge [sflag:s10], $0x2780  }
0x19: {  	[sflag:s10] =	ssyncset.done $0x0  }
0x1a: {  	[sflag:s10] =	ssyncadd.s32 $0xFFFFD880  }
0x1b: {  	s18 =	simm.s32 $0x0;
	[bflag:$0x0] =	sbarrier.arrive $0xFFFF  }
0x1c: {  	[tilespmem:s15], [sflag:$0x1] =	stream.indirect.gather [hbm4b:s4+s14], $0x80, s18, s14, $0xb8;
	[tilespmem:$0x1CC00] =	vst v63  }
0x1d: {  	_ =	swait.ge [sflag:s16], $0x4000  }
0x1e: {  	[sflag:s16] =	ssyncset.done $0x0  }
0x1f: {  	s31 =	simm.s32 $0x2800;
	[sflag:s16] =	ssyncadd.s32 $0xFFFFC000  }
0x20: {  	[spmem:s2] =	stream.indirect.scatter.add.f32 [tilespmem:s15], [sflag:$0x2], $0x80, s31, s14, $0xb8;
	[tilespmem:$0x1CC00] =	vst v63  }
0x21: {  	_ =	swait.ge [sflag:s10], $0x4000  }
0x22: {  	s19 =	simm.s32 $0x400;
	s18 =	simm.s32 $0x200;
	[sflag:s10] =	ssyncset.done $0x0  }
.LBB2_2:
0x23: {  	s20 =	sshra.s32 s18, $0x2  }
0x24: {  	[sflag:s10] =	ssyncadd.s32 $0xFFFFC000;
	s18 =	smov.u32 s19;
	s21 =	sadd.s32 $0x200, s19  }
0x25: {  	[tilespmem:s15], [sflag:$0x1] =	stream.indirect.gather [hbm4b:s4+s14], $0x80, s20, s14, $0xb8;
	[tilespmem:$0x1CC00] =	vst v63  }
0x26: {  	p0 =	sne.s32 s19, $0x9C00;
	_ =	swait.ge [sflag:s16], $0x4000  }
.Ltmp0:
0x27: {  	[sflag:s16] =	ssyncset.done $0x0;
	(pc) =	sbr.rel @p0 .LBB2_2-.Ltmp0, $4  }
0x28: {  	s19 =	sadd.s32 $0x2800, s20;
	[sflag:s16] =	ssyncadd.s32 $0xFFFFC000  }
0x29: {  	[spmem:s2] =	stream.indirect.scatter.add.f32 [tilespmem:s15], [sflag:$0x2], $0x80, s19, s14, $0xb8;
	[tilespmem:$0x1CC00] =	vst v63  }
0x2a: {  	_ =	swait.ge [sflag:s10], $0x4000  }
0x2b: {  	s19 =	smov.u32 s21;
	[sflag:s10] =	ssyncset.done $0x0  }
0x2c: {  	s18 =	sshra.s32 s18, $0x2;
	[sflag:s10] =	ssyncadd.s32 $0xFFFFC000  }
0x2d: {  	[tilespmem:s15], [sflag:$0x1] =	stream.indirect.gather [hbm4b:s4+s14], $0x80, s18, s14, $0xb8;
	[tilespmem:$0x1CC00] =	vst v63  }
0x2e: {  	_ =	swait.ge [sflag:s16], $0x4000  }
0x2f: {  	[sflag:s16] =	ssyncset.done $0x0  }
0x30: {  	s18 =	sadd.s32 $0x2800, s18;
	[sflag:s16] =	ssyncadd.s32 $0xFFFFC000  }
0x31: {  	[spmem:s2] =	stream.indirect.scatter.add.f32 [tilespmem:s15], [sflag:$0x2], $0x80, s18, s14, $0xb8;
	[tilespmem:$0x1CC00] =	vst v63  }
0x32: {  	_ =	swait.ge [sflag:s10], $0x4000  }
0x33: {  	s17 =	sadd.s32 $0x1, s17;
	[sflag:s10] =	ssyncset.done $0x0  }
0x34: {  	p0 =	sne.s32 s17, s9;
	[sflag:s10] =	ssyncadd.s32 $0xFFFFC000  }
.Ltmp1:
0x35: {  	[bflag:$0x0] =	sbarrier.arrive $0xFFFF;
	(pc) =	sbr.rel @p0 .LBB2_1-.Ltmp1, $4  }
0x36: {  	[hbm:s8], [sflag:s12] =	dma.local [spmem:s13], $0x2780  }
0x37: {  	_ =	swait.ge [sflag:s10], $0x2780  }
0x38: {  	[sflag:s10] =	ssyncset.done $0x0  }
0x39: {  	[sflag:s10] =	ssyncadd.s32 $0xFFFFD880  }
0x3a: {  	_ =	sfence.sel $0x180000  }
0x3b: {  	[bflag:$0x0] =	sbarrier.arrive $0xFFFF  }
0x3c: {  	p0 =	sne.s32 s0, $0x0;
	_ =	strace $0x9000004D  }
0x3d: {  	s0 =	sadd.s32 @!p0 $0x100000, s1;
	[bflag:$0x2] =	sbarrier.arrive $0xFFFF  }
0x3e: {  	[sflag:s0] =	ssyncadd.tile.s32 @!p0 $0x1;
	_ =	shalt  }
.Lfunc_end2:
_tile_overlayer_lowered:
.L_overlay_start_2:
0x3f: {  	(tag) =	ssettag $0x2  }
0x40: {  	s0 =	rddreg [dreg:$0x0];
	s2 =	stileid.u32  }
0x41: {  	s1 =	rddreg [dreg:$0x1];
	p0 =	sne.s32 s2, $0x0  }
0x42: {  	s3 =	rddreg [dreg:$0x2];
	[bflag:$0x3] =	sbarrier.arrive $0xFFFF;
	s2 =	simm.s32 @!p0 $0x1C02  }
0x43: {  	[timem:s3], [sflag:s2] =	dma.local @!p0 [hbm:s0], s1  }
0x44: {  	s0 =	simm.s32 @!p0 $0x2  }
0x45: {  	_ =	swait.ge @!p0 [sflag:s0], s1  }
0x46: {  	s1 =	ssub.s32 @!p0 $0x0, s1;
	[sflag:s0] =	ssyncset.done @!p0 $0x0  }
0x47: {  	[sflag:s0] =	ssyncadd.s32 @!p0 s1  }
0x48: {  	[bflag:$0x3] =	sbarrier.arrive $0xFFFF  }
0x49: {  	_ =	shalt  }

// kernel: kernel.19.cloned.1.call-start
scs
__scs_entry_jumppad:
0x0: {  	(pc) =	sbr.rel $0x88, $3  }
0x1: {  	(tag) =	ssettag $0x0;
	lr =	simm.s32 $0x1  }
0x2: {  	[smem:$0x3F96] =	sst lr;
	_ =	strace $0xD0000000  }
0x3: {  	_ = 	snop  }
0x4: {  	_ = 	snop  }
0x5: {  	_ = 	snop  }
0x6: {  	_ = 	snop  }
0x7: {  	_ = 	snop  }
__scs_overlays_trampoline_lowered:
0x8: {  	[smem:$0x3FA5] =	sst s0  }
0x9: {  	[smem:$0x3FA6] =	sst s1  }
0xa: {  	[smem:$0x3FA7] =	sst s2  }
0xb: {  	[smem:$0x3FA8] =	sst s3  }
0xc: {  	[smem:$0x3FA9] =	sst s4  }
0xd: {  	[smem:$0x3FAA] =	sst s5  }
0xe: {  	[smem:$0x3FAB] =	sst s6  }
0xf: {  	[smem:$0x3FAC] =	sst s7  }
0x10: {  	[smem:$0x3FAD] =	sst s8  }
0x11: {  	[smem:$0x3FAE] =	sst s9;
	s0 =	simm.s32 @!p0 $0x0  }
0x12: {  	s1 =	sld [smem:$0x3F94];
	s0 =	simm.s32 @p0 $0x1  }
0x13: {  	[smem:$0x3FAF] =	sst s0;
	s0 =	simm.s32 @!p1 $0x0  }
0x14: {  	s2 =	sld [smem:$0x3F93];
	s0 =	simm.s32 @p1 $0x1  }
0x15: {  	[smem:$0x3FB0] =	sst s0;
	s0 =	simm.s32 @!p2 $0x0  }
0x16: {  	s3 =	sld [smem:$0x3FDB];
	s0 =	simm.s32 @p2 $0x1  }
0x17: {  	s4 =	simm.s32 $0x1BF5;
	[smem:$0x3FB2] =	sst s0  }
0x18: {  	s0 =	sld [smem:$0x3F95];
	_ =	swait.ge [sflag:s4], $0x0  }
0x19: {  	s7 =	sld [smem:$0x3F96]  }
0x1a: {  	s8 =	sadd.s32 $0xFFFFE003, lr  }
0x1b: {  	s9 =	sadd.s32 $0xFFFFFEF7, lr;
	s5 =	simm.s32 $0xFFFFFFFF;
	p2 =	slt.u32 s8, $0xFFFFF086  }
0x1c: {  	p1 =	slt.u32 s9, $0xF7A;
	s5 =	simm.s32 @!p2 $0x0  }
0x1d: {  	s5 =	simm.s32 @p1 $0x1;
	p0 =	seq.s32 s7, s2  }
0x1e: {  	s7 =	smul.u32 @!p0 $0xF7A, s2;
	p2 =	seq.s32 @!p0 s5, $0x0  }
0x1f: {  	s9 =	smul.u32 $0xF7A, s1;
	s8 =	simm.s32 @!p0 $0x1BF5;
	p2 =	por !p2, p0  }
0x20: {  	[sflag:s8] =	ssyncset.s32 @!p0 $0xFFFFF086;
	s6 =	sadd.s32 @!p0 s3, s7;
	s7 =	simm.s32 @!p0 $0x108  }
0x21: {  	s3 =	sadd.s32 s3, s9;
	s6 =	sadd.s32 @!p0 $0x88, s6;
	s7 =	simm.s32 @p2 $0x1082  }
0x22: {  	[simem:s7], [sflag:s8] =	dma.local @!p0 [hbm:s6], $0xF7A  }
0x23: {  	s9 =	sor.u32 $0xD0000000, s2;
	s6 =	simm.s32 $0x108;
	_ =	swait.ge @!p0 [sflag:s8], $0x0  }
0x24: {  	s3 =	sadd.s32 $0x88, s3;
	s6 =	simm.s32 @!p1 $0x1082;
	[sflag:s4] =	ssyncset.s32 $0xFFFFF086  }
0x25: {  	[simem:s6], [sflag:s4] =	dma.local [hbm:s3], $0xF7A  }
0x26: {  	[smem:$0x3F96] =	sst s1;
	(tag) =	ssettag s2;
	_ =	strace s9  }
0x27: {  	s1 =	sld [smem:$0x3FA6]  }
0x28: {  	s2 =	sld [smem:$0x3FA7]  }
0x29: {  	s4 =	sld [smem:$0x3FA9]  }
0x2a: {  	p0 =	seq.s32 s5, $0x0;
	s5 =	sld [smem:$0x3FAA]  }
0x2b: {  	s6 =	sld [smem:$0x3FAB]  }
0x2c: {  	s7 =	sld [smem:$0x3FAC]  }
0x2d: {  	s3 =	simm.s32 $0x108;
	s8 =	sld [smem:$0x3FAD]  }
0x2e: {  	s3 =	simm.s32 @!p0 $0x1082;
	s9 =	sld [smem:$0x3FAE]  }
0x2f: {  	lr =	sadd.s32 s0, s3;
	s0 =	sld [smem:$0x3FA5]  }
0x30: {  	s3 =	sld [smem:$0x3FA8]  }
0x31: {  	[smem:$0x3FB1] =	sst s10  }
0x32: {  	s10 =	sld [smem:$0x3FAF];
	_ =	sdelay $0x3  }
0x33: {  	p0 =	seq.s32 s10, $0x1;
	s10 =	sld [smem:$0x3FB1];
	_ =	sdelay $0x3  }
0x34: {  	[smem:$0x3FB1] =	sst s10  }
0x35: {  	s10 =	sld [smem:$0x3FB0];
	_ =	sdelay $0x3  }
0x36: {  	p1 =	seq.s32 s10, $0x1;
	s10 =	sld [smem:$0x3FB1];
	_ =	sdelay $0x3  }
0x37: {  	[smem:$0x3FB1] =	sst s10  }
0x38: {  	s10 =	sld [smem:$0x3FB2]  }
0x39: {  	_ = 	snop;
	(pc) =	sbr.ind lr, $3  }
0x3a: {  	_ = 	snop  }
0x3b: {  	_ = 	snop  }
0x3c: {  	p2 =	seq.s32 s10, $0x1;
	s10 =	sld [smem:$0x3FB1]  }
0x3d: {  	_ =	shalt  }
0x3e: {  	_ =	shalt  }
0x3f: {  	_ =	shalt  }
0x40: {  	_ =	shalt  }
0x41: {  	_ =	shalt  }
0x42: {  	_ =	shalt  }
0x43: {  	_ =	shalt  }
0x44: {  	_ =	shalt  }
0x45: {  	_ =	shalt  }
0x46: {  	_ =	shalt  }
0x47: {  	_ =	shalt  }
0x48: {  	_ =	shalt  }
0x49: {  	_ =	shalt  }
0x4a: {  	_ =	shalt  }
0x4b: {  	_ =	shalt  }
0x4c: {  	_ =	shalt  }
0x4d: {  	_ =	shalt  }
0x4e: {  	_ =	shalt  }
0x4f: {  	_ =	shalt  }
0x50: {  	_ =	shalt  }
0x51: {  	_ =	shalt  }
0x52: {  	_ =	shalt  }
0x53: {  	_ =	shalt  }
0x54: {  	_ =	shalt  }
0x55: {  	_ =	shalt  }
0x56: {  	_ =	shalt  }
0x57: {  	_ =	shalt  }
0x58: {  	_ =	shalt  }
0x59: {  	_ =	shalt  }
0x5a: {  	_ =	shalt  }
0x5b: {  	_ =	shalt  }
0x5c: {  	_ =	shalt  }
0x5d: {  	_ =	shalt  }
0x5e: {  	_ =	shalt  }
0x5f: {  	_ =	shalt  }
0x60: {  	_ =	shalt  }
0x61: {  	_ =	shalt  }
0x62: {  	_ =	shalt  }
0x63: {  	_ =	shalt  }
0x64: {  	_ =	shalt  }
0x65: {  	_ =	shalt  }
0x66: {  	_ =	shalt  }
0x67: {  	_ =	shalt  }
0x68: {  	_ =	shalt  }
0x69: {  	_ =	shalt  }
0x6a: {  	_ =	shalt  }
0x6b: {  	_ =	shalt  }
0x6c: {  	_ =	shalt  }
0x6d: {  	_ =	shalt  }
0x6e: {  	_ =	shalt  }
0x6f: {  	_ =	shalt  }
0x70: {  	_ =	shalt  }
0x71: {  	_ =	shalt  }
0x72: {  	_ =	shalt  }
0x73: {  	_ =	shalt  }
0x74: {  	_ =	shalt  }
0x75: {  	_ =	shalt  }
0x76: {  	_ =	shalt  }
0x77: {  	_ =	shalt  }
0x78: {  	_ =	shalt  }
0x79: {  	_ =	shalt  }
0x7a: {  	_ =	shalt  }
0x7b: {  	_ =	shalt  }
0x7c: {  	_ =	shalt  }
0x7d: {  	_ =	shalt  }
0x7e: {  	_ =	shalt  }
0x7f: {  	_ =	shalt  }
0x80: {  	_ =	shalt  }
0x81: {  	_ =	shalt  }
0x82: {  	_ =	shalt  }
0x83: {  	_ =	shalt  }
0x84: {  	_ =	shalt  }
0x85: {  	_ =	shalt  }
0x86: {  	_ =	shalt  }
0x87: {  	_ =	shalt  }
.Lfunc_end0:
.L_simem_size_0:
called_computation.3_lowered:
.L_overlay_start_0:
0x88: {  	s2 =	sld [smem:$0x3FD9]  }
0x89: {  	s3 =	sld [smem:$0x3FFE];
	_ =	sdelay $0x1  }
0x8a: {  	s1 =	srdreg.scid  }
0x8b: {  	s0 =	sand.u32 $0x1, s1  }
0x8c: {  	s16 =	sshll.u32 s0, $0xA;
	s2 =	sadd.s32 s3, s2  }
0x8d: {  	s2 =	sadd.s32 s2, s16  }
0x8e: {  	[smem:$0x3FBD] =	sst s2  }
0x8f: {  	_ = 	snop  }
0x90: {  	(tm) =	ssettm $0x1  }
0x91: {  	s17 =	sld [smem:$0x3FFB];
	_ =	sdelay $0x3  }
0x92: {  	_ =	strace s17  }
0x93: {  	s2 =	sld [smem:$0x3FFC];
	_ =	sdelay $0x3  }
0x94: {  	_ =	strace s2  }
0x95: {  	s2 =	sld [smem:$0x3FFD];
	_ =	sdelay $0x3  }
0x96: {  	_ =	strace s2  }
0x97: {  	_ =	strace $0x8FFFFFFF  }
0x98: {  	s18 =	sld [smem:$0x3FDB];
	_ =	sdelay $0x1  }
0x99: {  	s19 =	simm.s32 $_scs_section_size  }
0x9a: {  	s4 =	simm.s32 $_size__tile_overlayer_lowered;
	s5 =	simm.s32 $_tile_overlayer_lowered  }
0x9b: {  	s22 =	simm.s32 $0x1BFF;
	s21 =	sshll.u32 s5, $0x1;
	s2 =	sadd.s32 s19, s18  }
0x9c: {  	s6 =	simm.s32 $0x0;
	s20 =	sshll.u32 s4, $0x1;
	s4 =	sadd.s32 s21, s2  }
0x9d: {  	[timem:s6], [sflag:s22] =	dma.local [hbm:s4], s20  }
0x9e: {  	_ =	swait.ge [sflag:s22], s20  }
0x9f: {  	s3 =	ssub.s32 $0x0, s20;
	[sflag:s22] =	ssyncset.done $0x0  }
0xa0: {  	[sflag:s22] =	ssyncadd.s32 s3;
	_ =	sdelay $0x1  }
0xa1: {  	s23 =	simm.s32 $0x1B8B  }
0xa2: {  	_ =	swait.ge [sflag:s23], $0x1  }
0xa3: {  	[sflag:s23] =	ssyncset.done $0x0  }
0xa4: {  	s25 =	simm.s32 $0x1B8E;
	s24 =	sld [smem:$0x3FFE];
	[sflag:s23] =	ssyncadd.s32 $0xFFFFFFFF  }
0xa5: {  	s26 =	simm.s32 $execute0_lowered;
	[smem:$0x3FD2] =	sst s25  }
0xa6: {  	s4 =	sshll.u32 s26, $0x1;
	_ =	strace $0x8000004F;
	[dreg:$0x1] =	wrdreg $0xFFFFFFFF  }
0xa7: {  	s28 =	simm.s32 $_size_execute0_lowered;
	s2 =	sadd.s32 s2, s4;
	[dreg:$0x0] =	wrdreg $0x0  }
0xa8: {  	s4 =	sshll.u32 s28, $0x1;
	[dreg:$0x2] =	wrdreg s2  }
0xa9: {  	[dreg:$0x3] =	wrdreg s4  }
0xaa: {  	[dreg:$0x4] =	wrdreg $0xC0  }
0xab: {  	_ =	task [dreg:s6], $0x5FFFF  }
0xac: {  	[dreg:$0x1] =	wrdreg $0xFFFFFFFF  }
0xad: {  	[dreg:$0x0] =	wrdreg $0x60  }
0xae: {  	[dreg:$0x2] =	wrdreg s24  }
0xaf: {  	[dreg:$0x3] =	wrdreg $0x42000  }
0xb0: {  	[dreg:$0x4] =	wrdreg $0x9  }
0xb1: {  	_ =	task.clear_ibuf [dreg:s6], $0x5FFFF;
	_ =	strace $0x9000004F  }
0xb2: {  	s29 =	simm.s32 $0x9;
	_ =	strace $0x80000051  }
0xb3: {  	_ =	swait.ge [sflag:s29], $0x1  }
0xb4: {  	[sflag:s29] =	ssyncadd.s32 $0xFFFFFFFF  }
0xb5: {  	_ =	strace $0x90000051  }
0xb6: {  	_ =	sfence  }
0xb7: {  	s30 =	sld [smem:$0x0];
	_ =	sdelay $0x2  }
0xb8: {  	s31 =	sshll.u32 s1, $0xD;
	s1 =	sshrl.u32 s1, $0x2  }
0xb9: {  	s3 =	sand.u32 $0x4000, s31;
	s1 =	sadd.s32 s1, s30  }
0xba: {  	s0 =	sor.u32 s3, s0;
	s1 =	sshll.u32 s1, $0x11  }
0xbb: {  	s0 =	sor.u32 s1, s0  }
0xbc: {  	s0 =	sadd.s32 $0x8F2B, s0  }
0xbd: {  	[sflag:s0] =	ssyncadd.remote.s32 $0x1  }
0xbe: {  	_ =	sfence.sel $0xFFFF  }
0xbf: {  	[dreg:$0x0] =	wrdreg $0xFFFFFFFF;
	(pc) =	sbr.abs _section_cstart, $3  }
0xc0: {  	[dreg:$0x1] =	wrdreg $0xFFFFFFFF  }
0xc1: {  	_ =	task.clear_ibuf [dreg:s6], $0x2FFFF;
	_ =	strace $0x9FFFFFFF  }
0xc2: {  	(tm) =	ssettm $0x7FFFFFFF  }
0xc3: {  	_ =	shalt  }
tec
execute0_lowered:
.L_overlay_start_1:
0x0: {  	(tag) =	ssettag $0x1  }
0x1: {  	s1 =	srdreg.scid;
	s0 =	stileid.u32  }
0x2: {  	s15 =	rddreg [dreg:$0x0];
	s16 =	sand.u32 $0x1, s1;
	s4 =	sshll.u32 s0, $0x1  }
0x3: {  	s2 =	rddreg [dreg:$0x1];
	s11 =	sor.u32 s16, s4  }
0x4: {  	s3 =	simm.s32 $0x0;
	s1 =	rddreg [dreg:$0x2];
	s4 =	sshll.u32 s11, $0x6  }
0x5: {  	s5 =	simm.s32 $0x1;
	[smem:$0x7FF] =	sst s3;
	s4 =	sadd.s32 s4, s15  }
0x6: {  	s7 =	smul.u32 $0x3000, s0;
	_ =	strace $0x80000050;
	s4 =	sadd.s32 $0xBA00, s4  }
0x7: {  	[tilespmem:s3], [sflag:$0x1] =	stream.linear.gather [hbm4b:s4+s3], $0x180, $0x38;
	[tilespmem:$0x4E00] =	vst v63  }
0x8: {  	s6 =	sadd.s32 $0xC200, s15;
	s7 =	sshrl.u32 s7, $0x2;
	_ =	swait.ge [sflag:s5], $0x180  }
0x9: {  	s30 =	sshll.u32 s0, $0x6;
	s8 =	sadd.s32 s7, s2;
	[sflag:s5] =	ssyncset.done $0x0  }
0xa: {  	s7 =	sor.u32 $0x1C01, s30;
	s8 =	sshrl.u32 s8, $0x3;
	[sflag:s5] =	ssyncadd.s32 $0xFFFFFE80  }
0xb: {  	[spmem:s8], [sflag:s7] =	dma.local [hbm:s6], $0x180  }
0xc: {  	_ =	swait.ge [sflag:s5], $0x180  }
0xd: {  	s9 =	smul.u32 $0x1800, s11;
	[sflag:s5] =	ssyncset.done $0x0  }
0xe: {  	s12 =	sadd.s32 $0x96C00, s15;
	[sflag:s5] =	ssyncadd.s32 $0xFFFFFE80  }
0xf: {  	s10 =	simm.s32 $0x200;
	s9 =	sadd.s32 s12, s9;
	[bflag:$0x0] =	sbarrier.arrive $0xFFFF  }
0x10: {  	[tilespmem:s10], [sflag:$0x1] =	stream.linear.gather [hbm4b:s9+s3], $0x4000, $0x38;
	[tilespmem:$0x4E00] =	vst v63  }
0x11: {  	_ =	swait.ge [sflag:s5], $0x4000  }
0x12: {  	[sflag:s5] =	ssyncset.done $0x0  }
0x13: {  	s13 =	smul.u32 $0xC000, s11;
	s11 =	simm.s32 $0x80;
	[sflag:s5] =	ssyncadd.s32 $0xFFFFC000  }
0x14: {  	[spmem:s2] =	stream.indirect.scatter.add.f32 [tilespmem:s10], [sflag:$0x1], $0x80, s3, s11, $0xb8;
	[tilespmem:$0x4E00] =	vst v63  }
0x15: {  	s13 =	sshrl.u32 s13, $0x3;
	_ =	swait.ge [sflag:s5], $0x4000  }
0x16: {  	s13 =	sadd.s32 s12, s13;
	[sflag:s5] =	ssyncset.done $0x0  }
0x17: {  	s12 =	sadd.s32 $0x800, s13;
	[sflag:s5] =	ssyncadd.s32 $0xFFFFC000  }
0x18: {  	[tilespmem:s10], [sflag:$0x1] =	stream.linear.gather [hbm4b:s12+s3], $0x4000, $0x38;
	[tilespmem:$0x4E00] =	vst v63  }
0x19: {  	_ =	swait.ge [sflag:s5], $0x4000  }
0x1a: {  	[sflag:s5] =	ssyncset.done $0x0  }
0x1b: {  	[sflag:s5] =	ssyncadd.s32 $0xFFFFC000  }
0x1c: {  	[spmem:s2] =	stream.indirect.scatter.add.f32 [tilespmem:s10], [sflag:$0x1], $0x80, s11, s11, $0xb8;
	[tilespmem:$0x4E00] =	vst v63  }
0x1d: {  	_ =	swait.ge [sflag:s5], $0x4000  }
0x1e: {  	[sflag:s5] =	ssyncset.done $0x0  }
0x1f: {  	s13 =	sadd.s32 $0x1000, s13;
	[sflag:s5] =	ssyncadd.s32 $0xFFFFC000  }
0x20: {  	[tilespmem:s10], [sflag:$0x1] =	stream.linear.gather [hbm4b:s13+s3], $0x4000, $0x38;
	[tilespmem:$0x4E00] =	vst v63  }
0x21: {  	s17 =	smul.u32 $0xC000, s16;
	s16 =	ssub.s32 $0x2, s16;
	_ =	swait.ge [sflag:s5], $0x4000  }
0x22: {  	s14 =	simm.s32 $0x100;
	s31 =	sshrl.u32 s16, $0x1;
	[sflag:s5] =	ssyncset.done $0x0  }
0x23: {  	s18 =	smul.u32 $0xC00, s0;
	s16 =	ssub.s32 s16, s31;
	[sflag:s5] =	ssyncadd.s32 $0xFFFFC000  }
0x24: {  	[spmem:s2] =	stream.indirect.scatter.add.f32 [tilespmem:s10], [sflag:$0x1], $0x80, s14, s11, $0xb8;
	[tilespmem:$0x4E00] =	vst v63  }
0x25: {  	s17 =	sadd.s32 s18, s17;
	s16 =	smax.u32 s16, $0x1;
	_ =	swait.ge [sflag:s5], $0x4000  }
0x26: {  	s17 =	sshrl.u32 s17, $0x3;
	p0 =	sne.s32 s16, $0x1;
	[sflag:s5] =	ssyncset.done $0x0  }
.Ltmp0:
0x27: {  	s15 =	sadd.s32 s17, s15;
	[sflag:s5] =	ssyncadd.s32 $0xFFFFC000;
	(pc) =	sbr.rel @!p0 .LBB2_2-.Ltmp0, $4  }
0x28: {  	s15 =	sadd.s32 $0x1A00, s15;
	[bflag:$0x0] =	sbarrier.arrive $0xFFFF  }
0x29: {  	[hbm:s15], [sflag:s7] =	dma.local [spmem:s8], $0x180  }
0x2a: {  	_ =	swait.ge [sflag:s5], $0x180  }
0x2b: {  	s16 =	sadd.s32 $0xFFFFFFFF, s16;
	[sflag:s5] =	ssyncset.done $0x0  }
.LBB2_1:
0x2c: {  	p0 =	sne.s32 s16, $0x1;
	s16 =	sadd.s32 $0xFFFFFFFF, s16;
	[sflag:s5] =	ssyncadd.s32 $0xFFFFFE80  }
0x2d: {  	[tilespmem:s3], [sflag:$0x1] =	stream.linear.gather [hbm4b:s4+s3], $0x180, $0x38;
	[tilespmem:$0x4E00] =	vst v63  }
0x2e: {  	_ =	swait.ge [sflag:s5], $0x180  }
0x2f: {  	[sflag:s5] =	ssyncset.done $0x0  }
0x30: {  	[sflag:s5] =	ssyncadd.s32 $0xFFFFFE80  }
0x31: {  	[spmem:s8], [sflag:s7] =	dma.local [hbm:s6], $0x180  }
0x32: {  	_ =	swait.ge [sflag:s5], $0x180  }
0x33: {  	[sflag:s5] =	ssyncset.done $0x0  }
0x34: {  	[sflag:s5] =	ssyncadd.s32 $0xFFFFFE80  }
0x35: {  	[bflag:$0x0] =	sbarrier.arrive $0xFFFF  }
0x36: {  	[tilespmem:s10], [sflag:$0x1] =	stream.linear.gather [hbm4b:s9+s3], $0x4000, $0x38;
	[tilespmem:$0x4E00] =	vst v63  }
0x37: {  	_ =	swait.ge [sflag:s5], $0x4000  }
0x38: {  	[sflag:s5] =	ssyncset.done $0x0  }
0x39: {  	[sflag:s5] =	ssyncadd.s32 $0xFFFFC000  }
0x3a: {  	[spmem:s2] =	stream.indirect.scatter.add.f32 [tilespmem:s10], [sflag:$0x1], $0x80, s3, s11, $0xb8;
	[tilespmem:$0x4E00] =	vst v63  }
0x3b: {  	_ =	swait.ge [sflag:s5], $0x4000  }
0x3c: {  	[sflag:s5] =	ssyncset.done $0x0  }
0x3d: {  	[sflag:s5] =	ssyncadd.s32 $0xFFFFC000  }
0x3e: {  	[tilespmem:s10], [sflag:$0x1] =	stream.linear.gather [hbm4b:s12+s3], $0x4000, $0x38;
	[tilespmem:$0x4E00] =	vst v63  }
0x3f: {  	_ =	swait.ge [sflag:s5], $0x4000  }
0x40: {  	[sflag:s5] =	ssyncset.done $0x0  }
0x41: {  	[sflag:s5] =	ssyncadd.s32 $0xFFFFC000  }
0x42: {  	[spmem:s2] =	stream.indirect.scatter.add.f32 [tilespmem:s10], [sflag:$0x1], $0x80, s11, s11, $0xb8;
	[tilespmem:$0x4E00] =	vst v63  }
0x43: {  	_ =	swait.ge [sflag:s5], $0x4000  }
0x44: {  	[sflag:s5] =	ssyncset.done $0x0  }
0x45: {  	[sflag:s5] =	ssyncadd.s32 $0xFFFFC000  }
0x46: {  	[tilespmem:s10], [sflag:$0x1] =	stream.linear.gather [hbm4b:s13+s3], $0x4000, $0x38;
	[tilespmem:$0x4E00] =	vst v63  }
0x47: {  	_ =	swait.ge [sflag:s5], $0x4000  }
0x48: {  	[sflag:s5] =	ssyncset.done $0x0  }
0x49: {  	[sflag:s5] =	ssyncadd.s32 $0xFFFFC000  }
0x4a: {  	[spmem:s2] =	stream.indirect.scatter.add.f32 [tilespmem:s10], [sflag:$0x1], $0x80, s14, s11, $0xb8;
	[tilespmem:$0x4E00] =	vst v63  }
0x4b: {  	_ =	swait.ge [sflag:s5], $0x4000  }
0x4c: {  	[sflag:s5] =	ssyncset.done $0x0  }
.Ltmp1:
0x4d: {  	[sflag:s5] =	ssyncadd.s32 $0xFFFFC000;
	(pc) =	sbr.rel @p0 .LBB2_1-.Ltmp1, $4  }
0x4e: {  	[bflag:$0x0] =	sbarrier.arrive $0xFFFF  }
0x4f: {  	[hbm:s15], [sflag:s7] =	dma.local [spmem:s8], $0x180  }
0x50: {  	_ =	swait.ge [sflag:s5], $0x180  }
0x51: {  	[sflag:s5] =	ssyncset.done $0x0  }
.LBB2_2:
0x52: {  	[sflag:s5] =	ssyncadd.s32 $0xFFFFFE80  }
0x53: {  	_ =	sfence.sel $0x180000  }
0x54: {  	[bflag:$0x0] =	sbarrier.arrive $0xFFFF  }
0x55: {  	p0 =	sne.s32 s0, $0x0;
	_ =	strace $0x90000050  }
0x56: {  	s0 =	sadd.s32 @!p0 $0x100000, s1;
	[bflag:$0x2] =	sbarrier.arrive $0xFFFF  }
0x57: {  	[sflag:s0] =	ssyncadd.tile.s32 @!p0 $0x1;
	_ =	shalt  }
.Lfunc_end2:
_tile_overlayer_lowered:
.L_overlay_start_2:
0x58: {  	(tag) =	ssettag $0x2  }
0x59: {  	s0 =	rddreg [dreg:$0x0];
	s2 =	stileid.u32  }
0x5a: {  	s1 =	rddreg [dreg:$0x1];
	p0 =	sne.s32 s2, $0x0  }
0x5b: {  	s3 =	rddreg [dreg:$0x2];
	[bflag:$0x3] =	sbarrier.arrive $0xFFFF;
	s2 =	simm.s32 @!p0 $0x1C01  }
0x5c: {  	[timem:s3], [sflag:s2] =	dma.local @!p0 [hbm:s0], s1  }
0x5d: {  	s0 =	simm.s32 @!p0 $0x1  }
0x5e: {  	_ =	swait.ge @!p0 [sflag:s0], s1  }
0x5f: {  	s1 =	ssub.s32 @!p0 $0x0, s1;
	[sflag:s0] =	ssyncset.done @!p0 $0x0  }
0x60: {  	[sflag:s0] =	ssyncadd.s32 @!p0 s1  }
0x61: {  	[bflag:$0x3] =	sbarrier.arrive $0xFFFF  }
0x62: {  	_ =	shalt  }

</sc_bundles>
